<compile_context>
chip_gen: v7x
topology: tpu7x:2x2x1
jax: 0.10.2.dev20260603
libtpu: 0.0.44.dev20260713+nightly
codegen_flags: <defaults>
</compile_context>

<pallas_src>
import functools

import jax
import jax.numpy as jnp
from jax import lax
from jax.experimental import pallas as pl
from jax.experimental.pallas import tpu as pltpu
from jax.experimental.pallas import tpu_sc as plsc

N = 10000
E = 320000
DIN = 128
G = 64

NC = 2
NS = 16
RPT = 624
RPT_LAST = N - (NS - 1) * RPT
CHUNK = 80
EPW = E // (NC * NS)
NCHUNKS = EPW // CHUNK
EPC = E // NC
DW = 16


def _mesh():
    return plsc.VectorSubcoreMesh(core_axis_name="c", subcore_axis_name="s")


def _copy_tile_rows(src_ref, dst_ref, s):
    r0 = s * RPT

    @pl.when(s < NS - 1)
    def _():
        pltpu.sync_copy(src_ref.at[pl.ds(r0, RPT)], dst_ref.at[pl.ds(r0, RPT)])

    @pl.when(s == NS - 1)
    def _():
        pltpu.sync_copy(src_ref.at[pl.ds((NS - 1) * RPT, RPT_LAST)],
                        dst_ref.at[pl.ds((NS - 1) * RPT, RPT_LAST)])


def _make_agg(F):

    NBUF = 3 if F == 128 else 4
    NGRP = NCHUNKS // NBUF
    REM = NCHUNKS - NGRP * NBUF

    @functools.partial(
        pl.kernel,
        out_type=jax.ShapeDtypeStruct((NC, N, F), jnp.float32),
        mesh=_mesh(),
        compiler_params=pltpu.CompilerParams(use_tc_tiling_on_sc=False),
        scratch_types=[
            pltpu.VMEM((NCHUNKS, CHUNK), jnp.int32),
            pltpu.VMEM((NCHUNKS, CHUNK), jnp.int32),
            [pltpu.VMEM((CHUNK, F), jnp.float32)] * NBUF,
            pltpu.VMEM_SHARED((N, F), jnp.float32),
            [pltpu.SemaphoreType.DMA] * NBUF,
            [pltpu.SemaphoreType.DMA] * NBUF,
        ],
    )
    def agg(table_hbm, src_hbm, dst_hbm, zeros_hbm, out_hbm,
            sidx_v, didx_v, rows, acc_sh, gsem, ssem):
        c = lax.axis_index("c")
        s = lax.axis_index("s")
        chunk0 = c * (EPC // CHUNK) + s * NCHUNKS
        pltpu.sync_copy(src_hbm.at[pl.ds(chunk0, NCHUNKS)], sidx_v)
        pltpu.sync_copy(dst_hbm.at[pl.ds(chunk0, NCHUNKS)], didx_v)
        _copy_tile_rows(zeros_hbm, acc_sh, s)
        plsc.subcore_barrier()

        for b in range(NBUF):
            pltpu.async_copy(table_hbm.at[sidx_v.at[b]], rows[b], gsem[b])

        def body(g, carry):
            i0 = NBUF * g
            for b in range(NBUF):
                pltpu.make_async_copy(
                    table_hbm.at[sidx_v.at[i0 + b]], rows[b], gsem[b]).wait()
                pltpu.async_copy(rows[b], acc_sh.at[didx_v.at[i0 + b]],
                                 ssem[b], add=True)
            for b in range(NBUF):
                nxt = i0 + b + NBUF

                @pl.when(nxt < NCHUNKS)
                def _():
                    pltpu.make_async_copy(
                        rows[b], acc_sh.at[didx_v.at[i0 + b]], ssem[b]).wait()
                    pltpu.async_copy(
                        table_hbm.at[sidx_v.at[nxt]], rows[b], gsem[b])
            return carry

        lax.fori_loop(0, NGRP, body, 0)
        for r in range(NGRP * NBUF, NCHUNKS):
            b = r % NBUF
            pltpu.make_async_copy(
                table_hbm.at[sidx_v.at[r]], rows[b], gsem[b]).wait()
            pltpu.async_copy(rows[b], acc_sh.at[didx_v.at[r]],
                             ssem[b], add=True)
            pltpu.make_async_copy(
                rows[b], acc_sh.at[didx_v.at[r]], ssem[b]).wait()
        for b in range(REM, NBUF):
            k = NBUF * (NGRP - 1) + b
            pltpu.make_async_copy(
                rows[b], acc_sh.at[didx_v.at[k]], ssem[b]).wait()
        plsc.subcore_barrier()
        _copy_tile_rows(acc_sh, out_hbm.at[c], s)

    return agg


@functools.cache
def _get_agg(F):
    return _make_agg(F)


_DEG_LAG = 16


def _deg_body(dst_hbm, zeros_hbm, ones_hbm, out_hbm, didx_v, ones_v, acc_sh,
              ssem):
    c = lax.axis_index("c")
    s = lax.axis_index("s")
    chunk0 = c * (EPC // CHUNK) + s * NCHUNKS
    pltpu.sync_copy(ones_hbm, ones_v)
    pltpu.sync_copy(dst_hbm.at[pl.ds(chunk0, NCHUNKS)], didx_v)
    _copy_tile_rows(zeros_hbm, acc_sh, s)
    plsc.subcore_barrier()

    def body(i, carry):
        pltpu.async_copy(ones_v, acc_sh.at[didx_v.at[i]], ssem, add=True)

        @pl.when(i >= _DEG_LAG)
        def _():
            pltpu.make_async_copy(
                ones_v, acc_sh.at[didx_v.at[i]], ssem).wait()
        return carry

    lax.fori_loop(0, NCHUNKS, body, 0)

    def drain(i, carry):
        pltpu.make_async_copy(ones_v, acc_sh.at[didx_v.at[0]], ssem).wait()
        return carry

    lax.fori_loop(0, _DEG_LAG, drain, 0)
    plsc.subcore_barrier()
    _copy_tile_rows(acc_sh, out_hbm.at[c], s)


@functools.cache
def _get_deg():
    return functools.partial(
        pl.kernel,
        out_type=jax.ShapeDtypeStruct((NC, N, DW), jnp.float32),
        mesh=_mesh(),
        compiler_params=pltpu.CompilerParams(use_tc_tiling_on_sc=False),
        scratch_types=[
            pltpu.VMEM((NCHUNKS, CHUNK), jnp.int32),
            pltpu.VMEM((CHUNK, DW), jnp.float32),
            pltpu.VMEM_SHARED((N, DW), jnp.float32),
            pltpu.SemaphoreType.DMA,
        ],
    )(_deg_body)


def _dinv_xp_body(degp_ref, x_ref, dinv_ref, xp_ref):
    dp = degp_ref[...]
    deg = dp[0, :, 0:1] + dp[1, :, 0:1] + 1.0
    dinv = lax.rsqrt(deg)
    dinv_ref[...] = dinv
    xp_ref[...] = x_ref[...] * dinv


_dinv_xp = pl.pallas_call(
    _dinv_xp_body,
    out_shape=[
        jax.ShapeDtypeStruct((N, 1), jnp.float32),
        jax.ShapeDtypeStruct((N, DIN), jnp.float32),
    ],
)


def _l1_body(s_ref, xp_ref, dinv_ref, W1_ref, b1_ref, W2_ref, out_ref):
    sp = s_ref[...]
    dinv = dinv_ref[...]
    agg = (sp[0] + sp[1] + xp_ref[...]) * dinv
    h1 = jnp.maximum(
        jnp.dot(agg, W1_ref[...], preferred_element_type=jnp.float32)
        + b1_ref[...], 0.0)
    out_ref[...] = jnp.dot(
        h1, W2_ref[...], preferred_element_type=jnp.float32) * dinv


_l1 = pl.pallas_call(
    _l1_body,
    out_shape=jax.ShapeDtypeStruct((N, 128), jnp.float32),
)


def _l2_body(s_ref, tp2_ref, dinv_ref, b2_ref, W3_ref, out_ref):
    sp = s_ref[...]
    dinv = dinv_ref[...]
    h2 = jnp.maximum((sp[0] + sp[1] + tp2_ref[...]) * dinv + b2_ref[...], 0.0)
    out_ref[...] = jnp.dot(
        h2, W3_ref[...], preferred_element_type=jnp.float32) * dinv


_l2 = pl.pallas_call(
    _l2_body,
    out_shape=jax.ShapeDtypeStruct((N, 64), jnp.float32),
)


def _l3_body(s_ref, tp3_ref, dinv_ref, b3_ref, out_ref):
    sp = s_ref[...]
    out_ref[...] = jnp.maximum(
        (sp[0] + sp[1] + tp3_ref[...]) * dinv_ref[...] + b3_ref[...], 0.0)


_l3 = pl.pallas_call(
    _l3_body,
    out_shape=jax.ShapeDtypeStruct((N, 64), jnp.float32),
)


def _final_body(h3_ref, batch_ref,
                fW1_ref, fb1_ref, fW2_ref, fb2_ref, fW3_ref, fb3_ref,
                out_ref):
    h3 = h3_ref[...]
    bid = batch_ref[...]
    neg = jnp.float32(-jnp.inf)

    NB = N // 8
    cm = h3
    for stride in (1, 2, 4):
        idsh = jnp.concatenate(
            [jnp.full((stride, 1), -1, jnp.int32), bid[:-stride]], axis=0)
        vsh = jnp.concatenate(
            [jnp.zeros((stride, 64), jnp.float32), cm[:-stride]], axis=0)
        cm = jnp.where(idsh == bid, jnp.maximum(cm, vsh), cm)
    t = cm.reshape(NB, 8, 64)[:, 7, :]
    lb = bid.reshape(NB, 8, 1)[:, 7, :]
    stride = 1
    while stride < NB:
        lbsh = jnp.concatenate(
            [jnp.full((stride, 1), -1, jnp.int32), lb[:-stride]], axis=0)
        tsh = jnp.concatenate(
            [jnp.zeros((stride, 64), jnp.float32), t[:-stride]], axis=0)
        t = jnp.where(lbsh == lb, jnp.maximum(t, tsh), t)
        stride *= 2
    scp = jnp.concatenate(
        [jnp.zeros((1, 64), jnp.float32), t[:-1]], axis=0)
    lbp = jnp.concatenate(
        [jnp.full((1, 1), -1, jnp.int32), lb[:-1]], axis=0)
    scp_r = jnp.broadcast_to(scp[:, None, :], (NB, 8, 64)).reshape(N, 64)
    lbp_r = jnp.broadcast_to(lbp[:, None, :], (NB, 8, 1)).reshape(N, 1)
    cm = jnp.where(bid == lbp_r, jnp.maximum(cm, scp_r), cm)

    nid = jnp.concatenate(
        [bid[1:], jnp.full((1, 1), -1, jnp.int32)], axis=0)
    is_last = nid != bid
    iota_g = lax.broadcasted_iota(jnp.int32, (1, G), 1)
    onehot = jnp.where((bid == iota_g) & is_last, 1.0, 0.0)
    cmz = jnp.where(is_last, cm, 0.0)
    p = lax.dot_general(onehot, cmz, (((0,), (0,)), ((), ())),
                        preferred_element_type=jnp.float32)
    cnt = lax.dot_general(onehot, jnp.ones((N, 1), jnp.float32),
                          (((0,), (0,)), ((), ())),
                          preferred_element_type=jnp.float32)
    p = jnp.where(cnt > 0.0, p, neg)
    z = jnp.maximum(
        jnp.dot(p, fW1_ref[...], preferred_element_type=jnp.float32)
        + fb1_ref[...], 0.0)
    z = jnp.maximum(
        jnp.dot(z, fW2_ref[...], preferred_element_type=jnp.float32)
        + fb2_ref[...], 0.0)
    z = jnp.dot(z, fW3_ref[...], preferred_element_type=jnp.float32) \
        + fb3_ref[...]
    zm = jnp.max(z, axis=1, keepdims=True)
    e = z - zm
    out_ref[...] = e - jnp.log(jnp.sum(jnp.exp(e), axis=1, keepdims=True))


_final = pl.pallas_call(
    _final_body,
    out_shape=jax.ShapeDtypeStruct((G, 10), jnp.float32),
)


def kernel(x, edge_index, batch,
           W1, b1, W2, b2, W3, b3,
           fW1, fb1, fW2, fb2, fW3, fb3):
    src = edge_index[0]
    dst = edge_index[1]
    dst2d = dst.reshape(E // CHUNK, CHUNK)
    src2d = lax.optimization_barrier(src).reshape(E // CHUNK, CHUNK)
    zeros128 = jnp.zeros((N, 128), jnp.float32)
    zeros64 = jnp.zeros((N, 64), jnp.float32)
    zeros16 = jnp.zeros((N, DW), jnp.float32)
    ones16 = jnp.ones((CHUNK, DW), jnp.float32)

    degp = _get_deg()(dst2d, zeros16, ones16)
    dinv, xp = _dinv_xp(degp, x.astype(jnp.float32))

    s1 = _get_agg(128)(xp, src2d, dst2d, zeros128)
    tp2 = _l1(s1, xp, dinv, W1, b1.reshape(1, -1), W2)

    s2 = _get_agg(128)(tp2, src2d, dst2d, zeros128)
    tp3 = _l2(s2, tp2, dinv, b2.reshape(1, -1), W3)

    s3 = _get_agg(64)(tp3, src2d, dst2d, zeros64)
    h3 = _l3(s3, tp3, dinv, b3.reshape(1, -1))
    out = _final(h3, batch.reshape(-1, 1),
                 fW1, fb1.reshape(1, -1), fW2, fb2.reshape(1, -1),
                 fW3, fb3.reshape(1, -1))
    return out

# --- scband reference (transcript-rebuilt; emitter-appended) ---
"""Pipeline reference for scband-chrono-classifier-10359461118176 (READ-ONLY COPY).

The authoritative reference and input builder live on the scoring server;
editing this copy changes nothing except your own understanding.
"""

import jax, jax.numpy as jnp
import numpy as np

N = 10000
E = 320000
DIN = 128
H = 256
C = 10
G = 64


def setup_inputs(seed: int = 0) -> dict:
    key = jax.random.key(seed)
    ks = jax.random.split(key, 20)
    x = jax.random.normal(ks[0], (N, DIN), dtype=jnp.float32)
    edge_index = jax.random.randint(ks[1], (2, E), 0, N, dtype=jnp.int32)
    batch = jnp.sort(jax.random.randint(ks[2], (N,), 0, G, dtype=jnp.int32))

    def lin(k, fan_in, fan_out):
        s = 1.0 / np.sqrt(fan_in)
        return jax.random.uniform(k, (fan_in, fan_out), jnp.float32, -s, s)

    def bias(k, fan_in, fan_out):
        s = 1.0 / np.sqrt(fan_in)
        return jax.random.uniform(k, (fan_out,), jnp.float32, -s, s)

    return {
        "x": x,
        "edge_index": edge_index,
        "batch": batch,
        "W1": lin(ks[3], DIN, H), "b1": bias(ks[4], DIN, H),
        "W2": lin(ks[5], H, H // 2), "b2": bias(ks[6], H, H // 2),
        "W3": lin(ks[7], H // 2, H // 4), "b3": bias(ks[8], H // 2, H // 4),
        "fW1": lin(ks[9], H // 4, H), "fb1": bias(ks[10], H // 4, H),
        "fW2": lin(ks[11], H, H // 2), "fb2": bias(ks[12], H, H // 2),
        "fW3": lin(ks[13], H // 2, C), "fb3": bias(ks[14], H // 2, C),
    }


def _gcn_conv(x, edge_index, W, b):
    # GCNConv: add self-loops, symmetric normalization, scatter-add aggregation
    loop = jnp.arange(N, dtype=edge_index.dtype)
    src = jnp.concatenate([edge_index[0], loop])
    dst = jnp.concatenate([edge_index[1], loop])
    h = x @ W
    deg = jnp.zeros((N,), jnp.float32).at[dst].add(1.0)
    dinv = jnp.where(deg > 0, jax.lax.rsqrt(jnp.maximum(deg, 1e-12)), 0.0)
    norm = dinv[src] * dinv[dst]
    msg = h[src] * norm[:, None]
    out = jnp.zeros((N, W.shape[1]), jnp.float32).at[dst].add(msg)
    return out + b


def reference(x, edge_index, batch, W1, b1, W2, b2, W3, b3, fW1, fb1, fW2, fb2, fW3, fb3):
    x = x.astype(jnp.float32)
    h = jax.nn.relu(_gcn_conv(x, edge_index, W1, b1))
    h = jax.nn.relu(_gcn_conv(h, edge_index, W2, b2))
    h = jax.nn.relu(_gcn_conv(h, edge_index, W3, b3))
    # global_max_pool over graph ids
    p = jax.ops.segment_max(h, batch, num_segments=G)
    z = jax.nn.relu(p @ fW1 + fb1)
    z = jax.nn.relu(z @ fW2 + fb2)
    z = z @ fW3 + fb3
    return jax.nn.log_softmax(z, axis=-1)

if __name__ == "__main__":
    import jax
    _d = setup_inputs()
    print(jax.jit(kernel)(*tuple(_d.values())))

</pallas_src>

<mosaic_0001>
#map = affine_map<(d0, d1) -> (0, 0)>
#map1 = affine_map<(d0, d1) -> (0, 0, 0)>
module attributes {stable_mosaic.version = 14 : i64} {
  func.func @_deg_body(%arg0: i32, %arg1: i32, %arg2: memref<4000x80xi32, #tpu.memory_space<hbm>>, %arg3: memref<10000x16xf32, #tpu.memory_space<hbm>>, %arg4: memref<80x16xf32, #tpu.memory_space<hbm>>, %arg5: memref<2x10000x16xf32, #tpu.memory_space<hbm>>, %arg6: memref<125x80xi32, #tpu.memory_space<vmem>>, %arg7: memref<80x16xf32, #tpu.memory_space<vmem>>, %arg8: memref<10000x16xf32, #tpu.memory_space<vmem_shared>>, %arg9: memref<!tpu.dma_semaphore, #tpu.memory_space<semaphore_mem>>) attributes {dimension_semantics = [#tpu.dimension_semantics<core_parallel>, #tpu.dimension_semantics<subcore_parallel>], iteration_bounds = array<i64: 2, 16>, scalar_prefetch = 0 : i64, scratch_operands = 4 : i64, tpu.core_type = #tpu.core_type<sc_vector_subcore>, window_params = [{transform_indices = #map}, {transform_indices = #map}, {transform_indices = #map}, {transform_indices = #map1}]} {
    %mul3A = arith.constant 2000 : i32
    %mul3A_0 = arith.muli %arg0, %mul3A : i32
    %mul3A_1 = arith.constant 125 : i32
    %mul3A_2 = arith.muli %arg1, %mul3A_1 : i32
    %add3A = arith.addi %mul3A_0, %mul3A_2 : i32
    "tpu.region"() ({
      %run_scoped3A = tpu.sem_alloc : memref<!tpu.dma_semaphore, #tpu.memory_space<semaphore_mem>>
      tpu.enqueue_dma source(%arg4 : memref<80x16xf32, #tpu.memory_space<hbm>>) target(%arg7 : memref<80x16xf32, #tpu.memory_space<vmem>>) target_semaphore(%run_scoped3A : memref<!tpu.dma_semaphore, #tpu.memory_space<semaphore_mem>>)
      tpu.wait_dma2 semaphore(%run_scoped3A : memref<!tpu.dma_semaphore, #tpu.memory_space<semaphore_mem>>) src(%arg4 : memref<80x16xf32, #tpu.memory_space<hbm>>) dst(%arg7 : memref<80x16xf32, #tpu.memory_space<vmem>>)
      tpu.yield
    }) : () -> ()
    "tpu.region"() ({
      %run_scoped3A = tpu.sem_alloc : memref<!tpu.dma_semaphore, #tpu.memory_space<semaphore_mem>>
      %dma_start3A = arith.constant 0 : i32
      %dma_start3A_35 = tpu.memref_slice %arg2[%add3A, %dma_start3A] : memref<4000x80xi32, #tpu.memory_space<hbm>> -> memref<125x80xi32, #tpu.memory_space<hbm>>
      %dma_start3A_36 = arith.constant 0 : i32
      %dma_start3A_37 = tpu.memref_slice %arg2[%add3A, %dma_start3A_36] : memref<4000x80xi32, #tpu.memory_space<hbm>> -> memref<125x80xi32, #tpu.memory_space<hbm>>
      tpu.enqueue_dma source(%dma_start3A_37 : memref<125x80xi32, #tpu.memory_space<hbm>>) target(%arg6 : memref<125x80xi32, #tpu.memory_space<vmem>>) target_semaphore(%run_scoped3A : memref<!tpu.dma_semaphore, #tpu.memory_space<semaphore_mem>>)
      %dma_wait3A = arith.constant 0 : i32
      %dma_wait3A_38 = tpu.memref_slice %arg2[%add3A, %dma_wait3A] : memref<4000x80xi32, #tpu.memory_space<hbm>> -> memref<125x80xi32, #tpu.memory_space<hbm>>
      %dma_wait3A_39 = arith.constant 0 : i32
      %dma_wait3A_40 = tpu.memref_slice %arg2[%add3A, %dma_wait3A_39] : memref<4000x80xi32, #tpu.memory_space<hbm>> -> memref<125x80xi32, #tpu.memory_space<hbm>>
      tpu.wait_dma2 semaphore(%run_scoped3A : memref<!tpu.dma_semaphore, #tpu.memory_space<semaphore_mem>>) src(%dma_wait3A_40 : memref<125x80xi32, #tpu.memory_space<hbm>>) dst(%arg6 : memref<125x80xi32, #tpu.memory_space<vmem>>)
      tpu.yield
    }) : () -> ()
    %mul3A_3 = arith.constant 624 : i32
    %mul3A_4 = arith.muli %arg1, %mul3A_3 : i32
    %lt3A = arith.constant 15 : i32
    %lt3A_5 = arith.cmpi slt, %arg1, %lt3A : i32
    %convert_element_type3A = arith.extui %lt3A_5 : i1 to i32
    %cond3A = arith.constant 0 : i32
    %cond3A_6 = arith.cmpi ne, %convert_element_type3A, %cond3A : i32
    scf.if %cond3A_6 {
      "tpu.region"() ({
        %run_scoped3A = tpu.sem_alloc : memref<!tpu.dma_semaphore, #tpu.memory_space<semaphore_mem>>
        %dma_start3A = arith.constant 0 : i32
        %dma_start3A_35 = tpu.memref_slice %arg8[%mul3A_4, %dma_start3A] : memref<10000x16xf32, #tpu.memory_space<vmem_shared>> -> memref<624x16xf32, #tpu.memory_space<vmem_shared>>
        %dma_start3A_36 = arith.constant 0 : i32
        %dma_start3A_37 = tpu.memref_slice %arg3[%mul3A_4, %dma_start3A_36] : memref<10000x16xf32, #tpu.memory_space<hbm>> -> memref<624x16xf32, #tpu.memory_space<hbm>>
        tpu.enqueue_dma source(%dma_start3A_37 : memref<624x16xf32, #tpu.memory_space<hbm>>) target(%dma_start3A_35 : memref<624x16xf32, #tpu.memory_space<vmem_shared>>) target_semaphore(%run_scoped3A : memref<!tpu.dma_semaphore, #tpu.memory_space<semaphore_mem>>)
        %dma_wait3A = arith.constant 0 : i32
        %dma_wait3A_38 = tpu.memref_slice %arg8[%mul3A_4, %dma_wait3A] : memref<10000x16xf32, #tpu.memory_space<vmem_shared>> -> memref<624x16xf32, #tpu.memory_space<vmem_shared>>
        %dma_wait3A_39 = arith.constant 0 : i32
        %dma_wait3A_40 = tpu.memref_slice %arg3[%mul3A_4, %dma_wait3A_39] : memref<10000x16xf32, #tpu.memory_space<hbm>> -> memref<624x16xf32, #tpu.memory_space<hbm>>
        tpu.wait_dma2 semaphore(%run_scoped3A : memref<!tpu.dma_semaphore, #tpu.memory_space<semaphore_mem>>) src(%dma_wait3A_40 : memref<624x16xf32, #tpu.memory_space<hbm>>) dst(%dma_wait3A_38 : memref<624x16xf32, #tpu.memory_space<vmem_shared>>)
        tpu.yield
      }) : () -> ()
    } else {
    }
    %eq3A = arith.constant 15 : i32
    %eq3A_7 = arith.cmpi eq, %arg1, %eq3A : i32
    %convert_element_type3A_8 = arith.extui %eq3A_7 : i1 to i32
    %cond3A_9 = arith.constant 0 : i32
    %cond3A_10 = arith.cmpi ne, %convert_element_type3A_8, %cond3A_9 : i32
    scf.if %cond3A_10 {
      "tpu.region"() ({
        %run_scoped3A = tpu.sem_alloc : memref<!tpu.dma_semaphore, #tpu.memory_space<semaphore_mem>>
        %dma_start3A = arith.constant 9360 : i32
        %dma_start3A_35 = arith.constant 0 : i32
        %dma_start3A_36 = tpu.memref_slice %arg8[%dma_start3A, %dma_start3A_35] : memref<10000x16xf32, #tpu.memory_space<vmem_shared>> -> memref<640x16xf32, #tpu.memory_space<vmem_shared>>
        %dma_start3A_37 = arith.constant 9360 : i32
        %dma_start3A_38 = arith.constant 0 : i32
        %dma_start3A_39 = tpu.memref_slice %arg3[%dma_start3A_37, %dma_start3A_38] : memref<10000x16xf32, #tpu.memory_space<hbm>> -> memref<640x16xf32, #tpu.memory_space<hbm>>
        tpu.enqueue_dma source(%dma_start3A_39 : memref<640x16xf32, #tpu.memory_space<hbm>>) target(%dma_start3A_36 : memref<640x16xf32, #tpu.memory_space<vmem_shared>>) target_semaphore(%run_scoped3A : memref<!tpu.dma_semaphore, #tpu.memory_space<semaphore_mem>>)
        %dma_wait3A = arith.constant 9360 : i32
        %dma_wait3A_40 = arith.constant 0 : i32
        %dma_wait3A_41 = tpu.memref_slice %arg8[%dma_wait3A, %dma_wait3A_40] : memref<10000x16xf32, #tpu.memory_space<vmem_shared>> -> memref<640x16xf32, #tpu.memory_space<vmem_shared>>
        %dma_wait3A_42 = arith.constant 9360 : i32
        %dma_wait3A_43 = arith.constant 0 : i32
        %dma_wait3A_44 = tpu.memref_slice %arg3[%dma_wait3A_42, %dma_wait3A_43] : memref<10000x16xf32, #tpu.memory_space<hbm>> -> memref<640x16xf32, #tpu.memory_space<hbm>>
        tpu.wait_dma2 semaphore(%run_scoped3A : memref<!tpu.dma_semaphore, #tpu.memory_space<semaphore_mem>>) src(%dma_wait3A_44 : memref<640x16xf32, #tpu.memory_space<hbm>>) dst(%dma_wait3A_41 : memref<640x16xf32, #tpu.memory_space<vmem_shared>>)
        tpu.yield
      }) : () -> ()
    } else {
    }
    %barrier3A = arith.constant 0 : index
    tpu.barrier barrier_id(%barrier3A)
    %scan3A = arith.constant 0 : i32
    %scan3A_11 = arith.constant 0 : i32
    %scan3A_12 = arith.constant 125 : i32
    %scan3A_13 = arith.addi %scan3A_11, %scan3A_12 : i32
    %scan3A_14 = arith.constant 1 : i32
    scf.for %scan3A_35 = %scan3A_11 to %scan3A_13 step %scan3A_14  : i32 {
      %dma_start3A = arith.constant 0 : i32
      %dma_start3A_36 = tpu.memref_slice %arg6[%scan3A_35, %dma_start3A] : memref<125x80xi32, #tpu.memory_space<vmem>> -> memref<1x80xi32, #tpu.memory_space<vmem>>
      %dma_start3A_37 = tpu.memref_squeeze %dma_start3A_36 : memref<1x80xi32, #tpu.memory_space<vmem>> -> memref<80xi32, #tpu.memory_space<vmem>>
      %dma_start3A_38 = arith.constant 0 : i32
      %dma_start3A_39 = arith.constant 0 : i32
      %dma_start3A_40 = tpu.memref_slice %arg8[%dma_start3A_38, %dma_start3A_39] : memref<10000x16xf32, #tpu.memory_space<vmem_shared>> -> memref<10000x16xf32, #tpu.memory_space<vmem_shared>>
      tpu.enqueue_indirect_dma source(%arg7 : memref<80x16xf32, #tpu.memory_space<vmem>>) target(%dma_start3A_40 : memref<10000x16xf32, #tpu.memory_space<vmem_shared>>) offsets(%dma_start3A_37 : memref<80xi32, #tpu.memory_space<vmem>>) semaphore(%arg9 : memref<!tpu.dma_semaphore, #tpu.memory_space<semaphore_mem>>) {add = true}
      %ge3A = arith.constant 16 : i32
      %ge3A_41 = arith.cmpi sge, %scan3A_35, %ge3A : i32
      %convert_element_type3A_42 = arith.extui %ge3A_41 : i1 to i32
      %cond3A_43 = arith.constant 0 : i32
      %cond3A_44 = arith.cmpi ne, %convert_element_type3A_42, %cond3A_43 : i32
      scf.if %cond3A_44 {
        %dma_wait3A = arith.constant 0 : i32
        %dma_wait3A_45 = tpu.memref_slice %arg6[%scan3A_35, %dma_wait3A] : memref<125x80xi32, #tpu.memory_space<vmem>> -> memref<1x80xi32, #tpu.memory_space<vmem>>
        %dma_wait3A_46 = tpu.memref_squeeze %dma_wait3A_45 : memref<1x80xi32, #tpu.memory_space<vmem>> -> memref<80xi32, #tpu.memory_space<vmem>>
        %dma_wait3A_47 = arith.constant 0 : i32
        %dma_wait3A_48 = arith.constant 0 : i32
        %dma_wait3A_49 = tpu.memref_slice %arg8[%dma_wait3A_47, %dma_wait3A_48] : memref<10000x16xf32, #tpu.memory_space<vmem_shared>> -> memref<10000x16xf32, #tpu.memory_space<vmem_shared>>
        tpu.wait_indirect_dma semaphore(%arg9 : memref<!tpu.dma_semaphore, #tpu.memory_space<semaphore_mem>>) src(%arg7 : memref<80x16xf32, #tpu.memory_space<vmem>>) dst(%dma_wait3A_49 : memref<10000x16xf32, #tpu.memory_space<vmem_shared>>)
      } else {
      }
    }
    %scan3A_15 = arith.constant 125 : i32
    %scan3A_16 = arith.constant 0 : i32
    %scan3A_17 = arith.constant 0 : i32
    %scan3A_18 = arith.constant 16 : i32
    %scan3A_19 = arith.addi %scan3A_17, %scan3A_18 : i32
    %scan3A_20 = arith.constant 1 : i32
    scf.for %scan3A_35 = %scan3A_17 to %scan3A_19 step %scan3A_20  : i32 {
      %dma_wait3A = arith.constant 0 : i32
      %dma_wait3A_36 = arith.constant 0 : i32
      %dma_wait3A_37 = tpu.memref_slice %arg6[%dma_wait3A, %dma_wait3A_36] : memref<125x80xi32, #tpu.memory_space<vmem>> -> memref<1x80xi32, #tpu.memory_space<vmem>>
      %dma_wait3A_38 = tpu.memref_squeeze %dma_wait3A_37 : memref<1x80xi32, #tpu.memory_space<vmem>> -> memref<80xi32, #tpu.memory_space<vmem>>
      %dma_wait3A_39 = arith.constant 0 : i32
      %dma_wait3A_40 = arith.constant 0 : i32
      %dma_wait3A_41 = tpu.memref_slice %arg8[%dma_wait3A_39, %dma_wait3A_40] : memref<10000x16xf32, #tpu.memory_space<vmem_shared>> -> memref<10000x16xf32, #tpu.memory_space<vmem_shared>>
      tpu.wait_indirect_dma semaphore(%arg9 : memref<!tpu.dma_semaphore, #tpu.memory_space<semaphore_mem>>) src(%arg7 : memref<80x16xf32, #tpu.memory_space<vmem>>) dst(%dma_wait3A_41 : memref<10000x16xf32, #tpu.memory_space<vmem_shared>>)
    }
    %scan3A_21 = arith.constant 16 : i32
    %barrier3A_22 = arith.constant 0 : index
    tpu.barrier barrier_id(%barrier3A_22)
    %mul3A_23 = arith.constant 624 : i32
    %mul3A_24 = arith.muli %arg1, %mul3A_23 : i32
    %lt3A_25 = arith.constant 15 : i32
    %lt3A_26 = arith.cmpi slt, %arg1, %lt3A_25 : i32
    %convert_element_type3A_27 = arith.extui %lt3A_26 : i1 to i32
    %cond3A_28 = arith.constant 0 : i32
    %cond3A_29 = arith.cmpi ne, %convert_element_type3A_27, %cond3A_28 : i32
    scf.if %cond3A_29 {
      "tpu.region"() ({
        %run_scoped3A = tpu.sem_alloc : memref<!tpu.dma_semaphore, #tpu.memory_space<semaphore_mem>>
        %dma_start3A = arith.constant 0 : i32
        %dma_start3A_35 = arith.constant 0 : i32
        %dma_start3A_36 = tpu.memref_slice %arg5[%arg0, %dma_start3A, %dma_start3A_35] : memref<2x10000x16xf32, #tpu.memory_space<hbm>> -> memref<1x10000x16xf32, #tpu.memory_space<hbm>>
        %dma_start3A_37 = tpu.memref_squeeze %dma_start3A_36 : memref<1x10000x16xf32, #tpu.memory_space<hbm>> -> memref<10000x16xf32, #tpu.memory_space<hbm>>
        %dma_start3A_38 = arith.constant 0 : i32
        %dma_start3A_39 = tpu.memref_slice %dma_start3A_37[%mul3A_24, %dma_start3A_38] : memref<10000x16xf32, #tpu.memory_space<hbm>> -> memref<624x16xf32, #tpu.memory_space<hbm>>
        %dma_start3A_40 = arith.constant 0 : i32
        %dma_start3A_41 = tpu.memref_slice %arg8[%mul3A_24, %dma_start3A_40] : memref<10000x16xf32, #tpu.memory_space<vmem_shared>> -> memref<624x16xf32, #tpu.memory_space<vmem_shared>>
        tpu.enqueue_dma source(%dma_start3A_41 : memref<624x16xf32, #tpu.memory_space<vmem_shared>>) target(%dma_start3A_39 : memref<624x16xf32, #tpu.memory_space<hbm>>) target_semaphore(%run_scoped3A : memref<!tpu.dma_semaphore, #tpu.memory_space<semaphore_mem>>)
        %dma_wait3A = arith.constant 0 : i32
        %dma_wait3A_42 = arith.constant 0 : i32
        %dma_wait3A_43 = tpu.memref_slice %arg5[%arg0, %dma_wait3A, %dma_wait3A_42] : memref<2x10000x16xf32, #tpu.memory_space<hbm>> -> memref<1x10000x16xf32, #tpu.memory_space<hbm>>
        %dma_wait3A_44 = tpu.memref_squeeze %dma_wait3A_43 : memref<1x10000x16xf32, #tpu.memory_space<hbm>> -> memref<10000x16xf32, #tpu.memory_space<hbm>>
        %dma_wait3A_45 = arith.constant 0 : i32
        %dma_wait3A_46 = tpu.memref_slice %dma_wait3A_44[%mul3A_24, %dma_wait3A_45] : memref<10000x16xf32, #tpu.memory_space<hbm>> -> memref<624x16xf32, #tpu.memory_space<hbm>>
        %dma_wait3A_47 = arith.constant 0 : i32
        %dma_wait3A_48 = tpu.memref_slice %arg8[%mul3A_24, %dma_wait3A_47] : memref<10000x16xf32, #tpu.memory_space<vmem_shared>> -> memref<624x16xf32, #tpu.memory_space<vmem_shared>>
        tpu.wait_dma2 semaphore(%run_scoped3A : memref<!tpu.dma_semaphore, #tpu.memory_space<semaphore_mem>>) src(%dma_wait3A_48 : memref<624x16xf32, #tpu.memory_space<vmem_shared>>) dst(%dma_wait3A_46 : memref<624x16xf32, #tpu.memory_space<hbm>>)
        tpu.yield
      }) : () -> ()
    } else {
    }
    %eq3A_30 = arith.constant 15 : i32
    %eq3A_31 = arith.cmpi eq, %arg1, %eq3A_30 : i32
    %convert_element_type3A_32 = arith.extui %eq3A_31 : i1 to i32
    %cond3A_33 = arith.constant 0 : i32
    %cond3A_34 = arith.cmpi ne, %convert_element_type3A_32, %cond3A_33 : i32
    scf.if %cond3A_34 {
      "tpu.region"() ({
        %run_scoped3A = tpu.sem_alloc : memref<!tpu.dma_semaphore, #tpu.memory_space<semaphore_mem>>
        %dma_start3A = arith.constant 0 : i32
        %dma_start3A_35 = arith.constant 0 : i32
        %dma_start3A_36 = tpu.memref_slice %arg5[%arg0, %dma_start3A, %dma_start3A_35] : memref<2x10000x16xf32, #tpu.memory_space<hbm>> -> memref<1x10000x16xf32, #tpu.memory_space<hbm>>
        %dma_start3A_37 = tpu.memref_squeeze %dma_start3A_36 : memref<1x10000x16xf32, #tpu.memory_space<hbm>> -> memref<10000x16xf32, #tpu.memory_space<hbm>>
        %dma_start3A_38 = arith.constant 9360 : i32
        %dma_start3A_39 = arith.constant 0 : i32
        %dma_start3A_40 = tpu.memref_slice %dma_start3A_37[%dma_start3A_38, %dma_start3A_39] : memref<10000x16xf32, #tpu.memory_space<hbm>> -> memref<640x16xf32, #tpu.memory_space<hbm>>
        %dma_start3A_41 = arith.constant 9360 : i32
        %dma_start3A_42 = arith.constant 0 : i32
        %dma_start3A_43 = tpu.memref_slice %arg8[%dma_start3A_41, %dma_start3A_42] : memref<10000x16xf32, #tpu.memory_space<vmem_shared>> -> memref<640x16xf32, #tpu.memory_space<vmem_shared>>
        tpu.enqueue_dma source(%dma_start3A_43 : memref<640x16xf32, #tpu.memory_space<vmem_shared>>) target(%dma_start3A_40 : memref<640x16xf32, #tpu.memory_space<hbm>>) target_semaphore(%run_scoped3A : memref<!tpu.dma_semaphore, #tpu.memory_space<semaphore_mem>>)
        %dma_wait3A = arith.constant 0 : i32
        %dma_wait3A_44 = arith.constant 0 : i32
        %dma_wait3A_45 = tpu.memref_slice %arg5[%arg0, %dma_wait3A, %dma_wait3A_44] : memref<2x10000x16xf32, #tpu.memory_space<hbm>> -> memref<1x10000x16xf32, #tpu.memory_space<hbm>>
        %dma_wait3A_46 = tpu.memref_squeeze %dma_wait3A_45 : memref<1x10000x16xf32, #tpu.memory_space<hbm>> -> memref<10000x16xf32, #tpu.memory_space<hbm>>
        %dma_wait3A_47 = arith.constant 9360 : i32
        %dma_wait3A_48 = arith.constant 0 : i32
        %dma_wait3A_49 = tpu.memref_slice %dma_wait3A_46[%dma_wait3A_47, %dma_wait3A_48] : memref<10000x16xf32, #tpu.memory_space<hbm>> -> memref<640x16xf32, #tpu.memory_space<hbm>>
        %dma_wait3A_50 = arith.constant 9360 : i32
        %dma_wait3A_51 = arith.constant 0 : i32
        %dma_wait3A_52 = tpu.memref_slice %arg8[%dma_wait3A_50, %dma_wait3A_51] : memref<10000x16xf32, #tpu.memory_space<vmem_shared>> -> memref<640x16xf32, #tpu.memory_space<vmem_shared>>
        tpu.wait_dma2 semaphore(%run_scoped3A : memref<!tpu.dma_semaphore, #tpu.memory_space<semaphore_mem>>) src(%dma_wait3A_52 : memref<640x16xf32, #tpu.memory_space<vmem_shared>>) dst(%dma_wait3A_49 : memref<640x16xf32, #tpu.memory_space<hbm>>)
        tpu.yield
      }) : () -> ()
    } else {
    }
    return
  }
}

#map = affine_map<(d0, d1) -> (0, 0)>
#map1 = affine_map<(d0, d1) -> (0, 0, 0)>
module attributes {stable_mosaic.version = 14 : i64} {
  func.func @agg(%arg0: i32, %arg1: i32, %arg2: memref<10000x64xf32, #tpu.memory_space<hbm>>, %arg3: memref<4000x80xi32, #tpu.memory_space<hbm>>, %arg4: memref<4000x80xi32, #tpu.memory_space<hbm>>, %arg5: memref<10000x64xf32, #tpu.memory_space<hbm>>, %arg6: memref<2x10000x64xf32, #tpu.memory_space<hbm>>, %arg7: memref<125x80xi32, #tpu.memory_space<vmem>>, %arg8: memref<125x80xi32, #tpu.memory_space<vmem>>, %arg9: memref<80x64xf32, #tpu.memory_space<vmem>>, %arg10: memref<80x64xf32, #tpu.memory_space<vmem>>, %arg11: memref<80x64xf32, #tpu.memory_space<vmem>>, %arg12: memref<80x64xf32, #tpu.memory_space<vmem>>, %arg13: memref<10000x64xf32, #tpu.memory_space<vmem_shared>>, %arg14: memref<!tpu.dma_semaphore, #tpu.memory_space<semaphore_mem>>, %arg15: memref<!tpu.dma_semaphore, #tpu.memory_space<semaphore_mem>>, %arg16: memref<!tpu.dma_semaphore, #tpu.memory_space<semaphore_mem>>, %arg17: memref<!tpu.dma_semaphore, #tpu.memory_space<semaphore_mem>>, %arg18: memref<!tpu.dma_semaphore, #tpu.memory_space<semaphore_mem>>, %arg19: memref<!tpu.dma_semaphore, #tpu.memory_space<semaphore_mem>>, %arg20: memref<!tpu.dma_semaphore, #tpu.memory_space<semaphore_mem>>, %arg21: memref<!tpu.dma_semaphore, #tpu.memory_space<semaphore_mem>>) attributes {dimension_semantics = [#tpu.dimension_semantics<core_parallel>, #tpu.dimension_semantics<subcore_parallel>], iteration_bounds = array<i64: 2, 16>, scalar_prefetch = 0 : i64, scratch_operands = 15 : i64, tpu.core_type = #tpu.core_type<sc_vector_subcore>, window_params = [{transform_indices = #map}, {transform_indices = #map}, {transform_indices = #map}, {transform_indices = #map}, {transform_indices = #map1}]} {
    %mul3A = arith.constant 2000 : i32
    %mul3A_0 = arith.muli %arg0, %mul3A : i32
    %mul3A_1 = arith.constant 125 : i32
    %mul3A_2 = arith.muli %arg1, %mul3A_1 : i32
    %add3A = arith.addi %mul3A_0, %mul3A_2 : i32
    "tpu.region"() ({
      %run_scoped3A = tpu.sem_alloc : memref<!tpu.dma_semaphore, #tpu.memory_space<semaphore_mem>>
      %dma_start3A_97 = arith.constant 0 : i32
      %dma_start3A_98 = tpu.memref_slice %arg3[%add3A, %dma_start3A_97] : memref<4000x80xi32, #tpu.memory_space<hbm>> -> memref<125x80xi32, #tpu.memory_space<hbm>>
      %dma_start3A_99 = arith.constant 0 : i32
      %dma_start3A_100 = tpu.memref_slice %arg3[%add3A, %dma_start3A_99] : memref<4000x80xi32, #tpu.memory_space<hbm>> -> memref<125x80xi32, #tpu.memory_space<hbm>>
      tpu.enqueue_dma source(%dma_start3A_100 : memref<125x80xi32, #tpu.memory_space<hbm>>) target(%arg7 : memref<125x80xi32, #tpu.memory_space<vmem>>) target_semaphore(%run_scoped3A : memref<!tpu.dma_semaphore, #tpu.memory_space<semaphore_mem>>)
      %dma_wait3A_101 = arith.constant 0 : i32
      %dma_wait3A_102 = tpu.memref_slice %arg3[%add3A, %dma_wait3A_101] : memref<4000x80xi32, #tpu.memory_space<hbm>> -> memref<125x80xi32, #tpu.memory_space<hbm>>
      %dma_wait3A_103 = arith.constant 0 : i32
      %dma_wait3A_104 = tpu.memref_slice %arg3[%add3A, %dma_wait3A_103] : memref<4000x80xi32, #tpu.memory_space<hbm>> -> memref<125x80xi32, #tpu.memory_space<hbm>>
      tpu.wait_dma2 semaphore(%run_scoped3A : memref<!tpu.dma_semaphore, #tpu.memory_space<semaphore_mem>>) src(%dma_wait3A_104 : memref<125x80xi32, #tpu.memory_space<hbm>>) dst(%arg7 : memref<125x80xi32, #tpu.memory_space<vmem>>)
      tpu.yield
    }) : () -> ()
    "tpu.region"() ({
      %run_scoped3A = tpu.sem_alloc : memref<!tpu.dma_semaphore, #tpu.memory_space<semaphore_mem>>
      %dma_start3A_97 = arith.constant 0 : i32
      %dma_start3A_98 = tpu.memref_slice %arg4[%add3A, %dma_start3A_97] : memref<4000x80xi32, #tpu.memory_space<hbm>> -> memref<125x80xi32, #tpu.memory_space<hbm>>
      %dma_start3A_99 = arith.constant 0 : i32
      %dma_start3A_100 = tpu.memref_slice %arg4[%add3A, %dma_start3A_99] : memref<4000x80xi32, #tpu.memory_space<hbm>> -> memref<125x80xi32, #tpu.memory_space<hbm>>
      tpu.enqueue_dma source(%dma_start3A_100 : memref<125x80xi32, #tpu.memory_space<hbm>>) target(%arg8 : memref<125x80xi32, #tpu.memory_space<vmem>>) target_semaphore(%run_scoped3A : memref<!tpu.dma_semaphore, #tpu.memory_space<semaphore_mem>>)
      %dma_wait3A_101 = arith.constant 0 : i32
      %dma_wait3A_102 = tpu.memref_slice %arg4[%add3A, %dma_wait3A_101] : memref<4000x80xi32, #tpu.memory_space<hbm>> -> memref<125x80xi32, #tpu.memory_space<hbm>>
      %dma_wait3A_103 = arith.constant 0 : i32
      %dma_wait3A_104 = tpu.memref_slice %arg4[%add3A, %dma_wait3A_103] : memref<4000x80xi32, #tpu.memory_space<hbm>> -> memref<125x80xi32, #tpu.memory_space<hbm>>
      tpu.wait_dma2 semaphore(%run_scoped3A : memref<!tpu.dma_semaphore, #tpu.memory_space<semaphore_mem>>) src(%dma_wait3A_104 : memref<125x80xi32, #tpu.memory_space<hbm>>) dst(%arg8 : memref<125x80xi32, #tpu.memory_space<vmem>>)
      tpu.yield
    }) : () -> ()
    %mul3A_3 = arith.constant 624 : i32
    %mul3A_4 = arith.muli %arg1, %mul3A_3 : i32
    %lt3A = arith.constant 15 : i32
    %lt3A_5 = arith.cmpi slt, %arg1, %lt3A : i32
    %convert_element_type3A = arith.extui %lt3A_5 : i1 to i32
    %cond3A = arith.constant 0 : i32
    %cond3A_6 = arith.cmpi ne, %convert_element_type3A, %cond3A : i32
    scf.if %cond3A_6 {
      "tpu.region"() ({
        %run_scoped3A = tpu.sem_alloc : memref<!tpu.dma_semaphore, #tpu.memory_space<semaphore_mem>>
        %dma_start3A_97 = arith.constant 0 : i32
        %dma_start3A_98 = tpu.memref_slice %arg13[%mul3A_4, %dma_start3A_97] : memref<10000x64xf32, #tpu.memory_space<vmem_shared>> -> memref<624x64xf32, #tpu.memory_space<vmem_shared>>
        %dma_start3A_99 = arith.constant 0 : i32
        %dma_start3A_100 = tpu.memref_slice %arg5[%mul3A_4, %dma_start3A_99] : memref<10000x64xf32, #tpu.memory_space<hbm>> -> memref<624x64xf32, #tpu.memory_space<hbm>>
        tpu.enqueue_dma source(%dma_start3A_100 : memref<624x64xf32, #tpu.memory_space<hbm>>) target(%dma_start3A_98 : memref<624x64xf32, #tpu.memory_space<vmem_shared>>) target_semaphore(%run_scoped3A : memref<!tpu.dma_semaphore, #tpu.memory_space<semaphore_mem>>)
        %dma_wait3A_101 = arith.constant 0 : i32
        %dma_wait3A_102 = tpu.memref_slice %arg13[%mul3A_4, %dma_wait3A_101] : memref<10000x64xf32, #tpu.memory_space<vmem_shared>> -> memref<624x64xf32, #tpu.memory_space<vmem_shared>>
        %dma_wait3A_103 = arith.constant 0 : i32
        %dma_wait3A_104 = tpu.memref_slice %arg5[%mul3A_4, %dma_wait3A_103] : memref<10000x64xf32, #tpu.memory_space<hbm>> -> memref<624x64xf32, #tpu.memory_space<hbm>>
        tpu.wait_dma2 semaphore(%run_scoped3A : memref<!tpu.dma_semaphore, #tpu.memory_space<semaphore_mem>>) src(%dma_wait3A_104 : memref<624x64xf32, #tpu.memory_space<hbm>>) dst(%dma_wait3A_102 : memref<624x64xf32, #tpu.memory_space<vmem_shared>>)
        tpu.yield
      }) : () -> ()
    } else {
    }
    %eq3A = arith.constant 15 : i32
    %eq3A_7 = arith.cmpi eq, %arg1, %eq3A : i32
    %convert_element_type3A_8 = arith.extui %eq3A_7 : i1 to i32
    %cond3A_9 = arith.constant 0 : i32
    %cond3A_10 = arith.cmpi ne, %convert_element_type3A_8, %cond3A_9 : i32
    scf.if %cond3A_10 {
      "tpu.region"() ({
        %run_scoped3A = tpu.sem_alloc : memref<!tpu.dma_semaphore, #tpu.memory_space<semaphore_mem>>
        %dma_start3A_97 = arith.constant 9360 : i32
        %dma_start3A_98 = arith.constant 0 : i32
        %dma_start3A_99 = tpu.memref_slice %arg13[%dma_start3A_97, %dma_start3A_98] : memref<10000x64xf32, #tpu.memory_space<vmem_shared>> -> memref<640x64xf32, #tpu.memory_space<vmem_shared>>
        %dma_start3A_100 = arith.constant 9360 : i32
        %dma_start3A_101 = arith.constant 0 : i32
        %dma_start3A_102 = tpu.memref_slice %arg5[%dma_start3A_100, %dma_start3A_101] : memref<10000x64xf32, #tpu.memory_space<hbm>> -> memref<640x64xf32, #tpu.memory_space<hbm>>
        tpu.enqueue_dma source(%dma_start3A_102 : memref<640x64xf32, #tpu.memory_space<hbm>>) target(%dma_start3A_99 : memref<640x64xf32, #tpu.memory_space<vmem_shared>>) target_semaphore(%run_scoped3A : memref<!tpu.dma_semaphore, #tpu.memory_space<semaphore_mem>>)
        %dma_wait3A_103 = arith.constant 9360 : i32
        %dma_wait3A_104 = arith.constant 0 : i32
        %dma_wait3A_105 = tpu.memref_slice %arg13[%dma_wait3A_103, %dma_wait3A_104] : memref<10000x64xf32, #tpu.memory_space<vmem_shared>> -> memref<640x64xf32, #tpu.memory_space<vmem_shared>>
        %dma_wait3A_106 = arith.constant 9360 : i32
        %dma_wait3A_107 = arith.constant 0 : i32
        %dma_wait3A_108 = tpu.memref_slice %arg5[%dma_wait3A_106, %dma_wait3A_107] : memref<10000x64xf32, #tpu.memory_space<hbm>> -> memref<640x64xf32, #tpu.memory_space<hbm>>
        tpu.wait_dma2 semaphore(%run_scoped3A : memref<!tpu.dma_semaphore, #tpu.memory_space<semaphore_mem>>) src(%dma_wait3A_108 : memref<640x64xf32, #tpu.memory_space<hbm>>) dst(%dma_wait3A_105 : memref<640x64xf32, #tpu.memory_space<vmem_shared>>)
        tpu.yield
      }) : () -> ()
    } else {
    }
    %barrier3A = arith.constant 0 : index
    tpu.barrier barrier_id(%barrier3A)
    %dma_start3A = arith.constant 0 : i32
    %dma_start3A_11 = arith.constant 0 : i32
    %dma_start3A_12 = tpu.memref_slice %arg7[%dma_start3A, %dma_start3A_11] : memref<125x80xi32, #tpu.memory_space<vmem>> -> memref<1x80xi32, #tpu.memory_space<vmem>>
    %dma_start3A_13 = tpu.memref_squeeze %dma_start3A_12 : memref<1x80xi32, #tpu.memory_space<vmem>> -> memref<80xi32, #tpu.memory_space<vmem>>
    %dma_start3A_14 = arith.constant 0 : i32
    %dma_start3A_15 = arith.constant 0 : i32
    %dma_start3A_16 = tpu.memref_slice %arg2[%dma_start3A_14, %dma_start3A_15] : memref<10000x64xf32, #tpu.memory_space<hbm>> -> memref<10000x64xf32, #tpu.memory_space<hbm>>
    tpu.enqueue_indirect_dma source(%dma_start3A_16 : memref<10000x64xf32, #tpu.memory_space<hbm>>) target(%arg9 : memref<80x64xf32, #tpu.memory_space<vmem>>) offsets(%dma_start3A_13 : memref<80xi32, #tpu.memory_space<vmem>>) semaphore(%arg14 : memref<!tpu.dma_semaphore, #tpu.memory_space<semaphore_mem>>)
    %dma_start3A_17 = arith.constant 1 : i32
    %dma_start3A_18 = arith.constant 0 : i32
    %dma_start3A_19 = tpu.memref_slice %arg7[%dma_start3A_17, %dma_start3A_18] : memref<125x80xi32, #tpu.memory_space<vmem>> -> memref<1x80xi32, #tpu.memory_space<vmem>>
    %dma_start3A_20 = tpu.memref_squeeze %dma_start3A_19 : memref<1x80xi32, #tpu.memory_space<vmem>> -> memref<80xi32, #tpu.memory_space<vmem>>
    %dma_start3A_21 = arith.constant 0 : i32
    %dma_start3A_22 = arith.constant 0 : i32
    %dma_start3A_23 = tpu.memref_slice %arg2[%dma_start3A_21, %dma_start3A_22] : memref<10000x64xf32, #tpu.memory_space<hbm>> -> memref<10000x64xf32, #tpu.memory_space<hbm>>
    tpu.enqueue_indirect_dma source(%dma_start3A_23 : memref<10000x64xf32, #tpu.memory_space<hbm>>) target(%arg10 : memref<80x64xf32, #tpu.memory_space<vmem>>) offsets(%dma_start3A_20 : memref<80xi32, #tpu.memory_space<vmem>>) semaphore(%arg15 : memref<!tpu.dma_semaphore, #tpu.memory_space<semaphore_mem>>)
    %dma_start3A_24 = arith.constant 2 : i32
    %dma_start3A_25 = arith.constant 0 : i32
    %dma_start3A_26 = tpu.memref_slice %arg7[%dma_start3A_24, %dma_start3A_25] : memref<125x80xi32, #tpu.memory_space<vmem>> -> memref<1x80xi32, #tpu.memory_space<vmem>>
    %dma_start3A_27 = tpu.memref_squeeze %dma_start3A_26 : memref<1x80xi32, #tpu.memory_space<vmem>> -> memref<80xi32, #tpu.memory_space<vmem>>
    %dma_start3A_28 = arith.constant 0 : i32
    %dma_start3A_29 = arith.constant 0 : i32
    %dma_start3A_30 = tpu.memref_slice %arg2[%dma_start3A_28, %dma_start3A_29] : memref<10000x64xf32, #tpu.memory_space<hbm>> -> memref<10000x64xf32, #tpu.memory_space<hbm>>
    tpu.enqueue_indirect_dma source(%dma_start3A_30 : memref<10000x64xf32, #tpu.memory_space<hbm>>) target(%arg11 : memref<80x64xf32, #tpu.memory_space<vmem>>) offsets(%dma_start3A_27 : memref<80xi32, #tpu.memory_space<vmem>>) semaphore(%arg16 : memref<!tpu.dma_semaphore, #tpu.memory_space<semaphore_mem>>)
    %dma_start3A_31 = arith.constant 3 : i32
    %dma_start3A_32 = arith.constant 0 : i32
    %dma_start3A_33 = tpu.memref_slice %arg7[%dma_start3A_31, %dma_start3A_32] : memref<125x80xi32, #tpu.memory_space<vmem>> -> memref<1x80xi32, #tpu.memory_space<vmem>>
    %dma_start3A_34 = tpu.memref_squeeze %dma_start3A_33 : memref<1x80xi32, #tpu.memory_space<vmem>> -> memref<80xi32, #tpu.memory_space<vmem>>
    %dma_start3A_35 = arith.constant 0 : i32
    %dma_start3A_36 = arith.constant 0 : i32
    %dma_start3A_37 = tpu.memref_slice %arg2[%dma_start3A_35, %dma_start3A_36] : memref<10000x64xf32, #tpu.memory_space<hbm>> -> memref<10000x64xf32, #tpu.memory_space<hbm>>
    tpu.enqueue_indirect_dma source(%dma_start3A_37 : memref<10000x64xf32, #tpu.memory_space<hbm>>) target(%arg12 : memref<80x64xf32, #tpu.memory_space<vmem>>) offsets(%dma_start3A_34 : memref<80xi32, #tpu.memory_space<vmem>>) semaphore(%arg17 : memref<!tpu.dma_semaphore, #tpu.memory_space<semaphore_mem>>)
    %scan3A = arith.constant 0 : i32
    %scan3A_38 = arith.constant 0 : i32
    %scan3A_39 = arith.constant 31 : i32
    %scan3A_40 = arith.addi %scan3A_38, %scan3A_39 : i32
    %scan3A_41 = arith.constant 1 : i32
    scf.for %scan3A_97 = %scan3A_38 to %scan3A_40 step %scan3A_41  : i32 {
      %mul3A_98 = arith.constant 4 : i32
      %mul3A_99 = arith.muli %mul3A_98, %scan3A_97 : i32
      %add3A_100 = arith.constant 0 : i32
      %add3A_101 = arith.addi %mul3A_99, %add3A_100 : i32
      %dma_wait3A_102 = arith.constant 0 : i32
      %dma_wait3A_103 = tpu.memref_slice %arg7[%add3A_101, %dma_wait3A_102] : memref<125x80xi32, #tpu.memory_space<vmem>> -> memref<1x80xi32, #tpu.memory_space<vmem>>
      %dma_wait3A_104 = tpu.memref_squeeze %dma_wait3A_103 : memref<1x80xi32, #tpu.memory_space<vmem>> -> memref<80xi32, #tpu.memory_space<vmem>>
      %dma_wait3A_105 = arith.constant 0 : i32
      %dma_wait3A_106 = arith.constant 0 : i32
      %dma_wait3A_107 = tpu.memref_slice %arg2[%dma_wait3A_105, %dma_wait3A_106] : memref<10000x64xf32, #tpu.memory_space<hbm>> -> memref<10000x64xf32, #tpu.memory_space<hbm>>
      tpu.wait_indirect_dma semaphore(%arg14 : memref<!tpu.dma_semaphore, #tpu.memory_space<semaphore_mem>>) src(%dma_wait3A_107 : memref<10000x64xf32, #tpu.memory_space<hbm>>) dst(%arg9 : memref<80x64xf32, #tpu.memory_space<vmem>>)
      %add3A_108 = arith.constant 0 : i32
      %add3A_109 = arith.addi %mul3A_99, %add3A_108 : i32
      %dma_start3A_110 = arith.constant 0 : i32
      %dma_start3A_111 = tpu.memref_slice %arg8[%add3A_109, %dma_start3A_110] : memref<125x80xi32, #tpu.memory_space<vmem>> -> memref<1x80xi32, #tpu.memory_space<vmem>>
      %dma_start3A_112 = tpu.memref_squeeze %dma_start3A_111 : memref<1x80xi32, #tpu.memory_space<vmem>> -> memref<80xi32, #tpu.memory_space<vmem>>
      %dma_start3A_113 = arith.constant 0 : i32
      %dma_start3A_114 = arith.constant 0 : i32
      %dma_start3A_115 = tpu.memref_slice %arg13[%dma_start3A_113, %dma_start3A_114] : memref<10000x64xf32, #tpu.memory_space<vmem_shared>> -> memref<10000x64xf32, #tpu.memory_space<vmem_shared>>
      tpu.enqueue_indirect_dma source(%arg9 : memref<80x64xf32, #tpu.memory_space<vmem>>) target(%dma_start3A_115 : memref<10000x64xf32, #tpu.memory_space<vmem_shared>>) offsets(%dma_start3A_112 : memref<80xi32, #tpu.memory_space<vmem>>) semaphore(%arg18 : memref<!tpu.dma_semaphore, #tpu.memory_space<semaphore_mem>>) {add = true}
      %add3A_116 = arith.constant 1 : i32
      %add3A_117 = arith.addi %mul3A_99, %add3A_116 : i32
      %dma_wait3A_118 = arith.constant 0 : i32
      %dma_wait3A_119 = tpu.memref_slice %arg7[%add3A_117, %dma_wait3A_118] : memref<125x80xi32, #tpu.memory_space<vmem>> -> memref<1x80xi32, #tpu.memory_space<vmem>>
      %dma_wait3A_120 = tpu.memref_squeeze %dma_wait3A_119 : memref<1x80xi32, #tpu.memory_space<vmem>> -> memref<80xi32, #tpu.memory_space<vmem>>
      %dma_wait3A_121 = arith.constant 0 : i32
      %dma_wait3A_122 = arith.constant 0 : i32
      %dma_wait3A_123 = tpu.memref_slice %arg2[%dma_wait3A_121, %dma_wait3A_122] : memref<10000x64xf32, #tpu.memory_space<hbm>> -> memref<10000x64xf32, #tpu.memory_space<hbm>>
      tpu.wait_indirect_dma semaphore(%arg15 : memref<!tpu.dma_semaphore, #tpu.memory_space<semaphore_mem>>) src(%dma_wait3A_123 : memref<10000x64xf32, #tpu.memory_space<hbm>>) dst(%arg10 : memref<80x64xf32, #tpu.memory_space<vmem>>)
      %add3A_124 = arith.constant 1 : i32
      %add3A_125 = arith.addi %mul3A_99, %add3A_124 : i32
      %dma_start3A_126 = arith.constant 0 : i32
      %dma_start3A_127 = tpu.memref_slice %arg8[%add3A_125, %dma_start3A_126] : memref<125x80xi32, #tpu.memory_space<vmem>> -> memref<1x80xi32, #tpu.memory_space<vmem>>
      %dma_start3A_128 = tpu.memref_squeeze %dma_start3A_127 : memref<1x80xi32, #tpu.memory_space<vmem>> -> memref<80xi32, #tpu.memory_space<vmem>>
      %dma_start3A_129 = arith.constant 0 : i32
      %dma_start3A_130 = arith.constant 0 : i32
      %dma_start3A_131 = tpu.memref_slice %arg13[%dma_start3A_129, %dma_start3A_130] : memref<10000x64xf32, #tpu.memory_space<vmem_shared>> -> memref<10000x64xf32, #tpu.memory_space<vmem_shared>>
      tpu.enqueue_indirect_dma source(%arg10 : memref<80x64xf32, #tpu.memory_space<vmem>>) target(%dma_start3A_131 : memref<10000x64xf32, #tpu.memory_space<vmem_shared>>) offsets(%dma_start3A_128 : memref<80xi32, #tpu.memory_space<vmem>>) semaphore(%arg19 : memref<!tpu.dma_semaphore, #tpu.memory_space<semaphore_mem>>) {add = true}
      %add3A_132 = arith.constant 2 : i32
      %add3A_133 = arith.addi %mul3A_99, %add3A_132 : i32
      %dma_wait3A_134 = arith.constant 0 : i32
      %dma_wait3A_135 = tpu.memref_slice %arg7[%add3A_133, %dma_wait3A_134] : memref<125x80xi32, #tpu.memory_space<vmem>> -> memref<1x80xi32, #tpu.memory_space<vmem>>
      %dma_wait3A_136 = tpu.memref_squeeze %dma_wait3A_135 : memref<1x80xi32, #tpu.memory_space<vmem>> -> memref<80xi32, #tpu.memory_space<vmem>>
      %dma_wait3A_137 = arith.constant 0 : i32
      %dma_wait3A_138 = arith.constant 0 : i32
      %dma_wait3A_139 = tpu.memref_slice %arg2[%dma_wait3A_137, %dma_wait3A_138] : memref<10000x64xf32, #tpu.memory_space<hbm>> -> memref<10000x64xf32, #tpu.memory_space<hbm>>
      tpu.wait_indirect_dma semaphore(%arg16 : memref<!tpu.dma_semaphore, #tpu.memory_space<semaphore_mem>>) src(%dma_wait3A_139 : memref<10000x64xf32, #tpu.memory_space<hbm>>) dst(%arg11 : memref<80x64xf32, #tpu.memory_space<vmem>>)
      %add3A_140 = arith.constant 2 : i32
      %add3A_141 = arith.addi %mul3A_99, %add3A_140 : i32
      %dma_start3A_142 = arith.constant 0 : i32
      %dma_start3A_143 = tpu.memref_slice %arg8[%add3A_141, %dma_start3A_142] : memref<125x80xi32, #tpu.memory_space<vmem>> -> memref<1x80xi32, #tpu.memory_space<vmem>>
      %dma_start3A_144 = tpu.memref_squeeze %dma_start3A_143 : memref<1x80xi32, #tpu.memory_space<vmem>> -> memref<80xi32, #tpu.memory_space<vmem>>
      %dma_start3A_145 = arith.constant 0 : i32
      %dma_start3A_146 = arith.constant 0 : i32
      %dma_start3A_147 = tpu.memref_slice %arg13[%dma_start3A_145, %dma_start3A_146] : memref<10000x64xf32, #tpu.memory_space<vmem_shared>> -> memref<10000x64xf32, #tpu.memory_space<vmem_shared>>
      tpu.enqueue_indirect_dma source(%arg11 : memref<80x64xf32, #tpu.memory_space<vmem>>) target(%dma_start3A_147 : memref<10000x64xf32, #tpu.memory_space<vmem_shared>>) offsets(%dma_start3A_144 : memref<80xi32, #tpu.memory_space<vmem>>) semaphore(%arg20 : memref<!tpu.dma_semaphore, #tpu.memory_space<semaphore_mem>>) {add = true}
      %add3A_148 = arith.constant 3 : i32
      %add3A_149 = arith.addi %mul3A_99, %add3A_148 : i32
      %dma_wait3A_150 = arith.constant 0 : i32
      %dma_wait3A_151 = tpu.memref_slice %arg7[%add3A_149, %dma_wait3A_150] : memref<125x80xi32, #tpu.memory_space<vmem>> -> memref<1x80xi32, #tpu.memory_space<vmem>>
      %dma_wait3A_152 = tpu.memref_squeeze %dma_wait3A_151 : memref<1x80xi32, #tpu.memory_space<vmem>> -> memref<80xi32, #tpu.memory_space<vmem>>
      %dma_wait3A_153 = arith.constant 0 : i32
      %dma_wait3A_154 = arith.constant 0 : i32
      %dma_wait3A_155 = tpu.memref_slice %arg2[%dma_wait3A_153, %dma_wait3A_154] : memref<10000x64xf32, #tpu.memory_space<hbm>> -> memref<10000x64xf32, #tpu.memory_space<hbm>>
      tpu.wait_indirect_dma semaphore(%arg17 : memref<!tpu.dma_semaphore, #tpu.memory_space<semaphore_mem>>) src(%dma_wait3A_155 : memref<10000x64xf32, #tpu.memory_space<hbm>>) dst(%arg12 : memref<80x64xf32, #tpu.memory_space<vmem>>)
      %add3A_156 = arith.constant 3 : i32
      %add3A_157 = arith.addi %mul3A_99, %add3A_156 : i32
      %dma_start3A_158 = arith.constant 0 : i32
      %dma_start3A_159 = tpu.memref_slice %arg8[%add3A_157, %dma_start3A_158] : memref<125x80xi32, #tpu.memory_space<vmem>> -> memref<1x80xi32, #tpu.memory_space<vmem>>
      %dma_start3A_160 = tpu.memref_squeeze %dma_start3A_159 : memref<1x80xi32, #tpu.memory_space<vmem>> -> memref<80xi32, #tpu.memory_space<vmem>>
      %dma_start3A_161 = arith.constant 0 : i32
      %dma_start3A_162 = arith.constant 0 : i32
      %dma_start3A_163 = tpu.memref_slice %arg13[%dma_start3A_161, %dma_start3A_162] : memref<10000x64xf32, #tpu.memory_space<vmem_shared>> -> memref<10000x64xf32, #tpu.memory_space<vmem_shared>>
      tpu.enqueue_indirect_dma source(%arg12 : memref<80x64xf32, #tpu.memory_space<vmem>>) target(%dma_start3A_163 : memref<10000x64xf32, #tpu.memory_space<vmem_shared>>) offsets(%dma_start3A_160 : memref<80xi32, #tpu.memory_space<vmem>>) semaphore(%arg21 : memref<!tpu.dma_semaphore, #tpu.memory_space<semaphore_mem>>) {add = true}
      %add3A_164 = arith.constant 0 : i32
      %add3A_165 = arith.addi %mul3A_99, %add3A_164 : i32
      %add3A_166 = arith.constant 4 : i32
      %add3A_167 = arith.addi %add3A_165, %add3A_166 : i32
      %lt3A_168 = arith.constant 125 : i32
      %lt3A_169 = arith.cmpi slt, %add3A_167, %lt3A_168 : i32
      %convert_element_type3A_170 = arith.extui %lt3A_169 : i1 to i32
      %cond3A_171 = arith.constant 0 : i32
      %cond3A_172 = arith.cmpi ne, %convert_element_type3A_170, %cond3A_171 : i32
      scf.if %cond3A_172 {
        %add3A_200 = arith.constant 0 : i32
        %add3A_201 = arith.addi %mul3A_99, %add3A_200 : i32
        %dma_wait3A_202 = arith.constant 0 : i32
        %dma_wait3A_203 = tpu.memref_slice %arg8[%add3A_201, %dma_wait3A_202] : memref<125x80xi32, #tpu.memory_space<vmem>> -> memref<1x80xi32, #tpu.memory_space<vmem>>
        %dma_wait3A_204 = tpu.memref_squeeze %dma_wait3A_203 : memref<1x80xi32, #tpu.memory_space<vmem>> -> memref<80xi32, #tpu.memory_space<vmem>>
        %dma_wait3A_205 = arith.constant 0 : i32
        %dma_wait3A_206 = arith.constant 0 : i32
        %dma_wait3A_207 = tpu.memref_slice %arg13[%dma_wait3A_205, %dma_wait3A_206] : memref<10000x64xf32, #tpu.memory_space<vmem_shared>> -> memref<10000x64xf32, #tpu.memory_space<vmem_shared>>
        tpu.wait_indirect_dma semaphore(%arg18 : memref<!tpu.dma_semaphore, #tpu.memory_space<semaphore_mem>>) src(%arg9 : memref<80x64xf32, #tpu.memory_space<vmem>>) dst(%dma_wait3A_207 : memref<10000x64xf32, #tpu.memory_space<vmem_shared>>)
        %dma_start3A_208 = arith.constant 0 : i32
        %dma_start3A_209 = tpu.memref_slice %arg7[%add3A_167, %dma_start3A_208] : memref<125x80xi32, #tpu.memory_space<vmem>> -> memref<1x80xi32, #tpu.memory_space<vmem>>
        %dma_start3A_210 = tpu.memref_squeeze %dma_start3A_209 : memref<1x80xi32, #tpu.memory_space<vmem>> -> memref<80xi32, #tpu.memory_space<vmem>>
        %dma_start3A_211 = arith.constant 0 : i32
        %dma_start3A_212 = arith.constant 0 : i32
        %dma_start3A_213 = tpu.memref_slice %arg2[%dma_start3A_211, %dma_start3A_212] : memref<10000x64xf32, #tpu.memory_space<hbm>> -> memref<10000x64xf32, #tpu.memory_space<hbm>>
        tpu.enqueue_indirect_dma source(%dma_start3A_213 : memref<10000x64xf32, #tpu.memory_space<hbm>>) target(%arg9 : memref<80x64xf32, #tpu.memory_space<vmem>>) offsets(%dma_start3A_210 : memref<80xi32, #tpu.memory_space<vmem>>) semaphore(%arg14 : memref<!tpu.dma_semaphore, #tpu.memory_space<semaphore_mem>>)
      } else {
      }
      %add3A_173 = arith.constant 1 : i32
      %add3A_174 = arith.addi %mul3A_99, %add3A_173 : i32
      %add3A_175 = arith.constant 4 : i32
      %add3A_176 = arith.addi %add3A_174, %add3A_175 : i32
      %lt3A_177 = arith.constant 125 : i32
      %lt3A_178 = arith.cmpi slt, %add3A_176, %lt3A_177 : i32
      %convert_element_type3A_179 = arith.extui %lt3A_178 : i1 to i32
      %cond3A_180 = arith.constant 0 : i32
      %cond3A_181 = arith.cmpi ne, %convert_element_type3A_179, %cond3A_180 : i32
      scf.if %cond3A_181 {
        %add3A_200 = arith.constant 1 : i32
        %add3A_201 = arith.addi %mul3A_99, %add3A_200 : i32
        %dma_wait3A_202 = arith.constant 0 : i32
        %dma_wait3A_203 = tpu.memref_slice %arg8[%add3A_201, %dma_wait3A_202] : memref<125x80xi32, #tpu.memory_space<vmem>> -> memref<1x80xi32, #tpu.memory_space<vmem>>
        %dma_wait3A_204 = tpu.memref_squeeze %dma_wait3A_203 : memref<1x80xi32, #tpu.memory_space<vmem>> -> memref<80xi32, #tpu.memory_space<vmem>>
        %dma_wait3A_205 = arith.constant 0 : i32
        %dma_wait3A_206 = arith.constant 0 : i32
        %dma_wait3A_207 = tpu.memref_slice %arg13[%dma_wait3A_205, %dma_wait3A_206] : memref<10000x64xf32, #tpu.memory_space<vmem_shared>> -> memref<10000x64xf32, #tpu.memory_space<vmem_shared>>
        tpu.wait_indirect_dma semaphore(%arg19 : memref<!tpu.dma_semaphore, #tpu.memory_space<semaphore_mem>>) src(%arg10 : memref<80x64xf32, #tpu.memory_space<vmem>>) dst(%dma_wait3A_207 : memref<10000x64xf32, #tpu.memory_space<vmem_shared>>)
        %dma_start3A_208 = arith.constant 0 : i32
        %dma_start3A_209 = tpu.memref_slice %arg7[%add3A_176, %dma_start3A_208] : memref<125x80xi32, #tpu.memory_space<vmem>> -> memref<1x80xi32, #tpu.memory_space<vmem>>
        %dma_start3A_210 = tpu.memref_squeeze %dma_start3A_209 : memref<1x80xi32, #tpu.memory_space<vmem>> -> memref<80xi32, #tpu.memory_space<vmem>>
        %dma_start3A_211 = arith.constant 0 : i32
        %dma_start3A_212 = arith.constant 0 : i32
        %dma_start3A_213 = tpu.memref_slice %arg2[%dma_start3A_211, %dma_start3A_212] : memref<10000x64xf32, #tpu.memory_space<hbm>> -> memref<10000x64xf32, #tpu.memory_space<hbm>>
        tpu.enqueue_indirect_dma source(%dma_start3A_213 : memref<10000x64xf32, #tpu.memory_space<hbm>>) target(%arg10 : memref<80x64xf32, #tpu.memory_space<vmem>>) offsets(%dma_start3A_210 : memref<80xi32, #tpu.memory_space<vmem>>) semaphore(%arg15 : memref<!tpu.dma_semaphore, #tpu.memory_space<semaphore_mem>>)
      } else {
      }
      %add3A_182 = arith.constant 2 : i32
      %add3A_183 = arith.addi %mul3A_99, %add3A_182 : i32
      %add3A_184 = arith.constant 4 : i32
      %add3A_185 = arith.addi %add3A_183, %add3A_184 : i32
      %lt3A_186 = arith.constant 125 : i32
      %lt3A_187 = arith.cmpi slt, %add3A_185, %lt3A_186 : i32
      %convert_element_type3A_188 = arith.extui %lt3A_187 : i1 to i32
      %cond3A_189 = arith.constant 0 : i32
      %cond3A_190 = arith.cmpi ne, %convert_element_type3A_188, %cond3A_189 : i32
      scf.if %cond3A_190 {
        %add3A_200 = arith.constant 2 : i32
        %add3A_201 = arith.addi %mul3A_99, %add3A_200 : i32
        %dma_wait3A_202 = arith.constant 0 : i32
        %dma_wait3A_203 = tpu.memref_slice %arg8[%add3A_201, %dma_wait3A_202] : memref<125x80xi32, #tpu.memory_space<vmem>> -> memref<1x80xi32, #tpu.memory_space<vmem>>
        %dma_wait3A_204 = tpu.memref_squeeze %dma_wait3A_203 : memref<1x80xi32, #tpu.memory_space<vmem>> -> memref<80xi32, #tpu.memory_space<vmem>>
        %dma_wait3A_205 = arith.constant 0 : i32
        %dma_wait3A_206 = arith.constant 0 : i32
        %dma_wait3A_207 = tpu.memref_slice %arg13[%dma_wait3A_205, %dma_wait3A_206] : memref<10000x64xf32, #tpu.memory_space<vmem_shared>> -> memref<10000x64xf32, #tpu.memory_space<vmem_shared>>
        tpu.wait_indirect_dma semaphore(%arg20 : memref<!tpu.dma_semaphore, #tpu.memory_space<semaphore_mem>>) src(%arg11 : memref<80x64xf32, #tpu.memory_space<vmem>>) dst(%dma_wait3A_207 : memref<10000x64xf32, #tpu.memory_space<vmem_shared>>)
        %dma_start3A_208 = arith.constant 0 : i32
        %dma_start3A_209 = tpu.memref_slice %arg7[%add3A_185, %dma_start3A_208] : memref<125x80xi32, #tpu.memory_space<vmem>> -> memref<1x80xi32, #tpu.memory_space<vmem>>
        %dma_start3A_210 = tpu.memref_squeeze %dma_start3A_209 : memref<1x80xi32, #tpu.memory_space<vmem>> -> memref<80xi32, #tpu.memory_space<vmem>>
        %dma_start3A_211 = arith.constant 0 : i32
        %dma_start3A_212 = arith.constant 0 : i32
        %dma_start3A_213 = tpu.memref_slice %arg2[%dma_start3A_211, %dma_start3A_212] : memref<10000x64xf32, #tpu.memory_space<hbm>> -> memref<10000x64xf32, #tpu.memory_space<hbm>>
        tpu.enqueue_indirect_dma source(%dma_start3A_213 : memref<10000x64xf32, #tpu.memory_space<hbm>>) target(%arg11 : memref<80x64xf32, #tpu.memory_space<vmem>>) offsets(%dma_start3A_210 : memref<80xi32, #tpu.memory_space<vmem>>) semaphore(%arg16 : memref<!tpu.dma_semaphore, #tpu.memory_space<semaphore_mem>>)
      } else {
      }
      %add3A_191 = arith.constant 3 : i32
      %add3A_192 = arith.addi %mul3A_99, %add3A_191 : i32
      %add3A_193 = arith.constant 4 : i32
      %add3A_194 = arith.addi %add3A_192, %add3A_193 : i32
      %lt3A_195 = arith.constant 125 : i32
      %lt3A_196 = arith.cmpi slt, %add3A_194, %lt3A_195 : i32
      %convert_element_type3A_197 = arith.extui %lt3A_196 : i1 to i32
      %cond3A_198 = arith.constant 0 : i32
      %cond3A_199 = arith.cmpi ne, %convert_element_type3A_197, %cond3A_198 : i32
      scf.if %cond3A_199 {
        %add3A_200 = arith.constant 3 : i32
        %add3A_201 = arith.addi %mul3A_99, %add3A_200 : i32
        %dma_wait3A_202 = arith.constant 0 : i32
        %dma_wait3A_203 = tpu.memref_slice %arg8[%add3A_201, %dma_wait3A_202] : memref<125x80xi32, #tpu.memory_space<vmem>> -> memref<1x80xi32, #tpu.memory_space<vmem>>
        %dma_wait3A_204 = tpu.memref_squeeze %dma_wait3A_203 : memref<1x80xi32, #tpu.memory_space<vmem>> -> memref<80xi32, #tpu.memory_space<vmem>>
        %dma_wait3A_205 = arith.constant 0 : i32
        %dma_wait3A_206 = arith.constant 0 : i32
        %dma_wait3A_207 = tpu.memref_slice %arg13[%dma_wait3A_205, %dma_wait3A_206] : memref<10000x64xf32, #tpu.memory_space<vmem_shared>> -> memref<10000x64xf32, #tpu.memory_space<vmem_shared>>
        tpu.wait_indirect_dma semaphore(%arg21 : memref<!tpu.dma_semaphore, #tpu.memory_space<semaphore_mem>>) src(%arg12 : memref<80x64xf32, #tpu.memory_space<vmem>>) dst(%dma_wait3A_207 : memref<10000x64xf32, #tpu.memory_space<vmem_shared>>)
        %dma_start3A_208 = arith.constant 0 : i32
        %dma_start3A_209 = tpu.memref_slice %arg7[%add3A_194, %dma_start3A_208] : memref<125x80xi32, #tpu.memory_space<vmem>> -> memref<1x80xi32, #tpu.memory_space<vmem>>
        %dma_start3A_210 = tpu.memref_squeeze %dma_start3A_209 : memref<1x80xi32, #tpu.memory_space<vmem>> -> memref<80xi32, #tpu.memory_space<vmem>>
        %dma_start3A_211 = arith.constant 0 : i32
        %dma_start3A_212 = arith.constant 0 : i32
        %dma_start3A_213 = tpu.memref_slice %arg2[%dma_start3A_211, %dma_start3A_212] : memref<10000x64xf32, #tpu.memory_space<hbm>> -> memref<10000x64xf32, #tpu.memory_space<hbm>>
        tpu.enqueue_indirect_dma source(%dma_start3A_213 : memref<10000x64xf32, #tpu.memory_space<hbm>>) target(%arg12 : memref<80x64xf32, #tpu.memory_space<vmem>>) offsets(%dma_start3A_210 : memref<80xi32, #tpu.memory_space<vmem>>) semaphore(%arg17 : memref<!tpu.dma_semaphore, #tpu.memory_space<semaphore_mem>>)
      } else {
      }
    }
    %scan3A_42 = arith.constant 31 : i32
    %dma_wait3A = arith.constant 124 : i32
    %dma_wait3A_43 = arith.constant 0 : i32
    %dma_wait3A_44 = tpu.memref_slice %arg7[%dma_wait3A, %dma_wait3A_43] : memref<125x80xi32, #tpu.memory_space<vmem>> -> memref<1x80xi32, #tpu.memory_space<vmem>>
    %dma_wait3A_45 = tpu.memref_squeeze %dma_wait3A_44 : memref<1x80xi32, #tpu.memory_space<vmem>> -> memref<80xi32, #tpu.memory_space<vmem>>
    %dma_wait3A_46 = arith.constant 0 : i32
    %dma_wait3A_47 = arith.constant 0 : i32
    %dma_wait3A_48 = tpu.memref_slice %arg2[%dma_wait3A_46, %dma_wait3A_47] : memref<10000x64xf32, #tpu.memory_space<hbm>> -> memref<10000x64xf32, #tpu.memory_space<hbm>>
    tpu.wait_indirect_dma semaphore(%arg14 : memref<!tpu.dma_semaphore, #tpu.memory_space<semaphore_mem>>) src(%dma_wait3A_48 : memref<10000x64xf32, #tpu.memory_space<hbm>>) dst(%arg9 : memref<80x64xf32, #tpu.memory_space<vmem>>)
    %dma_start3A_49 = arith.constant 124 : i32
    %dma_start3A_50 = arith.constant 0 : i32
    %dma_start3A_51 = tpu.memref_slice %arg8[%dma_start3A_49, %dma_start3A_50] : memref<125x80xi32, #tpu.memory_space<vmem>> -> memref<1x80xi32, #tpu.memory_space<vmem>>
    %dma_start3A_52 = tpu.memref_squeeze %dma_start3A_51 : memref<1x80xi32, #tpu.memory_space<vmem>> -> memref<80xi32, #tpu.memory_space<vmem>>
    %dma_start3A_53 = arith.constant 0 : i32
    %dma_start3A_54 = arith.constant 0 : i32
    %dma_start3A_55 = tpu.memref_slice %arg13[%dma_start3A_53, %dma_start3A_54] : memref<10000x64xf32, #tpu.memory_space<vmem_shared>> -> memref<10000x64xf32, #tpu.memory_space<vmem_shared>>
    tpu.enqueue_indirect_dma source(%arg9 : memref<80x64xf32, #tpu.memory_space<vmem>>) target(%dma_start3A_55 : memref<10000x64xf32, #tpu.memory_space<vmem_shared>>) offsets(%dma_start3A_52 : memref<80xi32, #tpu.memory_space<vmem>>) semaphore(%arg18 : memref<!tpu.dma_semaphore, #tpu.memory_space<semaphore_mem>>) {add = true}
    %dma_wait3A_56 = arith.constant 124 : i32
    %dma_wait3A_57 = arith.constant 0 : i32
    %dma_wait3A_58 = tpu.memref_slice %arg8[%dma_wait3A_56, %dma_wait3A_57] : memref<125x80xi32, #tpu.memory_space<vmem>> -> memref<1x80xi32, #tpu.memory_space<vmem>>
    %dma_wait3A_59 = tpu.memref_squeeze %dma_wait3A_58 : memref<1x80xi32, #tpu.memory_space<vmem>> -> memref<80xi32, #tpu.memory_space<vmem>>
    %dma_wait3A_60 = arith.constant 0 : i32
    %dma_wait3A_61 = arith.constant 0 : i32
    %dma_wait3A_62 = tpu.memref_slice %arg13[%dma_wait3A_60, %dma_wait3A_61] : memref<10000x64xf32, #tpu.memory_space<vmem_shared>> -> memref<10000x64xf32, #tpu.memory_space<vmem_shared>>
    tpu.wait_indirect_dma semaphore(%arg18 : memref<!tpu.dma_semaphore, #tpu.memory_space<semaphore_mem>>) src(%arg9 : memref<80x64xf32, #tpu.memory_space<vmem>>) dst(%dma_wait3A_62 : memref<10000x64xf32, #tpu.memory_space<vmem_shared>>)
    %dma_wait3A_63 = arith.constant 121 : i32
    %dma_wait3A_64 = arith.constant 0 : i32
    %dma_wait3A_65 = tpu.memref_slice %arg8[%dma_wait3A_63, %dma_wait3A_64] : memref<125x80xi32, #tpu.memory_space<vmem>> -> memref<1x80xi32, #tpu.memory_space<vmem>>
    %dma_wait3A_66 = tpu.memref_squeeze %dma_wait3A_65 : memref<1x80xi32, #tpu.memory_space<vmem>> -> memref<80xi32, #tpu.memory_space<vmem>>
    %dma_wait3A_67 = arith.constant 0 : i32
    %dma_wait3A_68 = arith.constant 0 : i32
    %dma_wait3A_69 = tpu.memref_slice %arg13[%dma_wait3A_67, %dma_wait3A_68] : memref<10000x64xf32, #tpu.memory_space<vmem_shared>> -> memref<10000x64xf32, #tpu.memory_space<vmem_shared>>
    tpu.wait_indirect_dma semaphore(%arg19 : memref<!tpu.dma_semaphore, #tpu.memory_space<semaphore_mem>>) src(%arg10 : memref<80x64xf32, #tpu.memory_space<vmem>>) dst(%dma_wait3A_69 : memref<10000x64xf32, #tpu.memory_space<vmem_shared>>)
    %dma_wait3A_70 = arith.constant 122 : i32
    %dma_wait3A_71 = arith.constant 0 : i32
    %dma_wait3A_72 = tpu.memref_slice %arg8[%dma_wait3A_70, %dma_wait3A_71] : memref<125x80xi32, #tpu.memory_space<vmem>> -> memref<1x80xi32, #tpu.memory_space<vmem>>
    %dma_wait3A_73 = tpu.memref_squeeze %dma_wait3A_72 : memref<1x80xi32, #tpu.memory_space<vmem>> -> memref<80xi32, #tpu.memory_space<vmem>>
    %dma_wait3A_74 = arith.constant 0 : i32
    %dma_wait3A_75 = arith.constant 0 : i32
    %dma_wait3A_76 = tpu.memref_slice %arg13[%dma_wait3A_74, %dma_wait3A_75] : memref<10000x64xf32, #tpu.memory_space<vmem_shared>> -> memref<10000x64xf32, #tpu.memory_space<vmem_shared>>
    tpu.wait_indirect_dma semaphore(%arg20 : memref<!tpu.dma_semaphore, #tpu.memory_space<semaphore_mem>>) src(%arg11 : memref<80x64xf32, #tpu.memory_space<vmem>>) dst(%dma_wait3A_76 : memref<10000x64xf32, #tpu.memory_space<vmem_shared>>)
    %dma_wait3A_77 = arith.constant 123 : i32
    %dma_wait3A_78 = arith.constant 0 : i32
    %dma_wait3A_79 = tpu.memref_slice %arg8[%dma_wait3A_77, %dma_wait3A_78] : memref<125x80xi32, #tpu.memory_space<vmem>> -> memref<1x80xi32, #tpu.memory_space<vmem>>
    %dma_wait3A_80 = tpu.memref_squeeze %dma_wait3A_79 : memref<1x80xi32, #tpu.memory_space<vmem>> -> memref<80xi32, #tpu.memory_space<vmem>>
    %dma_wait3A_81 = arith.constant 0 : i32
    %dma_wait3A_82 = arith.constant 0 : i32
    %dma_wait3A_83 = tpu.memref_slice %arg13[%dma_wait3A_81, %dma_wait3A_82] : memref<10000x64xf32, #tpu.memory_space<vmem_shared>> -> memref<10000x64xf32, #tpu.memory_space<vmem_shared>>
    tpu.wait_indirect_dma semaphore(%arg21 : memref<!tpu.dma_semaphore, #tpu.memory_space<semaphore_mem>>) src(%arg12 : memref<80x64xf32, #tpu.memory_space<vmem>>) dst(%dma_wait3A_83 : memref<10000x64xf32, #tpu.memory_space<vmem_shared>>)
    %barrier3A_84 = arith.constant 0 : index
    tpu.barrier barrier_id(%barrier3A_84)
    %mul3A_85 = arith.constant 624 : i32
    %mul3A_86 = arith.muli %arg1, %mul3A_85 : i32
    %lt3A_87 = arith.constant 15 : i32
    %lt3A_88 = arith.cmpi slt, %arg1, %lt3A_87 : i32
    %convert_element_type3A_89 = arith.extui %lt3A_88 : i1 to i32
    %cond3A_90 = arith.constant 0 : i32
    %cond3A_91 = arith.cmpi ne, %convert_element_type3A_89, %cond3A_90 : i32
    scf.if %cond3A_91 {
      "tpu.region"() ({
        %run_scoped3A = tpu.sem_alloc : memref<!tpu.dma_semaphore, #tpu.memory_space<semaphore_mem>>
        %dma_start3A_97 = arith.constant 0 : i32
        %dma_start3A_98 = arith.constant 0 : i32
        %dma_start3A_99 = tpu.memref_slice %arg6[%arg0, %dma_start3A_97, %dma_start3A_98] : memref<2x10000x64xf32, #tpu.memory_space<hbm>> -> memref<1x10000x64xf32, #tpu.memory_space<hbm>>
        %dma_start3A_100 = tpu.memref_squeeze %dma_start3A_99 : memref<1x10000x64xf32, #tpu.memory_space<hbm>> -> memref<10000x64xf32, #tpu.memory_space<hbm>>
        %dma_start3A_101 = arith.constant 0 : i32
        %dma_start3A_102 = tpu.memref_slice %dma_start3A_100[%mul3A_86, %dma_start3A_101] : memref<10000x64xf32, #tpu.memory_space<hbm>> -> memref<624x64xf32, #tpu.memory_space<hbm>>
        %dma_start3A_103 = arith.constant 0 : i32
        %dma_start3A_104 = tpu.memref_slice %arg13[%mul3A_86, %dma_start3A_103] : memref<10000x64xf32, #tpu.memory_space<vmem_shared>> -> memref<624x64xf32, #tpu.memory_space<vmem_shared>>
        tpu.enqueue_dma source(%dma_start3A_104 : memref<624x64xf32, #tpu.memory_space<vmem_shared>>) target(%dma_start3A_102 : memref<624x64xf32, #tpu.memory_space<hbm>>) target_semaphore(%run_scoped3A : memref<!tpu.dma_semaphore, #tpu.memory_space<semaphore_mem>>)
        %dma_wait3A_105 = arith.constant 0 : i32
        %dma_wait3A_106 = arith.constant 0 : i32
        %dma_wait3A_107 = tpu.memref_slice %arg6[%arg0, %dma_wait3A_105, %dma_wait3A_106] : memref<2x10000x64xf32, #tpu.memory_space<hbm>> -> memref<1x10000x64xf32, #tpu.memory_space<hbm>>
        %dma_wait3A_108 = tpu.memref_squeeze %dma_wait3A_107 : memref<1x10000x64xf32, #tpu.memory_space<hbm>> -> memref<10000x64xf32, #tpu.memory_space<hbm>>
        %dma_wait3A_109 = arith.constant 0 : i32
        %dma_wait3A_110 = tpu.memref_slice %dma_wait3A_108[%mul3A_86, %dma_wait3A_109] : memref<10000x64xf32, #tpu.memory_space<hbm>> -> memref<624x64xf32, #tpu.memory_space<hbm>>
        %dma_wait3A_111 = arith.constant 0 : i32
        %dma_wait3A_112 = tpu.memref_slice %arg13[%mul3A_86, %dma_wait3A_111] : memref<10000x64xf32, #tpu.memory_space<vmem_shared>> -> memref<624x64xf32, #tpu.memory_space<vmem_shared>>
        tpu.wait_dma2 semaphore(%run_scoped3A : memref<!tpu.dma_semaphore, #tpu.memory_space<semaphore_mem>>) src(%dma_wait3A_112 : memref<624x64xf32, #tpu.memory_space<vmem_shared>>) dst(%dma_wait3A_110 : memref<624x64xf32, #tpu.memory_space<hbm>>)
        tpu.yield
      }) : () -> ()
    } else {
    }
    %eq3A_92 = arith.constant 15 : i32
    %eq3A_93 = arith.cmpi eq, %arg1, %eq3A_92 : i32
    %convert_element_type3A_94 = arith.extui %eq3A_93 : i1 to i32
    %cond3A_95 = arith.constant 0 : i32
    %cond3A_96 = arith.cmpi ne, %convert_element_type3A_94, %cond3A_95 : i32
    scf.if %cond3A_96 {
      "tpu.region"() ({
        %run_scoped3A = tpu.sem_alloc : memref<!tpu.dma_semaphore, #tpu.memory_space<semaphore_mem>>
        %dma_start3A_97 = arith.constant 0 : i32
        %dma_start3A_98 = arith.constant 0 : i32
        %dma_start3A_99 = tpu.memref_slice %arg6[%arg0, %dma_start3A_97, %dma_start3A_98] : memref<2x10000x64xf32, #tpu.memory_space<hbm>> -> memref<1x10000x64xf32, #tpu.memory_space<hbm>>
        %dma_start3A_100 = tpu.memref_squeeze %dma_start3A_99 : memref<1x10000x64xf32, #tpu.memory_space<hbm>> -> memref<10000x64xf32, #tpu.memory_space<hbm>>
        %dma_start3A_101 = arith.constant 9360 : i32
        %dma_start3A_102 = arith.constant 0 : i32
        %dma_start3A_103 = tpu.memref_slice %dma_start3A_100[%dma_start3A_101, %dma_start3A_102] : memref<10000x64xf32, #tpu.memory_space<hbm>> -> memref<640x64xf32, #tpu.memory_space<hbm>>
        %dma_start3A_104 = arith.constant 9360 : i32
        %dma_start3A_105 = arith.constant 0 : i32
        %dma_start3A_106 = tpu.memref_slice %arg13[%dma_start3A_104, %dma_start3A_105] : memref<10000x64xf32, #tpu.memory_space<vmem_shared>> -> memref<640x64xf32, #tpu.memory_space<vmem_shared>>
        tpu.enqueue_dma source(%dma_start3A_106 : memref<640x64xf32, #tpu.memory_space<vmem_shared>>) target(%dma_start3A_103 : memref<640x64xf32, #tpu.memory_space<hbm>>) target_semaphore(%run_scoped3A : memref<!tpu.dma_semaphore, #tpu.memory_space<semaphore_mem>>)
        %dma_wait3A_107 = arith.constant 0 : i32
        %dma_wait3A_108 = arith.constant 0 : i32
        %dma_wait3A_109 = tpu.memref_slice %arg6[%arg0, %dma_wait3A_107, %dma_wait3A_108] : memref<2x10000x64xf32, #tpu.memory_space<hbm>> -> memref<1x10000x64xf32, #tpu.memory_space<hbm>>
        %dma_wait3A_110 = tpu.memref_squeeze %dma_wait3A_109 : memref<1x10000x64xf32, #tpu.memory_space<hbm>> -> memref<10000x64xf32, #tpu.memory_space<hbm>>
        %dma_wait3A_111 = arith.constant 9360 : i32
        %dma_wait3A_112 = arith.constant 0 : i32
        %dma_wait3A_113 = tpu.memref_slice %dma_wait3A_110[%dma_wait3A_111, %dma_wait3A_112] : memref<10000x64xf32, #tpu.memory_space<hbm>> -> memref<640x64xf32, #tpu.memory_space<hbm>>
        %dma_wait3A_114 = arith.constant 9360 : i32
        %dma_wait3A_115 = arith.constant 0 : i32
        %dma_wait3A_116 = tpu.memref_slice %arg13[%dma_wait3A_114, %dma_wait3A_115] : memref<10000x64xf32, #tpu.memory_space<vmem_shared>> -> memref<640x64xf32, #tpu.memory_space<vmem_shared>>
        tpu.wait_dma2 semaphore(%run_scoped3A : memref<!tpu.dma_semaphore, #tpu.memory_space<semaphore_mem>>) src(%dma_wait3A_116 : memref<640x64xf32, #tpu.memory_space<vmem_shared>>) dst(%dma_wait3A_113 : memref<640x64xf32, #tpu.memory_space<hbm>>)
        tpu.yield
      }) : () -> ()
    } else {
    }
    return
  }
}

#map = affine_map<(d0, d1) -> (0, 0)>
#map1 = affine_map<(d0, d1) -> (0, 0, 0)>
module attributes {stable_mosaic.version = 14 : i64} {
  func.func @agg(%arg0: i32, %arg1: i32, %arg2: memref<10000x128xf32, #tpu.memory_space<hbm>>, %arg3: memref<4000x80xi32, #tpu.memory_space<hbm>>, %arg4: memref<4000x80xi32, #tpu.memory_space<hbm>>, %arg5: memref<10000x128xf32, #tpu.memory_space<hbm>>, %arg6: memref<2x10000x128xf32, #tpu.memory_space<hbm>>, %arg7: memref<125x80xi32, #tpu.memory_space<vmem>>, %arg8: memref<125x80xi32, #tpu.memory_space<vmem>>, %arg9: memref<80x128xf32, #tpu.memory_space<vmem>>, %arg10: memref<80x128xf32, #tpu.memory_space<vmem>>, %arg11: memref<80x128xf32, #tpu.memory_space<vmem>>, %arg12: memref<10000x128xf32, #tpu.memory_space<vmem_shared>>, %arg13: memref<!tpu.dma_semaphore, #tpu.memory_space<semaphore_mem>>, %arg14: memref<!tpu.dma_semaphore, #tpu.memory_space<semaphore_mem>>, %arg15: memref<!tpu.dma_semaphore, #tpu.memory_space<semaphore_mem>>, %arg16: memref<!tpu.dma_semaphore, #tpu.memory_space<semaphore_mem>>, %arg17: memref<!tpu.dma_semaphore, #tpu.memory_space<semaphore_mem>>, %arg18: memref<!tpu.dma_semaphore, #tpu.memory_space<semaphore_mem>>) attributes {dimension_semantics = [#tpu.dimension_semantics<core_parallel>, #tpu.dimension_semantics<subcore_parallel>], iteration_bounds = array<i64: 2, 16>, scalar_prefetch = 0 : i64, scratch_operands = 12 : i64, tpu.core_type = #tpu.core_type<sc_vector_subcore>, window_params = [{transform_indices = #map}, {transform_indices = #map}, {transform_indices = #map}, {transform_indices = #map}, {transform_indices = #map1}]} {
    %mul3A = arith.constant 2000 : i32
    %mul3A_0 = arith.muli %arg0, %mul3A : i32
    %mul3A_1 = arith.constant 125 : i32
    %mul3A_2 = arith.muli %arg1, %mul3A_1 : i32
    %add3A = arith.addi %mul3A_0, %mul3A_2 : i32
    "tpu.region"() ({
      %run_scoped3A = tpu.sem_alloc : memref<!tpu.dma_semaphore, #tpu.memory_space<semaphore_mem>>
      %dma_start3A_97 = arith.constant 0 : i32
      %dma_start3A_98 = tpu.memref_slice %arg3[%add3A, %dma_start3A_97] : memref<4000x80xi32, #tpu.memory_space<hbm>> -> memref<125x80xi32, #tpu.memory_space<hbm>>
      %dma_start3A_99 = arith.constant 0 : i32
      %dma_start3A_100 = tpu.memref_slice %arg3[%add3A, %dma_start3A_99] : memref<4000x80xi32, #tpu.memory_space<hbm>> -> memref<125x80xi32, #tpu.memory_space<hbm>>
      tpu.enqueue_dma source(%dma_start3A_100 : memref<125x80xi32, #tpu.memory_space<hbm>>) target(%arg7 : memref<125x80xi32, #tpu.memory_space<vmem>>) target_semaphore(%run_scoped3A : memref<!tpu.dma_semaphore, #tpu.memory_space<semaphore_mem>>)
      %dma_wait3A_101 = arith.constant 0 : i32
      %dma_wait3A_102 = tpu.memref_slice %arg3[%add3A, %dma_wait3A_101] : memref<4000x80xi32, #tpu.memory_space<hbm>> -> memref<125x80xi32, #tpu.memory_space<hbm>>
      %dma_wait3A_103 = arith.constant 0 : i32
      %dma_wait3A_104 = tpu.memref_slice %arg3[%add3A, %dma_wait3A_103] : memref<4000x80xi32, #tpu.memory_space<hbm>> -> memref<125x80xi32, #tpu.memory_space<hbm>>
      tpu.wait_dma2 semaphore(%run_scoped3A : memref<!tpu.dma_semaphore, #tpu.memory_space<semaphore_mem>>) src(%dma_wait3A_104 : memref<125x80xi32, #tpu.memory_space<hbm>>) dst(%arg7 : memref<125x80xi32, #tpu.memory_space<vmem>>)
      tpu.yield
    }) : () -> ()
    "tpu.region"() ({
      %run_scoped3A = tpu.sem_alloc : memref<!tpu.dma_semaphore, #tpu.memory_space<semaphore_mem>>
      %dma_start3A_97 = arith.constant 0 : i32
      %dma_start3A_98 = tpu.memref_slice %arg4[%add3A, %dma_start3A_97] : memref<4000x80xi32, #tpu.memory_space<hbm>> -> memref<125x80xi32, #tpu.memory_space<hbm>>
      %dma_start3A_99 = arith.constant 0 : i32
      %dma_start3A_100 = tpu.memref_slice %arg4[%add3A, %dma_start3A_99] : memref<4000x80xi32, #tpu.memory_space<hbm>> -> memref<125x80xi32, #tpu.memory_space<hbm>>
      tpu.enqueue_dma source(%dma_start3A_100 : memref<125x80xi32, #tpu.memory_space<hbm>>) target(%arg8 : memref<125x80xi32, #tpu.memory_space<vmem>>) target_semaphore(%run_scoped3A : memref<!tpu.dma_semaphore, #tpu.memory_space<semaphore_mem>>)
      %dma_wait3A_101 = arith.constant 0 : i32
      %dma_wait3A_102 = tpu.memref_slice %arg4[%add3A, %dma_wait3A_101] : memref<4000x80xi32, #tpu.memory_space<hbm>> -> memref<125x80xi32, #tpu.memory_space<hbm>>
      %dma_wait3A_103 = arith.constant 0 : i32
      %dma_wait3A_104 = tpu.memref_slice %arg4[%add3A, %dma_wait3A_103] : memref<4000x80xi32, #tpu.memory_space<hbm>> -> memref<125x80xi32, #tpu.memory_space<hbm>>
      tpu.wait_dma2 semaphore(%run_scoped3A : memref<!tpu.dma_semaphore, #tpu.memory_space<semaphore_mem>>) src(%dma_wait3A_104 : memref<125x80xi32, #tpu.memory_space<hbm>>) dst(%arg8 : memref<125x80xi32, #tpu.memory_space<vmem>>)
      tpu.yield
    }) : () -> ()
    %mul3A_3 = arith.constant 624 : i32
    %mul3A_4 = arith.muli %arg1, %mul3A_3 : i32
    %lt3A = arith.constant 15 : i32
    %lt3A_5 = arith.cmpi slt, %arg1, %lt3A : i32
    %convert_element_type3A = arith.extui %lt3A_5 : i1 to i32
    %cond3A = arith.constant 0 : i32
    %cond3A_6 = arith.cmpi ne, %convert_element_type3A, %cond3A : i32
    scf.if %cond3A_6 {
      "tpu.region"() ({
        %run_scoped3A = tpu.sem_alloc : memref<!tpu.dma_semaphore, #tpu.memory_space<semaphore_mem>>
        %dma_start3A_97 = arith.constant 0 : i32
        %dma_start3A_98 = tpu.memref_slice %arg12[%mul3A_4, %dma_start3A_97] : memref<10000x128xf32, #tpu.memory_space<vmem_shared>> -> memref<624x128xf32, #tpu.memory_space<vmem_shared>>
        %dma_start3A_99 = arith.constant 0 : i32
        %dma_start3A_100 = tpu.memref_slice %arg5[%mul3A_4, %dma_start3A_99] : memref<10000x128xf32, #tpu.memory_space<hbm>> -> memref<624x128xf32, #tpu.memory_space<hbm>>
        tpu.enqueue_dma source(%dma_start3A_100 : memref<624x128xf32, #tpu.memory_space<hbm>>) target(%dma_start3A_98 : memref<624x128xf32, #tpu.memory_space<vmem_shared>>) target_semaphore(%run_scoped3A : memref<!tpu.dma_semaphore, #tpu.memory_space<semaphore_mem>>)
        %dma_wait3A_101 = arith.constant 0 : i32
        %dma_wait3A_102 = tpu.memref_slice %arg12[%mul3A_4, %dma_wait3A_101] : memref<10000x128xf32, #tpu.memory_space<vmem_shared>> -> memref<624x128xf32, #tpu.memory_space<vmem_shared>>
        %dma_wait3A_103 = arith.constant 0 : i32
        %dma_wait3A_104 = tpu.memref_slice %arg5[%mul3A_4, %dma_wait3A_103] : memref<10000x128xf32, #tpu.memory_space<hbm>> -> memref<624x128xf32, #tpu.memory_space<hbm>>
        tpu.wait_dma2 semaphore(%run_scoped3A : memref<!tpu.dma_semaphore, #tpu.memory_space<semaphore_mem>>) src(%dma_wait3A_104 : memref<624x128xf32, #tpu.memory_space<hbm>>) dst(%dma_wait3A_102 : memref<624x128xf32, #tpu.memory_space<vmem_shared>>)
        tpu.yield
      }) : () -> ()
    } else {
    }
    %eq3A = arith.constant 15 : i32
    %eq3A_7 = arith.cmpi eq, %arg1, %eq3A : i32
    %convert_element_type3A_8 = arith.extui %eq3A_7 : i1 to i32
    %cond3A_9 = arith.constant 0 : i32
    %cond3A_10 = arith.cmpi ne, %convert_element_type3A_8, %cond3A_9 : i32
    scf.if %cond3A_10 {
      "tpu.region"() ({
        %run_scoped3A = tpu.sem_alloc : memref<!tpu.dma_semaphore, #tpu.memory_space<semaphore_mem>>
        %dma_start3A_97 = arith.constant 9360 : i32
        %dma_start3A_98 = arith.constant 0 : i32
        %dma_start3A_99 = tpu.memref_slice %arg12[%dma_start3A_97, %dma_start3A_98] : memref<10000x128xf32, #tpu.memory_space<vmem_shared>> -> memref<640x128xf32, #tpu.memory_space<vmem_shared>>
        %dma_start3A_100 = arith.constant 9360 : i32
        %dma_start3A_101 = arith.constant 0 : i32
        %dma_start3A_102 = tpu.memref_slice %arg5[%dma_start3A_100, %dma_start3A_101] : memref<10000x128xf32, #tpu.memory_space<hbm>> -> memref<640x128xf32, #tpu.memory_space<hbm>>
        tpu.enqueue_dma source(%dma_start3A_102 : memref<640x128xf32, #tpu.memory_space<hbm>>) target(%dma_start3A_99 : memref<640x128xf32, #tpu.memory_space<vmem_shared>>) target_semaphore(%run_scoped3A : memref<!tpu.dma_semaphore, #tpu.memory_space<semaphore_mem>>)
        %dma_wait3A_103 = arith.constant 9360 : i32
        %dma_wait3A_104 = arith.constant 0 : i32
        %dma_wait3A_105 = tpu.memref_slice %arg12[%dma_wait3A_103, %dma_wait3A_104] : memref<10000x128xf32, #tpu.memory_space<vmem_shared>> -> memref<640x128xf32, #tpu.memory_space<vmem_shared>>
        %dma_wait3A_106 = arith.constant 9360 : i32
        %dma_wait3A_107 = arith.constant 0 : i32
        %dma_wait3A_108 = tpu.memref_slice %arg5[%dma_wait3A_106, %dma_wait3A_107] : memref<10000x128xf32, #tpu.memory_space<hbm>> -> memref<640x128xf32, #tpu.memory_space<hbm>>
        tpu.wait_dma2 semaphore(%run_scoped3A : memref<!tpu.dma_semaphore, #tpu.memory_space<semaphore_mem>>) src(%dma_wait3A_108 : memref<640x128xf32, #tpu.memory_space<hbm>>) dst(%dma_wait3A_105 : memref<640x128xf32, #tpu.memory_space<vmem_shared>>)
        tpu.yield
      }) : () -> ()
    } else {
    }
    %barrier3A = arith.constant 0 : index
    tpu.barrier barrier_id(%barrier3A)
    %dma_start3A = arith.constant 0 : i32
    %dma_start3A_11 = arith.constant 0 : i32
    %dma_start3A_12 = tpu.memref_slice %arg7[%dma_start3A, %dma_start3A_11] : memref<125x80xi32, #tpu.memory_space<vmem>> -> memref<1x80xi32, #tpu.memory_space<vmem>>
    %dma_start3A_13 = tpu.memref_squeeze %dma_start3A_12 : memref<1x80xi32, #tpu.memory_space<vmem>> -> memref<80xi32, #tpu.memory_space<vmem>>
    %dma_start3A_14 = arith.constant 0 : i32
    %dma_start3A_15 = arith.constant 0 : i32
    %dma_start3A_16 = tpu.memref_slice %arg2[%dma_start3A_14, %dma_start3A_15] : memref<10000x128xf32, #tpu.memory_space<hbm>> -> memref<10000x128xf32, #tpu.memory_space<hbm>>
    tpu.enqueue_indirect_dma source(%dma_start3A_16 : memref<10000x128xf32, #tpu.memory_space<hbm>>) target(%arg9 : memref<80x128xf32, #tpu.memory_space<vmem>>) offsets(%dma_start3A_13 : memref<80xi32, #tpu.memory_space<vmem>>) semaphore(%arg13 : memref<!tpu.dma_semaphore, #tpu.memory_space<semaphore_mem>>)
    %dma_start3A_17 = arith.constant 1 : i32
    %dma_start3A_18 = arith.constant 0 : i32
    %dma_start3A_19 = tpu.memref_slice %arg7[%dma_start3A_17, %dma_start3A_18] : memref<125x80xi32, #tpu.memory_space<vmem>> -> memref<1x80xi32, #tpu.memory_space<vmem>>
    %dma_start3A_20 = tpu.memref_squeeze %dma_start3A_19 : memref<1x80xi32, #tpu.memory_space<vmem>> -> memref<80xi32, #tpu.memory_space<vmem>>
    %dma_start3A_21 = arith.constant 0 : i32
    %dma_start3A_22 = arith.constant 0 : i32
    %dma_start3A_23 = tpu.memref_slice %arg2[%dma_start3A_21, %dma_start3A_22] : memref<10000x128xf32, #tpu.memory_space<hbm>> -> memref<10000x128xf32, #tpu.memory_space<hbm>>
    tpu.enqueue_indirect_dma source(%dma_start3A_23 : memref<10000x128xf32, #tpu.memory_space<hbm>>) target(%arg10 : memref<80x128xf32, #tpu.memory_space<vmem>>) offsets(%dma_start3A_20 : memref<80xi32, #tpu.memory_space<vmem>>) semaphore(%arg14 : memref<!tpu.dma_semaphore, #tpu.memory_space<semaphore_mem>>)
    %dma_start3A_24 = arith.constant 2 : i32
    %dma_start3A_25 = arith.constant 0 : i32
    %dma_start3A_26 = tpu.memref_slice %arg7[%dma_start3A_24, %dma_start3A_25] : memref<125x80xi32, #tpu.memory_space<vmem>> -> memref<1x80xi32, #tpu.memory_space<vmem>>
    %dma_start3A_27 = tpu.memref_squeeze %dma_start3A_26 : memref<1x80xi32, #tpu.memory_space<vmem>> -> memref<80xi32, #tpu.memory_space<vmem>>
    %dma_start3A_28 = arith.constant 0 : i32
    %dma_start3A_29 = arith.constant 0 : i32
    %dma_start3A_30 = tpu.memref_slice %arg2[%dma_start3A_28, %dma_start3A_29] : memref<10000x128xf32, #tpu.memory_space<hbm>> -> memref<10000x128xf32, #tpu.memory_space<hbm>>
    tpu.enqueue_indirect_dma source(%dma_start3A_30 : memref<10000x128xf32, #tpu.memory_space<hbm>>) target(%arg11 : memref<80x128xf32, #tpu.memory_space<vmem>>) offsets(%dma_start3A_27 : memref<80xi32, #tpu.memory_space<vmem>>) semaphore(%arg15 : memref<!tpu.dma_semaphore, #tpu.memory_space<semaphore_mem>>)
    %scan3A = arith.constant 0 : i32
    %scan3A_31 = arith.constant 0 : i32
    %scan3A_32 = arith.constant 41 : i32
    %scan3A_33 = arith.addi %scan3A_31, %scan3A_32 : i32
    %scan3A_34 = arith.constant 1 : i32
    scf.for %scan3A_97 = %scan3A_31 to %scan3A_33 step %scan3A_34  : i32 {
      %mul3A_98 = arith.constant 3 : i32
      %mul3A_99 = arith.muli %mul3A_98, %scan3A_97 : i32
      %add3A_100 = arith.constant 0 : i32
      %add3A_101 = arith.addi %mul3A_99, %add3A_100 : i32
      %dma_wait3A_102 = arith.constant 0 : i32
      %dma_wait3A_103 = tpu.memref_slice %arg7[%add3A_101, %dma_wait3A_102] : memref<125x80xi32, #tpu.memory_space<vmem>> -> memref<1x80xi32, #tpu.memory_space<vmem>>
      %dma_wait3A_104 = tpu.memref_squeeze %dma_wait3A_103 : memref<1x80xi32, #tpu.memory_space<vmem>> -> memref<80xi32, #tpu.memory_space<vmem>>
      %dma_wait3A_105 = arith.constant 0 : i32
      %dma_wait3A_106 = arith.constant 0 : i32
      %dma_wait3A_107 = tpu.memref_slice %arg2[%dma_wait3A_105, %dma_wait3A_106] : memref<10000x128xf32, #tpu.memory_space<hbm>> -> memref<10000x128xf32, #tpu.memory_space<hbm>>
      tpu.wait_indirect_dma semaphore(%arg13 : memref<!tpu.dma_semaphore, #tpu.memory_space<semaphore_mem>>) src(%dma_wait3A_107 : memref<10000x128xf32, #tpu.memory_space<hbm>>) dst(%arg9 : memref<80x128xf32, #tpu.memory_space<vmem>>)
      %add3A_108 = arith.constant 0 : i32
      %add3A_109 = arith.addi %mul3A_99, %add3A_108 : i32
      %dma_start3A_110 = arith.constant 0 : i32
      %dma_start3A_111 = tpu.memref_slice %arg8[%add3A_109, %dma_start3A_110] : memref<125x80xi32, #tpu.memory_space<vmem>> -> memref<1x80xi32, #tpu.memory_space<vmem>>
      %dma_start3A_112 = tpu.memref_squeeze %dma_start3A_111 : memref<1x80xi32, #tpu.memory_space<vmem>> -> memref<80xi32, #tpu.memory_space<vmem>>
      %dma_start3A_113 = arith.constant 0 : i32
      %dma_start3A_114 = arith.constant 0 : i32
      %dma_start3A_115 = tpu.memref_slice %arg12[%dma_start3A_113, %dma_start3A_114] : memref<10000x128xf32, #tpu.memory_space<vmem_shared>> -> memref<10000x128xf32, #tpu.memory_space<vmem_shared>>
      tpu.enqueue_indirect_dma source(%arg9 : memref<80x128xf32, #tpu.memory_space<vmem>>) target(%dma_start3A_115 : memref<10000x128xf32, #tpu.memory_space<vmem_shared>>) offsets(%dma_start3A_112 : memref<80xi32, #tpu.memory_space<vmem>>) semaphore(%arg16 : memref<!tpu.dma_semaphore, #tpu.memory_space<semaphore_mem>>) {add = true}
      %add3A_116 = arith.constant 1 : i32
      %add3A_117 = arith.addi %mul3A_99, %add3A_116 : i32
      %dma_wait3A_118 = arith.constant 0 : i32
      %dma_wait3A_119 = tpu.memref_slice %arg7[%add3A_117, %dma_wait3A_118] : memref<125x80xi32, #tpu.memory_space<vmem>> -> memref<1x80xi32, #tpu.memory_space<vmem>>
      %dma_wait3A_120 = tpu.memref_squeeze %dma_wait3A_119 : memref<1x80xi32, #tpu.memory_space<vmem>> -> memref<80xi32, #tpu.memory_space<vmem>>
      %dma_wait3A_121 = arith.constant 0 : i32
      %dma_wait3A_122 = arith.constant 0 : i32
      %dma_wait3A_123 = tpu.memref_slice %arg2[%dma_wait3A_121, %dma_wait3A_122] : memref<10000x128xf32, #tpu.memory_space<hbm>> -> memref<10000x128xf32, #tpu.memory_space<hbm>>
      tpu.wait_indirect_dma semaphore(%arg14 : memref<!tpu.dma_semaphore, #tpu.memory_space<semaphore_mem>>) src(%dma_wait3A_123 : memref<10000x128xf32, #tpu.memory_space<hbm>>) dst(%arg10 : memref<80x128xf32, #tpu.memory_space<vmem>>)
      %add3A_124 = arith.constant 1 : i32
      %add3A_125 = arith.addi %mul3A_99, %add3A_124 : i32
      %dma_start3A_126 = arith.constant 0 : i32
      %dma_start3A_127 = tpu.memref_slice %arg8[%add3A_125, %dma_start3A_126] : memref<125x80xi32, #tpu.memory_space<vmem>> -> memref<1x80xi32, #tpu.memory_space<vmem>>
      %dma_start3A_128 = tpu.memref_squeeze %dma_start3A_127 : memref<1x80xi32, #tpu.memory_space<vmem>> -> memref<80xi32, #tpu.memory_space<vmem>>
      %dma_start3A_129 = arith.constant 0 : i32
      %dma_start3A_130 = arith.constant 0 : i32
      %dma_start3A_131 = tpu.memref_slice %arg12[%dma_start3A_129, %dma_start3A_130] : memref<10000x128xf32, #tpu.memory_space<vmem_shared>> -> memref<10000x128xf32, #tpu.memory_space<vmem_shared>>
      tpu.enqueue_indirect_dma source(%arg10 : memref<80x128xf32, #tpu.memory_space<vmem>>) target(%dma_start3A_131 : memref<10000x128xf32, #tpu.memory_space<vmem_shared>>) offsets(%dma_start3A_128 : memref<80xi32, #tpu.memory_space<vmem>>) semaphore(%arg17 : memref<!tpu.dma_semaphore, #tpu.memory_space<semaphore_mem>>) {add = true}
      %add3A_132 = arith.constant 2 : i32
      %add3A_133 = arith.addi %mul3A_99, %add3A_132 : i32
      %dma_wait3A_134 = arith.constant 0 : i32
      %dma_wait3A_135 = tpu.memref_slice %arg7[%add3A_133, %dma_wait3A_134] : memref<125x80xi32, #tpu.memory_space<vmem>> -> memref<1x80xi32, #tpu.memory_space<vmem>>
      %dma_wait3A_136 = tpu.memref_squeeze %dma_wait3A_135 : memref<1x80xi32, #tpu.memory_space<vmem>> -> memref<80xi32, #tpu.memory_space<vmem>>
      %dma_wait3A_137 = arith.constant 0 : i32
      %dma_wait3A_138 = arith.constant 0 : i32
      %dma_wait3A_139 = tpu.memref_slice %arg2[%dma_wait3A_137, %dma_wait3A_138] : memref<10000x128xf32, #tpu.memory_space<hbm>> -> memref<10000x128xf32, #tpu.memory_space<hbm>>
      tpu.wait_indirect_dma semaphore(%arg15 : memref<!tpu.dma_semaphore, #tpu.memory_space<semaphore_mem>>) src(%dma_wait3A_139 : memref<10000x128xf32, #tpu.memory_space<hbm>>) dst(%arg11 : memref<80x128xf32, #tpu.memory_space<vmem>>)
      %add3A_140 = arith.constant 2 : i32
      %add3A_141 = arith.addi %mul3A_99, %add3A_140 : i32
      %dma_start3A_142 = arith.constant 0 : i32
      %dma_start3A_143 = tpu.memref_slice %arg8[%add3A_141, %dma_start3A_142] : memref<125x80xi32, #tpu.memory_space<vmem>> -> memref<1x80xi32, #tpu.memory_space<vmem>>
      %dma_start3A_144 = tpu.memref_squeeze %dma_start3A_143 : memref<1x80xi32, #tpu.memory_space<vmem>> -> memref<80xi32, #tpu.memory_space<vmem>>
      %dma_start3A_145 = arith.constant 0 : i32
      %dma_start3A_146 = arith.constant 0 : i32
      %dma_start3A_147 = tpu.memref_slice %arg12[%dma_start3A_145, %dma_start3A_146] : memref<10000x128xf32, #tpu.memory_space<vmem_shared>> -> memref<10000x128xf32, #tpu.memory_space<vmem_shared>>
      tpu.enqueue_indirect_dma source(%arg11 : memref<80x128xf32, #tpu.memory_space<vmem>>) target(%dma_start3A_147 : memref<10000x128xf32, #tpu.memory_space<vmem_shared>>) offsets(%dma_start3A_144 : memref<80xi32, #tpu.memory_space<vmem>>) semaphore(%arg18 : memref<!tpu.dma_semaphore, #tpu.memory_space<semaphore_mem>>) {add = true}
      %add3A_148 = arith.constant 0 : i32
      %add3A_149 = arith.addi %mul3A_99, %add3A_148 : i32
      %add3A_150 = arith.constant 3 : i32
      %add3A_151 = arith.addi %add3A_149, %add3A_150 : i32
      %lt3A_152 = arith.constant 125 : i32
      %lt3A_153 = arith.cmpi slt, %add3A_151, %lt3A_152 : i32
      %convert_element_type3A_154 = arith.extui %lt3A_153 : i1 to i32
      %cond3A_155 = arith.constant 0 : i32
      %cond3A_156 = arith.cmpi ne, %convert_element_type3A_154, %cond3A_155 : i32
      scf.if %cond3A_156 {
        %add3A_175 = arith.constant 0 : i32
        %add3A_176 = arith.addi %mul3A_99, %add3A_175 : i32
        %dma_wait3A_177 = arith.constant 0 : i32
        %dma_wait3A_178 = tpu.memref_slice %arg8[%add3A_176, %dma_wait3A_177] : memref<125x80xi32, #tpu.memory_space<vmem>> -> memref<1x80xi32, #tpu.memory_space<vmem>>
        %dma_wait3A_179 = tpu.memref_squeeze %dma_wait3A_178 : memref<1x80xi32, #tpu.memory_space<vmem>> -> memref<80xi32, #tpu.memory_space<vmem>>
        %dma_wait3A_180 = arith.constant 0 : i32
        %dma_wait3A_181 = arith.constant 0 : i32
        %dma_wait3A_182 = tpu.memref_slice %arg12[%dma_wait3A_180, %dma_wait3A_181] : memref<10000x128xf32, #tpu.memory_space<vmem_shared>> -> memref<10000x128xf32, #tpu.memory_space<vmem_shared>>
        tpu.wait_indirect_dma semaphore(%arg16 : memref<!tpu.dma_semaphore, #tpu.memory_space<semaphore_mem>>) src(%arg9 : memref<80x128xf32, #tpu.memory_space<vmem>>) dst(%dma_wait3A_182 : memref<10000x128xf32, #tpu.memory_space<vmem_shared>>)
        %dma_start3A_183 = arith.constant 0 : i32
        %dma_start3A_184 = tpu.memref_slice %arg7[%add3A_151, %dma_start3A_183] : memref<125x80xi32, #tpu.memory_space<vmem>> -> memref<1x80xi32, #tpu.memory_space<vmem>>
        %dma_start3A_185 = tpu.memref_squeeze %dma_start3A_184 : memref<1x80xi32, #tpu.memory_space<vmem>> -> memref<80xi32, #tpu.memory_space<vmem>>
        %dma_start3A_186 = arith.constant 0 : i32
        %dma_start3A_187 = arith.constant 0 : i32
        %dma_start3A_188 = tpu.memref_slice %arg2[%dma_start3A_186, %dma_start3A_187] : memref<10000x128xf32, #tpu.memory_space<hbm>> -> memref<10000x128xf32, #tpu.memory_space<hbm>>
        tpu.enqueue_indirect_dma source(%dma_start3A_188 : memref<10000x128xf32, #tpu.memory_space<hbm>>) target(%arg9 : memref<80x128xf32, #tpu.memory_space<vmem>>) offsets(%dma_start3A_185 : memref<80xi32, #tpu.memory_space<vmem>>) semaphore(%arg13 : memref<!tpu.dma_semaphore, #tpu.memory_space<semaphore_mem>>)
      } else {
      }
      %add3A_157 = arith.constant 1 : i32
      %add3A_158 = arith.addi %mul3A_99, %add3A_157 : i32
      %add3A_159 = arith.constant 3 : i32
      %add3A_160 = arith.addi %add3A_158, %add3A_159 : i32
      %lt3A_161 = arith.constant 125 : i32
      %lt3A_162 = arith.cmpi slt, %add3A_160, %lt3A_161 : i32
      %convert_element_type3A_163 = arith.extui %lt3A_162 : i1 to i32
      %cond3A_164 = arith.constant 0 : i32
      %cond3A_165 = arith.cmpi ne, %convert_element_type3A_163, %cond3A_164 : i32
      scf.if %cond3A_165 {
        %add3A_175 = arith.constant 1 : i32
        %add3A_176 = arith.addi %mul3A_99, %add3A_175 : i32
        %dma_wait3A_177 = arith.constant 0 : i32
        %dma_wait3A_178 = tpu.memref_slice %arg8[%add3A_176, %dma_wait3A_177] : memref<125x80xi32, #tpu.memory_space<vmem>> -> memref<1x80xi32, #tpu.memory_space<vmem>>
        %dma_wait3A_179 = tpu.memref_squeeze %dma_wait3A_178 : memref<1x80xi32, #tpu.memory_space<vmem>> -> memref<80xi32, #tpu.memory_space<vmem>>
        %dma_wait3A_180 = arith.constant 0 : i32
        %dma_wait3A_181 = arith.constant 0 : i32
        %dma_wait3A_182 = tpu.memref_slice %arg12[%dma_wait3A_180, %dma_wait3A_181] : memref<10000x128xf32, #tpu.memory_space<vmem_shared>> -> memref<10000x128xf32, #tpu.memory_space<vmem_shared>>
        tpu.wait_indirect_dma semaphore(%arg17 : memref<!tpu.dma_semaphore, #tpu.memory_space<semaphore_mem>>) src(%arg10 : memref<80x128xf32, #tpu.memory_space<vmem>>) dst(%dma_wait3A_182 : memref<10000x128xf32, #tpu.memory_space<vmem_shared>>)
        %dma_start3A_183 = arith.constant 0 : i32
        %dma_start3A_184 = tpu.memref_slice %arg7[%add3A_160, %dma_start3A_183] : memref<125x80xi32, #tpu.memory_space<vmem>> -> memref<1x80xi32, #tpu.memory_space<vmem>>
        %dma_start3A_185 = tpu.memref_squeeze %dma_start3A_184 : memref<1x80xi32, #tpu.memory_space<vmem>> -> memref<80xi32, #tpu.memory_space<vmem>>
        %dma_start3A_186 = arith.constant 0 : i32
        %dma_start3A_187 = arith.constant 0 : i32
        %dma_start3A_188 = tpu.memref_slice %arg2[%dma_start3A_186, %dma_start3A_187] : memref<10000x128xf32, #tpu.memory_space<hbm>> -> memref<10000x128xf32, #tpu.memory_space<hbm>>
        tpu.enqueue_indirect_dma source(%dma_start3A_188 : memref<10000x128xf32, #tpu.memory_space<hbm>>) target(%arg10 : memref<80x128xf32, #tpu.memory_space<vmem>>) offsets(%dma_start3A_185 : memref<80xi32, #tpu.memory_space<vmem>>) semaphore(%arg14 : memref<!tpu.dma_semaphore, #tpu.memory_space<semaphore_mem>>)
      } else {
      }
      %add3A_166 = arith.constant 2 : i32
      %add3A_167 = arith.addi %mul3A_99, %add3A_166 : i32
      %add3A_168 = arith.constant 3 : i32
      %add3A_169 = arith.addi %add3A_167, %add3A_168 : i32
      %lt3A_170 = arith.constant 125 : i32
      %lt3A_171 = arith.cmpi slt, %add3A_169, %lt3A_170 : i32
      %convert_element_type3A_172 = arith.extui %lt3A_171 : i1 to i32
      %cond3A_173 = arith.constant 0 : i32
      %cond3A_174 = arith.cmpi ne, %convert_element_type3A_172, %cond3A_173 : i32
      scf.if %cond3A_174 {
        %add3A_175 = arith.constant 2 : i32
        %add3A_176 = arith.addi %mul3A_99, %add3A_175 : i32
        %dma_wait3A_177 = arith.constant 0 : i32
        %dma_wait3A_178 = tpu.memref_slice %arg8[%add3A_176, %dma_wait3A_177] : memref<125x80xi32, #tpu.memory_space<vmem>> -> memref<1x80xi32, #tpu.memory_space<vmem>>
        %dma_wait3A_179 = tpu.memref_squeeze %dma_wait3A_178 : memref<1x80xi32, #tpu.memory_space<vmem>> -> memref<80xi32, #tpu.memory_space<vmem>>
        %dma_wait3A_180 = arith.constant 0 : i32
        %dma_wait3A_181 = arith.constant 0 : i32
        %dma_wait3A_182 = tpu.memref_slice %arg12[%dma_wait3A_180, %dma_wait3A_181] : memref<10000x128xf32, #tpu.memory_space<vmem_shared>> -> memref<10000x128xf32, #tpu.memory_space<vmem_shared>>
        tpu.wait_indirect_dma semaphore(%arg18 : memref<!tpu.dma_semaphore, #tpu.memory_space<semaphore_mem>>) src(%arg11 : memref<80x128xf32, #tpu.memory_space<vmem>>) dst(%dma_wait3A_182 : memref<10000x128xf32, #tpu.memory_space<vmem_shared>>)
        %dma_start3A_183 = arith.constant 0 : i32
        %dma_start3A_184 = tpu.memref_slice %arg7[%add3A_169, %dma_start3A_183] : memref<125x80xi32, #tpu.memory_space<vmem>> -> memref<1x80xi32, #tpu.memory_space<vmem>>
        %dma_start3A_185 = tpu.memref_squeeze %dma_start3A_184 : memref<1x80xi32, #tpu.memory_space<vmem>> -> memref<80xi32, #tpu.memory_space<vmem>>
        %dma_start3A_186 = arith.constant 0 : i32
        %dma_start3A_187 = arith.constant 0 : i32
        %dma_start3A_188 = tpu.memref_slice %arg2[%dma_start3A_186, %dma_start3A_187] : memref<10000x128xf32, #tpu.memory_space<hbm>> -> memref<10000x128xf32, #tpu.memory_space<hbm>>
        tpu.enqueue_indirect_dma source(%dma_start3A_188 : memref<10000x128xf32, #tpu.memory_space<hbm>>) target(%arg11 : memref<80x128xf32, #tpu.memory_space<vmem>>) offsets(%dma_start3A_185 : memref<80xi32, #tpu.memory_space<vmem>>) semaphore(%arg15 : memref<!tpu.dma_semaphore, #tpu.memory_space<semaphore_mem>>)
      } else {
      }
    }
    %scan3A_35 = arith.constant 41 : i32
    %dma_wait3A = arith.constant 123 : i32
    %dma_wait3A_36 = arith.constant 0 : i32
    %dma_wait3A_37 = tpu.memref_slice %arg7[%dma_wait3A, %dma_wait3A_36] : memref<125x80xi32, #tpu.memory_space<vmem>> -> memref<1x80xi32, #tpu.memory_space<vmem>>
    %dma_wait3A_38 = tpu.memref_squeeze %dma_wait3A_37 : memref<1x80xi32, #tpu.memory_space<vmem>> -> memref<80xi32, #tpu.memory_space<vmem>>
    %dma_wait3A_39 = arith.constant 0 : i32
    %dma_wait3A_40 = arith.constant 0 : i32
    %dma_wait3A_41 = tpu.memref_slice %arg2[%dma_wait3A_39, %dma_wait3A_40] : memref<10000x128xf32, #tpu.memory_space<hbm>> -> memref<10000x128xf32, #tpu.memory_space<hbm>>
    tpu.wait_indirect_dma semaphore(%arg13 : memref<!tpu.dma_semaphore, #tpu.memory_space<semaphore_mem>>) src(%dma_wait3A_41 : memref<10000x128xf32, #tpu.memory_space<hbm>>) dst(%arg9 : memref<80x128xf32, #tpu.memory_space<vmem>>)
    %dma_start3A_42 = arith.constant 123 : i32
    %dma_start3A_43 = arith.constant 0 : i32
    %dma_start3A_44 = tpu.memref_slice %arg8[%dma_start3A_42, %dma_start3A_43] : memref<125x80xi32, #tpu.memory_space<vmem>> -> memref<1x80xi32, #tpu.memory_space<vmem>>
    %dma_start3A_45 = tpu.memref_squeeze %dma_start3A_44 : memref<1x80xi32, #tpu.memory_space<vmem>> -> memref<80xi32, #tpu.memory_space<vmem>>
    %dma_start3A_46 = arith.constant 0 : i32
    %dma_start3A_47 = arith.constant 0 : i32
    %dma_start3A_48 = tpu.memref_slice %arg12[%dma_start3A_46, %dma_start3A_47] : memref<10000x128xf32, #tpu.memory_space<vmem_shared>> -> memref<10000x128xf32, #tpu.memory_space<vmem_shared>>
    tpu.enqueue_indirect_dma source(%arg9 : memref<80x128xf32, #tpu.memory_space<vmem>>) target(%dma_start3A_48 : memref<10000x128xf32, #tpu.memory_space<vmem_shared>>) offsets(%dma_start3A_45 : memref<80xi32, #tpu.memory_space<vmem>>) semaphore(%arg16 : memref<!tpu.dma_semaphore, #tpu.memory_space<semaphore_mem>>) {add = true}
    %dma_wait3A_49 = arith.constant 123 : i32
    %dma_wait3A_50 = arith.constant 0 : i32
    %dma_wait3A_51 = tpu.memref_slice %arg8[%dma_wait3A_49, %dma_wait3A_50] : memref<125x80xi32, #tpu.memory_space<vmem>> -> memref<1x80xi32, #tpu.memory_space<vmem>>
    %dma_wait3A_52 = tpu.memref_squeeze %dma_wait3A_51 : memref<1x80xi32, #tpu.memory_space<vmem>> -> memref<80xi32, #tpu.memory_space<vmem>>
    %dma_wait3A_53 = arith.constant 0 : i32
    %dma_wait3A_54 = arith.constant 0 : i32
    %dma_wait3A_55 = tpu.memref_slice %arg12[%dma_wait3A_53, %dma_wait3A_54] : memref<10000x128xf32, #tpu.memory_space<vmem_shared>> -> memref<10000x128xf32, #tpu.memory_space<vmem_shared>>
    tpu.wait_indirect_dma semaphore(%arg16 : memref<!tpu.dma_semaphore, #tpu.memory_space<semaphore_mem>>) src(%arg9 : memref<80x128xf32, #tpu.memory_space<vmem>>) dst(%dma_wait3A_55 : memref<10000x128xf32, #tpu.memory_space<vmem_shared>>)
    %dma_wait3A_56 = arith.constant 124 : i32
    %dma_wait3A_57 = arith.constant 0 : i32
    %dma_wait3A_58 = tpu.memref_slice %arg7[%dma_wait3A_56, %dma_wait3A_57] : memref<125x80xi32, #tpu.memory_space<vmem>> -> memref<1x80xi32, #tpu.memory_space<vmem>>
    %dma_wait3A_59 = tpu.memref_squeeze %dma_wait3A_58 : memref<1x80xi32, #tpu.memory_space<vmem>> -> memref<80xi32, #tpu.memory_space<vmem>>
    %dma_wait3A_60 = arith.constant 0 : i32
    %dma_wait3A_61 = arith.constant 0 : i32
    %dma_wait3A_62 = tpu.memref_slice %arg2[%dma_wait3A_60, %dma_wait3A_61] : memref<10000x128xf32, #tpu.memory_space<hbm>> -> memref<10000x128xf32, #tpu.memory_space<hbm>>
    tpu.wait_indirect_dma semaphore(%arg14 : memref<!tpu.dma_semaphore, #tpu.memory_space<semaphore_mem>>) src(%dma_wait3A_62 : memref<10000x128xf32, #tpu.memory_space<hbm>>) dst(%arg10 : memref<80x128xf32, #tpu.memory_space<vmem>>)
    %dma_start3A_63 = arith.constant 124 : i32
    %dma_start3A_64 = arith.constant 0 : i32
    %dma_start3A_65 = tpu.memref_slice %arg8[%dma_start3A_63, %dma_start3A_64] : memref<125x80xi32, #tpu.memory_space<vmem>> -> memref<1x80xi32, #tpu.memory_space<vmem>>
    %dma_start3A_66 = tpu.memref_squeeze %dma_start3A_65 : memref<1x80xi32, #tpu.memory_space<vmem>> -> memref<80xi32, #tpu.memory_space<vmem>>
    %dma_start3A_67 = arith.constant 0 : i32
    %dma_start3A_68 = arith.constant 0 : i32
    %dma_start3A_69 = tpu.memref_slice %arg12[%dma_start3A_67, %dma_start3A_68] : memref<10000x128xf32, #tpu.memory_space<vmem_shared>> -> memref<10000x128xf32, #tpu.memory_space<vmem_shared>>
    tpu.enqueue_indirect_dma source(%arg10 : memref<80x128xf32, #tpu.memory_space<vmem>>) target(%dma_start3A_69 : memref<10000x128xf32, #tpu.memory_space<vmem_shared>>) offsets(%dma_start3A_66 : memref<80xi32, #tpu.memory_space<vmem>>) semaphore(%arg17 : memref<!tpu.dma_semaphore, #tpu.memory_space<semaphore_mem>>) {add = true}
    %dma_wait3A_70 = arith.constant 124 : i32
    %dma_wait3A_71 = arith.constant 0 : i32
    %dma_wait3A_72 = tpu.memref_slice %arg8[%dma_wait3A_70, %dma_wait3A_71] : memref<125x80xi32, #tpu.memory_space<vmem>> -> memref<1x80xi32, #tpu.memory_space<vmem>>
    %dma_wait3A_73 = tpu.memref_squeeze %dma_wait3A_72 : memref<1x80xi32, #tpu.memory_space<vmem>> -> memref<80xi32, #tpu.memory_space<vmem>>
    %dma_wait3A_74 = arith.constant 0 : i32
    %dma_wait3A_75 = arith.constant 0 : i32
    %dma_wait3A_76 = tpu.memref_slice %arg12[%dma_wait3A_74, %dma_wait3A_75] : memref<10000x128xf32, #tpu.memory_space<vmem_shared>> -> memref<10000x128xf32, #tpu.memory_space<vmem_shared>>
    tpu.wait_indirect_dma semaphore(%arg17 : memref<!tpu.dma_semaphore, #tpu.memory_space<semaphore_mem>>) src(%arg10 : memref<80x128xf32, #tpu.memory_space<vmem>>) dst(%dma_wait3A_76 : memref<10000x128xf32, #tpu.memory_space<vmem_shared>>)
    %dma_wait3A_77 = arith.constant 122 : i32
    %dma_wait3A_78 = arith.constant 0 : i32
    %dma_wait3A_79 = tpu.memref_slice %arg8[%dma_wait3A_77, %dma_wait3A_78] : memref<125x80xi32, #tpu.memory_space<vmem>> -> memref<1x80xi32, #tpu.memory_space<vmem>>
    %dma_wait3A_80 = tpu.memref_squeeze %dma_wait3A_79 : memref<1x80xi32, #tpu.memory_space<vmem>> -> memref<80xi32, #tpu.memory_space<vmem>>
    %dma_wait3A_81 = arith.constant 0 : i32
    %dma_wait3A_82 = arith.constant 0 : i32
    %dma_wait3A_83 = tpu.memref_slice %arg12[%dma_wait3A_81, %dma_wait3A_82] : memref<10000x128xf32, #tpu.memory_space<vmem_shared>> -> memref<10000x128xf32, #tpu.memory_space<vmem_shared>>
    tpu.wait_indirect_dma semaphore(%arg18 : memref<!tpu.dma_semaphore, #tpu.memory_space<semaphore_mem>>) src(%arg11 : memref<80x128xf32, #tpu.memory_space<vmem>>) dst(%dma_wait3A_83 : memref<10000x128xf32, #tpu.memory_space<vmem_shared>>)
    %barrier3A_84 = arith.constant 0 : index
    tpu.barrier barrier_id(%barrier3A_84)
    %mul3A_85 = arith.constant 624 : i32
    %mul3A_86 = arith.muli %arg1, %mul3A_85 : i32
    %lt3A_87 = arith.constant 15 : i32
    %lt3A_88 = arith.cmpi slt, %arg1, %lt3A_87 : i32
    %convert_element_type3A_89 = arith.extui %lt3A_88 : i1 to i32
    %cond3A_90 = arith.constant 0 : i32
    %cond3A_91 = arith.cmpi ne, %convert_element_type3A_89, %cond3A_90 : i32
    scf.if %cond3A_91 {
      "tpu.region"() ({
        %run_scoped3A = tpu.sem_alloc : memref<!tpu.dma_semaphore, #tpu.memory_space<semaphore_mem>>
        %dma_start3A_97 = arith.constant 0 : i32
        %dma_start3A_98 = arith.constant 0 : i32
        %dma_start3A_99 = tpu.memref_slice %arg6[%arg0, %dma_start3A_97, %dma_start3A_98] : memref<2x10000x128xf32, #tpu.memory_space<hbm>> -> memref<1x10000x128xf32, #tpu.memory_space<hbm>>
        %dma_start3A_100 = tpu.memref_squeeze %dma_start3A_99 : memref<1x10000x128xf32, #tpu.memory_space<hbm>> -> memref<10000x128xf32, #tpu.memory_space<hbm>>
        %dma_start3A_101 = arith.constant 0 : i32
        %dma_start3A_102 = tpu.memref_slice %dma_start3A_100[%mul3A_86, %dma_start3A_101] : memref<10000x128xf32, #tpu.memory_space<hbm>> -> memref<624x128xf32, #tpu.memory_space<hbm>>
        %dma_start3A_103 = arith.constant 0 : i32
        %dma_start3A_104 = tpu.memref_slice %arg12[%mul3A_86, %dma_start3A_103] : memref<10000x128xf32, #tpu.memory_space<vmem_shared>> -> memref<624x128xf32, #tpu.memory_space<vmem_shared>>
        tpu.enqueue_dma source(%dma_start3A_104 : memref<624x128xf32, #tpu.memory_space<vmem_shared>>) target(%dma_start3A_102 : memref<624x128xf32, #tpu.memory_space<hbm>>) target_semaphore(%run_scoped3A : memref<!tpu.dma_semaphore, #tpu.memory_space<semaphore_mem>>)
        %dma_wait3A_105 = arith.constant 0 : i32
        %dma_wait3A_106 = arith.constant 0 : i32
        %dma_wait3A_107 = tpu.memref_slice %arg6[%arg0, %dma_wait3A_105, %dma_wait3A_106] : memref<2x10000x128xf32, #tpu.memory_space<hbm>> -> memref<1x10000x128xf32, #tpu.memory_space<hbm>>
        %dma_wait3A_108 = tpu.memref_squeeze %dma_wait3A_107 : memref<1x10000x128xf32, #tpu.memory_space<hbm>> -> memref<10000x128xf32, #tpu.memory_space<hbm>>
        %dma_wait3A_109 = arith.constant 0 : i32
        %dma_wait3A_110 = tpu.memref_slice %dma_wait3A_108[%mul3A_86, %dma_wait3A_109] : memref<10000x128xf32, #tpu.memory_space<hbm>> -> memref<624x128xf32, #tpu.memory_space<hbm>>
        %dma_wait3A_111 = arith.constant 0 : i32
        %dma_wait3A_112 = tpu.memref_slice %arg12[%mul3A_86, %dma_wait3A_111] : memref<10000x128xf32, #tpu.memory_space<vmem_shared>> -> memref<624x128xf32, #tpu.memory_space<vmem_shared>>
        tpu.wait_dma2 semaphore(%run_scoped3A : memref<!tpu.dma_semaphore, #tpu.memory_space<semaphore_mem>>) src(%dma_wait3A_112 : memref<624x128xf32, #tpu.memory_space<vmem_shared>>) dst(%dma_wait3A_110 : memref<624x128xf32, #tpu.memory_space<hbm>>)
        tpu.yield
      }) : () -> ()
    } else {
    }
    %eq3A_92 = arith.constant 15 : i32
    %eq3A_93 = arith.cmpi eq, %arg1, %eq3A_92 : i32
    %convert_element_type3A_94 = arith.extui %eq3A_93 : i1 to i32
    %cond3A_95 = arith.constant 0 : i32
    %cond3A_96 = arith.cmpi ne, %convert_element_type3A_94, %cond3A_95 : i32
    scf.if %cond3A_96 {
      "tpu.region"() ({
        %run_scoped3A = tpu.sem_alloc : memref<!tpu.dma_semaphore, #tpu.memory_space<semaphore_mem>>
        %dma_start3A_97 = arith.constant 0 : i32
        %dma_start3A_98 = arith.constant 0 : i32
        %dma_start3A_99 = tpu.memref_slice %arg6[%arg0, %dma_start3A_97, %dma_start3A_98] : memref<2x10000x128xf32, #tpu.memory_space<hbm>> -> memref<1x10000x128xf32, #tpu.memory_space<hbm>>
        %dma_start3A_100 = tpu.memref_squeeze %dma_start3A_99 : memref<1x10000x128xf32, #tpu.memory_space<hbm>> -> memref<10000x128xf32, #tpu.memory_space<hbm>>
        %dma_start3A_101 = arith.constant 9360 : i32
        %dma_start3A_102 = arith.constant 0 : i32
        %dma_start3A_103 = tpu.memref_slice %dma_start3A_100[%dma_start3A_101, %dma_start3A_102] : memref<10000x128xf32, #tpu.memory_space<hbm>> -> memref<640x128xf32, #tpu.memory_space<hbm>>
        %dma_start3A_104 = arith.constant 9360 : i32
        %dma_start3A_105 = arith.constant 0 : i32
        %dma_start3A_106 = tpu.memref_slice %arg12[%dma_start3A_104, %dma_start3A_105] : memref<10000x128xf32, #tpu.memory_space<vmem_shared>> -> memref<640x128xf32, #tpu.memory_space<vmem_shared>>
        tpu.enqueue_dma source(%dma_start3A_106 : memref<640x128xf32, #tpu.memory_space<vmem_shared>>) target(%dma_start3A_103 : memref<640x128xf32, #tpu.memory_space<hbm>>) target_semaphore(%run_scoped3A : memref<!tpu.dma_semaphore, #tpu.memory_space<semaphore_mem>>)
        %dma_wait3A_107 = arith.constant 0 : i32
        %dma_wait3A_108 = arith.constant 0 : i32
        %dma_wait3A_109 = tpu.memref_slice %arg6[%arg0, %dma_wait3A_107, %dma_wait3A_108] : memref<2x10000x128xf32, #tpu.memory_space<hbm>> -> memref<1x10000x128xf32, #tpu.memory_space<hbm>>
        %dma_wait3A_110 = tpu.memref_squeeze %dma_wait3A_109 : memref<1x10000x128xf32, #tpu.memory_space<hbm>> -> memref<10000x128xf32, #tpu.memory_space<hbm>>
        %dma_wait3A_111 = arith.constant 9360 : i32
        %dma_wait3A_112 = arith.constant 0 : i32
        %dma_wait3A_113 = tpu.memref_slice %dma_wait3A_110[%dma_wait3A_111, %dma_wait3A_112] : memref<10000x128xf32, #tpu.memory_space<hbm>> -> memref<640x128xf32, #tpu.memory_space<hbm>>
        %dma_wait3A_114 = arith.constant 9360 : i32
        %dma_wait3A_115 = arith.constant 0 : i32
        %dma_wait3A_116 = tpu.memref_slice %arg12[%dma_wait3A_114, %dma_wait3A_115] : memref<10000x128xf32, #tpu.memory_space<vmem_shared>> -> memref<640x128xf32, #tpu.memory_space<vmem_shared>>
        tpu.wait_dma2 semaphore(%run_scoped3A : memref<!tpu.dma_semaphore, #tpu.memory_space<semaphore_mem>>) src(%dma_wait3A_116 : memref<640x128xf32, #tpu.memory_space<vmem_shared>>) dst(%dma_wait3A_113 : memref<640x128xf32, #tpu.memory_space<hbm>>)
        tpu.yield
      }) : () -> ()
    } else {
    }
    return
  }
}

#map = affine_map<(d0, d1) -> (0, 0)>
#map1 = affine_map<(d0, d1) -> (0, 0, 0)>
module attributes {stable_mosaic.version = 14 : i64} {
  func.func @agg(%arg0: i32, %arg1: i32, %arg2: memref<10000x128xf32, #tpu.memory_space<hbm>>, %arg3: memref<4000x80xi32, #tpu.memory_space<hbm>>, %arg4: memref<4000x80xi32, #tpu.memory_space<hbm>>, %arg5: memref<10000x128xf32, #tpu.memory_space<hbm>>, %arg6: memref<2x10000x128xf32, #tpu.memory_space<hbm>>, %arg7: memref<125x80xi32, #tpu.memory_space<vmem>>, %arg8: memref<125x80xi32, #tpu.memory_space<vmem>>, %arg9: memref<80x128xf32, #tpu.memory_space<vmem>>, %arg10: memref<80x128xf32, #tpu.memory_space<vmem>>, %arg11: memref<80x128xf32, #tpu.memory_space<vmem>>, %arg12: memref<10000x128xf32, #tpu.memory_space<vmem_shared>>, %arg13: memref<!tpu.dma_semaphore, #tpu.memory_space<semaphore_mem>>, %arg14: memref<!tpu.dma_semaphore, #tpu.memory_space<semaphore_mem>>, %arg15: memref<!tpu.dma_semaphore, #tpu.memory_space<semaphore_mem>>, %arg16: memref<!tpu.dma_semaphore, #tpu.memory_space<semaphore_mem>>, %arg17: memref<!tpu.dma_semaphore, #tpu.memory_space<semaphore_mem>>, %arg18: memref<!tpu.dma_semaphore, #tpu.memory_space<semaphore_mem>>) attributes {dimension_semantics = [#tpu.dimension_semantics<core_parallel>, #tpu.dimension_semantics<subcore_parallel>], iteration_bounds = array<i64: 2, 16>, scalar_prefetch = 0 : i64, scratch_operands = 12 : i64, tpu.core_type = #tpu.core_type<sc_vector_subcore>, window_params = [{transform_indices = #map}, {transform_indices = #map}, {transform_indices = #map}, {transform_indices = #map}, {transform_indices = #map1}]} {
    %mul3A = arith.constant 2000 : i32
    %mul3A_0 = arith.muli %arg0, %mul3A : i32
    %mul3A_1 = arith.constant 125 : i32
    %mul3A_2 = arith.muli %arg1, %mul3A_1 : i32
    %add3A = arith.addi %mul3A_0, %mul3A_2 : i32
    "tpu.region"() ({
      %run_scoped3A = tpu.sem_alloc : memref<!tpu.dma_semaphore, #tpu.memory_space<semaphore_mem>>
      %dma_start3A_97 = arith.constant 0 : i32
      %dma_start3A_98 = tpu.memref_slice %arg3[%add3A, %dma_start3A_97] : memref<4000x80xi32, #tpu.memory_space<hbm>> -> memref<125x80xi32, #tpu.memory_space<hbm>>
      %dma_start3A_99 = arith.constant 0 : i32
      %dma_start3A_100 = tpu.memref_slice %arg3[%add3A, %dma_start3A_99] : memref<4000x80xi32, #tpu.memory_space<hbm>> -> memref<125x80xi32, #tpu.memory_space<hbm>>
      tpu.enqueue_dma source(%dma_start3A_100 : memref<125x80xi32, #tpu.memory_space<hbm>>) target(%arg7 : memref<125x80xi32, #tpu.memory_space<vmem>>) target_semaphore(%run_scoped3A : memref<!tpu.dma_semaphore, #tpu.memory_space<semaphore_mem>>)
      %dma_wait3A_101 = arith.constant 0 : i32
      %dma_wait3A_102 = tpu.memref_slice %arg3[%add3A, %dma_wait3A_101] : memref<4000x80xi32, #tpu.memory_space<hbm>> -> memref<125x80xi32, #tpu.memory_space<hbm>>
      %dma_wait3A_103 = arith.constant 0 : i32
      %dma_wait3A_104 = tpu.memref_slice %arg3[%add3A, %dma_wait3A_103] : memref<4000x80xi32, #tpu.memory_space<hbm>> -> memref<125x80xi32, #tpu.memory_space<hbm>>
      tpu.wait_dma2 semaphore(%run_scoped3A : memref<!tpu.dma_semaphore, #tpu.memory_space<semaphore_mem>>) src(%dma_wait3A_104 : memref<125x80xi32, #tpu.memory_space<hbm>>) dst(%arg7 : memref<125x80xi32, #tpu.memory_space<vmem>>)
      tpu.yield
    }) : () -> ()
    "tpu.region"() ({
      %run_scoped3A = tpu.sem_alloc : memref<!tpu.dma_semaphore, #tpu.memory_space<semaphore_mem>>
      %dma_start3A_97 = arith.constant 0 : i32
      %dma_start3A_98 = tpu.memref_slice %arg4[%add3A, %dma_start3A_97] : memref<4000x80xi32, #tpu.memory_space<hbm>> -> memref<125x80xi32, #tpu.memory_space<hbm>>
      %dma_start3A_99 = arith.constant 0 : i32
      %dma_start3A_100 = tpu.memref_slice %arg4[%add3A, %dma_start3A_99] : memref<4000x80xi32, #tpu.memory_space<hbm>> -> memref<125x80xi32, #tpu.memory_space<hbm>>
      tpu.enqueue_dma source(%dma_start3A_100 : memref<125x80xi32, #tpu.memory_space<hbm>>) target(%arg8 : memref<125x80xi32, #tpu.memory_space<vmem>>) target_semaphore(%run_scoped3A : memref<!tpu.dma_semaphore, #tpu.memory_space<semaphore_mem>>)
      %dma_wait3A_101 = arith.constant 0 : i32
      %dma_wait3A_102 = tpu.memref_slice %arg4[%add3A, %dma_wait3A_101] : memref<4000x80xi32, #tpu.memory_space<hbm>> -> memref<125x80xi32, #tpu.memory_space<hbm>>
      %dma_wait3A_103 = arith.constant 0 : i32
      %dma_wait3A_104 = tpu.memref_slice %arg4[%add3A, %dma_wait3A_103] : memref<4000x80xi32, #tpu.memory_space<hbm>> -> memref<125x80xi32, #tpu.memory_space<hbm>>
      tpu.wait_dma2 semaphore(%run_scoped3A : memref<!tpu.dma_semaphore, #tpu.memory_space<semaphore_mem>>) src(%dma_wait3A_104 : memref<125x80xi32, #tpu.memory_space<hbm>>) dst(%arg8 : memref<125x80xi32, #tpu.memory_space<vmem>>)
      tpu.yield
    }) : () -> ()
    %mul3A_3 = arith.constant 624 : i32
    %mul3A_4 = arith.muli %arg1, %mul3A_3 : i32
    %lt3A = arith.constant 15 : i32
    %lt3A_5 = arith.cmpi slt, %arg1, %lt3A : i32
    %convert_element_type3A = arith.extui %lt3A_5 : i1 to i32
    %cond3A = arith.constant 0 : i32
    %cond3A_6 = arith.cmpi ne, %convert_element_type3A, %cond3A : i32
    scf.if %cond3A_6 {
      "tpu.region"() ({
        %run_scoped3A = tpu.sem_alloc : memref<!tpu.dma_semaphore, #tpu.memory_space<semaphore_mem>>
        %dma_start3A_97 = arith.constant 0 : i32
        %dma_start3A_98 = tpu.memref_slice %arg12[%mul3A_4, %dma_start3A_97] : memref<10000x128xf32, #tpu.memory_space<vmem_shared>> -> memref<624x128xf32, #tpu.memory_space<vmem_shared>>
        %dma_start3A_99 = arith.constant 0 : i32
        %dma_start3A_100 = tpu.memref_slice %arg5[%mul3A_4, %dma_start3A_99] : memref<10000x128xf32, #tpu.memory_space<hbm>> -> memref<624x128xf32, #tpu.memory_space<hbm>>
        tpu.enqueue_dma source(%dma_start3A_100 : memref<624x128xf32, #tpu.memory_space<hbm>>) target(%dma_start3A_98 : memref<624x128xf32, #tpu.memory_space<vmem_shared>>) target_semaphore(%run_scoped3A : memref<!tpu.dma_semaphore, #tpu.memory_space<semaphore_mem>>)
        %dma_wait3A_101 = arith.constant 0 : i32
        %dma_wait3A_102 = tpu.memref_slice %arg12[%mul3A_4, %dma_wait3A_101] : memref<10000x128xf32, #tpu.memory_space<vmem_shared>> -> memref<624x128xf32, #tpu.memory_space<vmem_shared>>
        %dma_wait3A_103 = arith.constant 0 : i32
        %dma_wait3A_104 = tpu.memref_slice %arg5[%mul3A_4, %dma_wait3A_103] : memref<10000x128xf32, #tpu.memory_space<hbm>> -> memref<624x128xf32, #tpu.memory_space<hbm>>
        tpu.wait_dma2 semaphore(%run_scoped3A : memref<!tpu.dma_semaphore, #tpu.memory_space<semaphore_mem>>) src(%dma_wait3A_104 : memref<624x128xf32, #tpu.memory_space<hbm>>) dst(%dma_wait3A_102 : memref<624x128xf32, #tpu.memory_space<vmem_shared>>)
        tpu.yield
      }) : () -> ()
    } else {
    }
    %eq3A = arith.constant 15 : i32
    %eq3A_7 = arith.cmpi eq, %arg1, %eq3A : i32
    %convert_element_type3A_8 = arith.extui %eq3A_7 : i1 to i32
    %cond3A_9 = arith.constant 0 : i32
    %cond3A_10 = arith.cmpi ne, %convert_element_type3A_8, %cond3A_9 : i32
    scf.if %cond3A_10 {
      "tpu.region"() ({
        %run_scoped3A = tpu.sem_alloc : memref<!tpu.dma_semaphore, #tpu.memory_space<semaphore_mem>>
        %dma_start3A_97 = arith.constant 9360 : i32
        %dma_start3A_98 = arith.constant 0 : i32
        %dma_start3A_99 = tpu.memref_slice %arg12[%dma_start3A_97, %dma_start3A_98] : memref<10000x128xf32, #tpu.memory_space<vmem_shared>> -> memref<640x128xf32, #tpu.memory_space<vmem_shared>>
        %dma_start3A_100 = arith.constant 9360 : i32
        %dma_start3A_101 = arith.constant 0 : i32
        %dma_start3A_102 = tpu.memref_slice %arg5[%dma_start3A_100, %dma_start3A_101] : memref<10000x128xf32, #tpu.memory_space<hbm>> -> memref<640x128xf32, #tpu.memory_space<hbm>>
        tpu.enqueue_dma source(%dma_start3A_102 : memref<640x128xf32, #tpu.memory_space<hbm>>) target(%dma_start3A_99 : memref<640x128xf32, #tpu.memory_space<vmem_shared>>) target_semaphore(%run_scoped3A : memref<!tpu.dma_semaphore, #tpu.memory_space<semaphore_mem>>)
        %dma_wait3A_103 = arith.constant 9360 : i32
        %dma_wait3A_104 = arith.constant 0 : i32
        %dma_wait3A_105 = tpu.memref_slice %arg12[%dma_wait3A_103, %dma_wait3A_104] : memref<10000x128xf32, #tpu.memory_space<vmem_shared>> -> memref<640x128xf32, #tpu.memory_space<vmem_shared>>
        %dma_wait3A_106 = arith.constant 9360 : i32
        %dma_wait3A_107 = arith.constant 0 : i32
        %dma_wait3A_108 = tpu.memref_slice %arg5[%dma_wait3A_106, %dma_wait3A_107] : memref<10000x128xf32, #tpu.memory_space<hbm>> -> memref<640x128xf32, #tpu.memory_space<hbm>>
        tpu.wait_dma2 semaphore(%run_scoped3A : memref<!tpu.dma_semaphore, #tpu.memory_space<semaphore_mem>>) src(%dma_wait3A_108 : memref<640x128xf32, #tpu.memory_space<hbm>>) dst(%dma_wait3A_105 : memref<640x128xf32, #tpu.memory_space<vmem_shared>>)
        tpu.yield
      }) : () -> ()
    } else {
    }
    %barrier3A = arith.constant 0 : index
    tpu.barrier barrier_id(%barrier3A)
    %dma_start3A = arith.constant 0 : i32
    %dma_start3A_11 = arith.constant 0 : i32
    %dma_start3A_12 = tpu.memref_slice %arg7[%dma_start3A, %dma_start3A_11] : memref<125x80xi32, #tpu.memory_space<vmem>> -> memref<1x80xi32, #tpu.memory_space<vmem>>
    %dma_start3A_13 = tpu.memref_squeeze %dma_start3A_12 : memref<1x80xi32, #tpu.memory_space<vmem>> -> memref<80xi32, #tpu.memory_space<vmem>>
    %dma_start3A_14 = arith.constant 0 : i32
    %dma_start3A_15 = arith.constant 0 : i32
    %dma_start3A_16 = tpu.memref_slice %arg2[%dma_start3A_14, %dma_start3A_15] : memref<10000x128xf32, #tpu.memory_space<hbm>> -> memref<10000x128xf32, #tpu.memory_space<hbm>>
    tpu.enqueue_indirect_dma source(%dma_start3A_16 : memref<10000x128xf32, #tpu.memory_space<hbm>>) target(%arg9 : memref<80x128xf32, #tpu.memory_space<vmem>>) offsets(%dma_start3A_13 : memref<80xi32, #tpu.memory_space<vmem>>) semaphore(%arg13 : memref<!tpu.dma_semaphore, #tpu.memory_space<semaphore_mem>>)
    %dma_start3A_17 = arith.constant 1 : i32
    %dma_start3A_18 = arith.constant 0 : i32
    %dma_start3A_19 = tpu.memref_slice %arg7[%dma_start3A_17, %dma_start3A_18] : memref<125x80xi32, #tpu.memory_space<vmem>> -> memref<1x80xi32, #tpu.memory_space<vmem>>
    %dma_start3A_20 = tpu.memref_squeeze %dma_start3A_19 : memref<1x80xi32, #tpu.memory_space<vmem>> -> memref<80xi32, #tpu.memory_space<vmem>>
    %dma_start3A_21 = arith.constant 0 : i32
    %dma_start3A_22 = arith.constant 0 : i32
    %dma_start3A_23 = tpu.memref_slice %arg2[%dma_start3A_21, %dma_start3A_22] : memref<10000x128xf32, #tpu.memory_space<hbm>> -> memref<10000x128xf32, #tpu.memory_space<hbm>>
    tpu.enqueue_indirect_dma source(%dma_start3A_23 : memref<10000x128xf32, #tpu.memory_space<hbm>>) target(%arg10 : memref<80x128xf32, #tpu.memory_space<vmem>>) offsets(%dma_start3A_20 : memref<80xi32, #tpu.memory_space<vmem>>) semaphore(%arg14 : memref<!tpu.dma_semaphore, #tpu.memory_space<semaphore_mem>>)
    %dma_start3A_24 = arith.constant 2 : i32
    %dma_start3A_25 = arith.constant 0 : i32
    %dma_start3A_26 = tpu.memref_slice %arg7[%dma_start3A_24, %dma_start3A_25] : memref<125x80xi32, #tpu.memory_space<vmem>> -> memref<1x80xi32, #tpu.memory_space<vmem>>
    %dma_start3A_27 = tpu.memref_squeeze %dma_start3A_26 : memref<1x80xi32, #tpu.memory_space<vmem>> -> memref<80xi32, #tpu.memory_space<vmem>>
    %dma_start3A_28 = arith.constant 0 : i32
    %dma_start3A_29 = arith.constant 0 : i32
    %dma_start3A_30 = tpu.memref_slice %arg2[%dma_start3A_28, %dma_start3A_29] : memref<10000x128xf32, #tpu.memory_space<hbm>> -> memref<10000x128xf32, #tpu.memory_space<hbm>>
    tpu.enqueue_indirect_dma source(%dma_start3A_30 : memref<10000x128xf32, #tpu.memory_space<hbm>>) target(%arg11 : memref<80x128xf32, #tpu.memory_space<vmem>>) offsets(%dma_start3A_27 : memref<80xi32, #tpu.memory_space<vmem>>) semaphore(%arg15 : memref<!tpu.dma_semaphore, #tpu.memory_space<semaphore_mem>>)
    %scan3A = arith.constant 0 : i32
    %scan3A_31 = arith.constant 0 : i32
    %scan3A_32 = arith.constant 41 : i32
    %scan3A_33 = arith.addi %scan3A_31, %scan3A_32 : i32
    %scan3A_34 = arith.constant 1 : i32
    scf.for %scan3A_97 = %scan3A_31 to %scan3A_33 step %scan3A_34  : i32 {
      %mul3A_98 = arith.constant 3 : i32
      %mul3A_99 = arith.muli %mul3A_98, %scan3A_97 : i32
      %add3A_100 = arith.constant 0 : i32
      %add3A_101 = arith.addi %mul3A_99, %add3A_100 : i32
      %dma_wait3A_102 = arith.constant 0 : i32
      %dma_wait3A_103 = tpu.memref_slice %arg7[%add3A_101, %dma_wait3A_102] : memref<125x80xi32, #tpu.memory_space<vmem>> -> memref<1x80xi32, #tpu.memory_space<vmem>>
      %dma_wait3A_104 = tpu.memref_squeeze %dma_wait3A_103 : memref<1x80xi32, #tpu.memory_space<vmem>> -> memref<80xi32, #tpu.memory_space<vmem>>
      %dma_wait3A_105 = arith.constant 0 : i32
      %dma_wait3A_106 = arith.constant 0 : i32
      %dma_wait3A_107 = tpu.memref_slice %arg2[%dma_wait3A_105, %dma_wait3A_106] : memref<10000x128xf32, #tpu.memory_space<hbm>> -> memref<10000x128xf32, #tpu.memory_space<hbm>>
      tpu.wait_indirect_dma semaphore(%arg13 : memref<!tpu.dma_semaphore, #tpu.memory_space<semaphore_mem>>) src(%dma_wait3A_107 : memref<10000x128xf32, #tpu.memory_space<hbm>>) dst(%arg9 : memref<80x128xf32, #tpu.memory_space<vmem>>)
      %add3A_108 = arith.constant 0 : i32
      %add3A_109 = arith.addi %mul3A_99, %add3A_108 : i32
      %dma_start3A_110 = arith.constant 0 : i32
      %dma_start3A_111 = tpu.memref_slice %arg8[%add3A_109, %dma_start3A_110] : memref<125x80xi32, #tpu.memory_space<vmem>> -> memref<1x80xi32, #tpu.memory_space<vmem>>
      %dma_start3A_112 = tpu.memref_squeeze %dma_start3A_111 : memref<1x80xi32, #tpu.memory_space<vmem>> -> memref<80xi32, #tpu.memory_space<vmem>>
      %dma_start3A_113 = arith.constant 0 : i32
      %dma_start3A_114 = arith.constant 0 : i32
      %dma_start3A_115 = tpu.memref_slice %arg12[%dma_start3A_113, %dma_start3A_114] : memref<10000x128xf32, #tpu.memory_space<vmem_shared>> -> memref<10000x128xf32, #tpu.memory_space<vmem_shared>>
      tpu.enqueue_indirect_dma source(%arg9 : memref<80x128xf32, #tpu.memory_space<vmem>>) target(%dma_start3A_115 : memref<10000x128xf32, #tpu.memory_space<vmem_shared>>) offsets(%dma_start3A_112 : memref<80xi32, #tpu.memory_space<vmem>>) semaphore(%arg16 : memref<!tpu.dma_semaphore, #tpu.memory_space<semaphore_mem>>) {add = true}
      %add3A_116 = arith.constant 1 : i32
      %add3A_117 = arith.addi %mul3A_99, %add3A_116 : i32
      %dma_wait3A_118 = arith.constant 0 : i32
      %dma_wait3A_119 = tpu.memref_slice %arg7[%add3A_117, %dma_wait3A_118] : memref<125x80xi32, #tpu.memory_space<vmem>> -> memref<1x80xi32, #tpu.memory_space<vmem>>
      %dma_wait3A_120 = tpu.memref_squeeze %dma_wait3A_119 : memref<1x80xi32, #tpu.memory_space<vmem>> -> memref<80xi32, #tpu.memory_space<vmem>>
      %dma_wait3A_121 = arith.constant 0 : i32
      %dma_wait3A_122 = arith.constant 0 : i32
      %dma_wait3A_123 = tpu.memref_slice %arg2[%dma_wait3A_121, %dma_wait3A_122] : memref<10000x128xf32, #tpu.memory_space<hbm>> -> memref<10000x128xf32, #tpu.memory_space<hbm>>
      tpu.wait_indirect_dma semaphore(%arg14 : memref<!tpu.dma_semaphore, #tpu.memory_space<semaphore_mem>>) src(%dma_wait3A_123 : memref<10000x128xf32, #tpu.memory_space<hbm>>) dst(%arg10 : memref<80x128xf32, #tpu.memory_space<vmem>>)
      %add3A_124 = arith.constant 1 : i32
      %add3A_125 = arith.addi %mul3A_99, %add3A_124 : i32
      %dma_start3A_126 = arith.constant 0 : i32
      %dma_start3A_127 = tpu.memref_slice %arg8[%add3A_125, %dma_start3A_126] : memref<125x80xi32, #tpu.memory_space<vmem>> -> memref<1x80xi32, #tpu.memory_space<vmem>>
      %dma_start3A_128 = tpu.memref_squeeze %dma_start3A_127 : memref<1x80xi32, #tpu.memory_space<vmem>> -> memref<80xi32, #tpu.memory_space<vmem>>
      %dma_start3A_129 = arith.constant 0 : i32
      %dma_start3A_130 = arith.constant 0 : i32
      %dma_start3A_131 = tpu.memref_slice %arg12[%dma_start3A_129, %dma_start3A_130] : memref<10000x128xf32, #tpu.memory_space<vmem_shared>> -> memref<10000x128xf32, #tpu.memory_space<vmem_shared>>
      tpu.enqueue_indirect_dma source(%arg10 : memref<80x128xf32, #tpu.memory_space<vmem>>) target(%dma_start3A_131 : memref<10000x128xf32, #tpu.memory_space<vmem_shared>>) offsets(%dma_start3A_128 : memref<80xi32, #tpu.memory_space<vmem>>) semaphore(%arg17 : memref<!tpu.dma_semaphore, #tpu.memory_space<semaphore_mem>>) {add = true}
      %add3A_132 = arith.constant 2 : i32
      %add3A_133 = arith.addi %mul3A_99, %add3A_132 : i32
      %dma_wait3A_134 = arith.constant 0 : i32
      %dma_wait3A_135 = tpu.memref_slice %arg7[%add3A_133, %dma_wait3A_134] : memref<125x80xi32, #tpu.memory_space<vmem>> -> memref<1x80xi32, #tpu.memory_space<vmem>>
      %dma_wait3A_136 = tpu.memref_squeeze %dma_wait3A_135 : memref<1x80xi32, #tpu.memory_space<vmem>> -> memref<80xi32, #tpu.memory_space<vmem>>
      %dma_wait3A_137 = arith.constant 0 : i32
      %dma_wait3A_138 = arith.constant 0 : i32
      %dma_wait3A_139 = tpu.memref_slice %arg2[%dma_wait3A_137, %dma_wait3A_138] : memref<10000x128xf32, #tpu.memory_space<hbm>> -> memref<10000x128xf32, #tpu.memory_space<hbm>>
      tpu.wait_indirect_dma semaphore(%arg15 : memref<!tpu.dma_semaphore, #tpu.memory_space<semaphore_mem>>) src(%dma_wait3A_139 : memref<10000x128xf32, #tpu.memory_space<hbm>>) dst(%arg11 : memref<80x128xf32, #tpu.memory_space<vmem>>)
      %add3A_140 = arith.constant 2 : i32
      %add3A_141 = arith.addi %mul3A_99, %add3A_140 : i32
      %dma_start3A_142 = arith.constant 0 : i32
      %dma_start3A_143 = tpu.memref_slice %arg8[%add3A_141, %dma_start3A_142] : memref<125x80xi32, #tpu.memory_space<vmem>> -> memref<1x80xi32, #tpu.memory_space<vmem>>
      %dma_start3A_144 = tpu.memref_squeeze %dma_start3A_143 : memref<1x80xi32, #tpu.memory_space<vmem>> -> memref<80xi32, #tpu.memory_space<vmem>>
      %dma_start3A_145 = arith.constant 0 : i32
      %dma_start3A_146 = arith.constant 0 : i32
      %dma_start3A_147 = tpu.memref_slice %arg12[%dma_start3A_145, %dma_start3A_146] : memref<10000x128xf32, #tpu.memory_space<vmem_shared>> -> memref<10000x128xf32, #tpu.memory_space<vmem_shared>>
      tpu.enqueue_indirect_dma source(%arg11 : memref<80x128xf32, #tpu.memory_space<vmem>>) target(%dma_start3A_147 : memref<10000x128xf32, #tpu.memory_space<vmem_shared>>) offsets(%dma_start3A_144 : memref<80xi32, #tpu.memory_space<vmem>>) semaphore(%arg18 : memref<!tpu.dma_semaphore, #tpu.memory_space<semaphore_mem>>) {add = true}
      %add3A_148 = arith.constant 0 : i32
      %add3A_149 = arith.addi %mul3A_99, %add3A_148 : i32
      %add3A_150 = arith.constant 3 : i32
      %add3A_151 = arith.addi %add3A_149, %add3A_150 : i32
      %lt3A_152 = arith.constant 125 : i32
      %lt3A_153 = arith.cmpi slt, %add3A_151, %lt3A_152 : i32
      %convert_element_type3A_154 = arith.extui %lt3A_153 : i1 to i32
      %cond3A_155 = arith.constant 0 : i32
      %cond3A_156 = arith.cmpi ne, %convert_element_type3A_154, %cond3A_155 : i32
      scf.if %cond3A_156 {
        %add3A_175 = arith.constant 0 : i32
        %add3A_176 = arith.addi %mul3A_99, %add3A_175 : i32
        %dma_wait3A_177 = arith.constant 0 : i32
        %dma_wait3A_178 = tpu.memref_slice %arg8[%add3A_176, %dma_wait3A_177] : memref<125x80xi32, #tpu.memory_space<vmem>> -> memref<1x80xi32, #tpu.memory_space<vmem>>
        %dma_wait3A_179 = tpu.memref_squeeze %dma_wait3A_178 : memref<1x80xi32, #tpu.memory_space<vmem>> -> memref<80xi32, #tpu.memory_space<vmem>>
        %dma_wait3A_180 = arith.constant 0 : i32
        %dma_wait3A_181 = arith.constant 0 : i32
        %dma_wait3A_182 = tpu.memref_slice %arg12[%dma_wait3A_180, %dma_wait3A_181] : memref<10000x128xf32, #tpu.memory_space<vmem_shared>> -> memref<10000x128xf32, #tpu.memory_space<vmem_shared>>
        tpu.wait_indirect_dma semaphore(%arg16 : memref<!tpu.dma_semaphore, #tpu.memory_space<semaphore_mem>>) src(%arg9 : memref<80x128xf32, #tpu.memory_space<vmem>>) dst(%dma_wait3A_182 : memref<10000x128xf32, #tpu.memory_space<vmem_shared>>)
        %dma_start3A_183 = arith.constant 0 : i32
        %dma_start3A_184 = tpu.memref_slice %arg7[%add3A_151, %dma_start3A_183] : memref<125x80xi32, #tpu.memory_space<vmem>> -> memref<1x80xi32, #tpu.memory_space<vmem>>
        %dma_start3A_185 = tpu.memref_squeeze %dma_start3A_184 : memref<1x80xi32, #tpu.memory_space<vmem>> -> memref<80xi32, #tpu.memory_space<vmem>>
        %dma_start3A_186 = arith.constant 0 : i32
        %dma_start3A_187 = arith.constant 0 : i32
        %dma_start3A_188 = tpu.memref_slice %arg2[%dma_start3A_186, %dma_start3A_187] : memref<10000x128xf32, #tpu.memory_space<hbm>> -> memref<10000x128xf32, #tpu.memory_space<hbm>>
        tpu.enqueue_indirect_dma source(%dma_start3A_188 : memref<10000x128xf32, #tpu.memory_space<hbm>>) target(%arg9 : memref<80x128xf32, #tpu.memory_space<vmem>>) offsets(%dma_start3A_185 : memref<80xi32, #tpu.memory_space<vmem>>) semaphore(%arg13 : memref<!tpu.dma_semaphore, #tpu.memory_space<semaphore_mem>>)
      } else {
      }
      %add3A_157 = arith.constant 1 : i32
      %add3A_158 = arith.addi %mul3A_99, %add3A_157 : i32
      %add3A_159 = arith.constant 3 : i32
      %add3A_160 = arith.addi %add3A_158, %add3A_159 : i32
      %lt3A_161 = arith.constant 125 : i32
      %lt3A_162 = arith.cmpi slt, %add3A_160, %lt3A_161 : i32
      %convert_element_type3A_163 = arith.extui %lt3A_162 : i1 to i32
      %cond3A_164 = arith.constant 0 : i32
      %cond3A_165 = arith.cmpi ne, %convert_element_type3A_163, %cond3A_164 : i32
      scf.if %cond3A_165 {
        %add3A_175 = arith.constant 1 : i32
        %add3A_176 = arith.addi %mul3A_99, %add3A_175 : i32
        %dma_wait3A_177 = arith.constant 0 : i32
        %dma_wait3A_178 = tpu.memref_slice %arg8[%add3A_176, %dma_wait3A_177] : memref<125x80xi32, #tpu.memory_space<vmem>> -> memref<1x80xi32, #tpu.memory_space<vmem>>
        %dma_wait3A_179 = tpu.memref_squeeze %dma_wait3A_178 : memref<1x80xi32, #tpu.memory_space<vmem>> -> memref<80xi32, #tpu.memory_space<vmem>>
        %dma_wait3A_180 = arith.constant 0 : i32
        %dma_wait3A_181 = arith.constant 0 : i32
        %dma_wait3A_182 = tpu.memref_slice %arg12[%dma_wait3A_180, %dma_wait3A_181] : memref<10000x128xf32, #tpu.memory_space<vmem_shared>> -> memref<10000x128xf32, #tpu.memory_space<vmem_shared>>
        tpu.wait_indirect_dma semaphore(%arg17 : memref<!tpu.dma_semaphore, #tpu.memory_space<semaphore_mem>>) src(%arg10 : memref<80x128xf32, #tpu.memory_space<vmem>>) dst(%dma_wait3A_182 : memref<10000x128xf32, #tpu.memory_space<vmem_shared>>)
        %dma_start3A_183 = arith.constant 0 : i32
        %dma_start3A_184 = tpu.memref_slice %arg7[%add3A_160, %dma_start3A_183] : memref<125x80xi32, #tpu.memory_space<vmem>> -> memref<1x80xi32, #tpu.memory_space<vmem>>
        %dma_start3A_185 = tpu.memref_squeeze %dma_start3A_184 : memref<1x80xi32, #tpu.memory_space<vmem>> -> memref<80xi32, #tpu.memory_space<vmem>>
        %dma_start3A_186 = arith.constant 0 : i32
        %dma_start3A_187 = arith.constant 0 : i32
        %dma_start3A_188 = tpu.memref_slice %arg2[%dma_start3A_186, %dma_start3A_187] : memref<10000x128xf32, #tpu.memory_space<hbm>> -> memref<10000x128xf32, #tpu.memory_space<hbm>>
        tpu.enqueue_indirect_dma source(%dma_start3A_188 : memref<10000x128xf32, #tpu.memory_space<hbm>>) target(%arg10 : memref<80x128xf32, #tpu.memory_space<vmem>>) offsets(%dma_start3A_185 : memref<80xi32, #tpu.memory_space<vmem>>) semaphore(%arg14 : memref<!tpu.dma_semaphore, #tpu.memory_space<semaphore_mem>>)
      } else {
      }
      %add3A_166 = arith.constant 2 : i32
      %add3A_167 = arith.addi %mul3A_99, %add3A_166 : i32
      %add3A_168 = arith.constant 3 : i32
      %add3A_169 = arith.addi %add3A_167, %add3A_168 : i32
      %lt3A_170 = arith.constant 125 : i32
      %lt3A_171 = arith.cmpi slt, %add3A_169, %lt3A_170 : i32
      %convert_element_type3A_172 = arith.extui %lt3A_171 : i1 to i32
      %cond3A_173 = arith.constant 0 : i32
      %cond3A_174 = arith.cmpi ne, %convert_element_type3A_172, %cond3A_173 : i32
      scf.if %cond3A_174 {
        %add3A_175 = arith.constant 2 : i32
        %add3A_176 = arith.addi %mul3A_99, %add3A_175 : i32
        %dma_wait3A_177 = arith.constant 0 : i32
        %dma_wait3A_178 = tpu.memref_slice %arg8[%add3A_176, %dma_wait3A_177] : memref<125x80xi32, #tpu.memory_space<vmem>> -> memref<1x80xi32, #tpu.memory_space<vmem>>
        %dma_wait3A_179 = tpu.memref_squeeze %dma_wait3A_178 : memref<1x80xi32, #tpu.memory_space<vmem>> -> memref<80xi32, #tpu.memory_space<vmem>>
        %dma_wait3A_180 = arith.constant 0 : i32
        %dma_wait3A_181 = arith.constant 0 : i32
        %dma_wait3A_182 = tpu.memref_slice %arg12[%dma_wait3A_180, %dma_wait3A_181] : memref<10000x128xf32, #tpu.memory_space<vmem_shared>> -> memref<10000x128xf32, #tpu.memory_space<vmem_shared>>
        tpu.wait_indirect_dma semaphore(%arg18 : memref<!tpu.dma_semaphore, #tpu.memory_space<semaphore_mem>>) src(%arg11 : memref<80x128xf32, #tpu.memory_space<vmem>>) dst(%dma_wait3A_182 : memref<10000x128xf32, #tpu.memory_space<vmem_shared>>)
        %dma_start3A_183 = arith.constant 0 : i32
        %dma_start3A_184 = tpu.memref_slice %arg7[%add3A_169, %dma_start3A_183] : memref<125x80xi32, #tpu.memory_space<vmem>> -> memref<1x80xi32, #tpu.memory_space<vmem>>
        %dma_start3A_185 = tpu.memref_squeeze %dma_start3A_184 : memref<1x80xi32, #tpu.memory_space<vmem>> -> memref<80xi32, #tpu.memory_space<vmem>>
        %dma_start3A_186 = arith.constant 0 : i32
        %dma_start3A_187 = arith.constant 0 : i32
        %dma_start3A_188 = tpu.memref_slice %arg2[%dma_start3A_186, %dma_start3A_187] : memref<10000x128xf32, #tpu.memory_space<hbm>> -> memref<10000x128xf32, #tpu.memory_space<hbm>>
        tpu.enqueue_indirect_dma source(%dma_start3A_188 : memref<10000x128xf32, #tpu.memory_space<hbm>>) target(%arg11 : memref<80x128xf32, #tpu.memory_space<vmem>>) offsets(%dma_start3A_185 : memref<80xi32, #tpu.memory_space<vmem>>) semaphore(%arg15 : memref<!tpu.dma_semaphore, #tpu.memory_space<semaphore_mem>>)
      } else {
      }
    }
    %scan3A_35 = arith.constant 41 : i32
    %dma_wait3A = arith.constant 123 : i32
    %dma_wait3A_36 = arith.constant 0 : i32
    %dma_wait3A_37 = tpu.memref_slice %arg7[%dma_wait3A, %dma_wait3A_36] : memref<125x80xi32, #tpu.memory_space<vmem>> -> memref<1x80xi32, #tpu.memory_space<vmem>>
    %dma_wait3A_38 = tpu.memref_squeeze %dma_wait3A_37 : memref<1x80xi32, #tpu.memory_space<vmem>> -> memref<80xi32, #tpu.memory_space<vmem>>
    %dma_wait3A_39 = arith.constant 0 : i32
    %dma_wait3A_40 = arith.constant 0 : i32
    %dma_wait3A_41 = tpu.memref_slice %arg2[%dma_wait3A_39, %dma_wait3A_40] : memref<10000x128xf32, #tpu.memory_space<hbm>> -> memref<10000x128xf32, #tpu.memory_space<hbm>>
    tpu.wait_indirect_dma semaphore(%arg13 : memref<!tpu.dma_semaphore, #tpu.memory_space<semaphore_mem>>) src(%dma_wait3A_41 : memref<10000x128xf32, #tpu.memory_space<hbm>>) dst(%arg9 : memref<80x128xf32, #tpu.memory_space<vmem>>)
    %dma_start3A_42 = arith.constant 123 : i32
    %dma_start3A_43 = arith.constant 0 : i32
    %dma_start3A_44 = tpu.memref_slice %arg8[%dma_start3A_42, %dma_start3A_43] : memref<125x80xi32, #tpu.memory_space<vmem>> -> memref<1x80xi32, #tpu.memory_space<vmem>>
    %dma_start3A_45 = tpu.memref_squeeze %dma_start3A_44 : memref<1x80xi32, #tpu.memory_space<vmem>> -> memref<80xi32, #tpu.memory_space<vmem>>
    %dma_start3A_46 = arith.constant 0 : i32
    %dma_start3A_47 = arith.constant 0 : i32
    %dma_start3A_48 = tpu.memref_slice %arg12[%dma_start3A_46, %dma_start3A_47] : memref<10000x128xf32, #tpu.memory_space<vmem_shared>> -> memref<10000x128xf32, #tpu.memory_space<vmem_shared>>
    tpu.enqueue_indirect_dma source(%arg9 : memref<80x128xf32, #tpu.memory_space<vmem>>) target(%dma_start3A_48 : memref<10000x128xf32, #tpu.memory_space<vmem_shared>>) offsets(%dma_start3A_45 : memref<80xi32, #tpu.memory_space<vmem>>) semaphore(%arg16 : memref<!tpu.dma_semaphore, #tpu.memory_space<semaphore_mem>>) {add = true}
    %dma_wait3A_49 = arith.constant 123 : i32
    %dma_wait3A_50 = arith.constant 0 : i32
    %dma_wait3A_51 = tpu.memref_slice %arg8[%dma_wait3A_49, %dma_wait3A_50] : memref<125x80xi32, #tpu.memory_space<vmem>> -> memref<1x80xi32, #tpu.memory_space<vmem>>
    %dma_wait3A_52 = tpu.memref_squeeze %dma_wait3A_51 : memref<1x80xi32, #tpu.memory_space<vmem>> -> memref<80xi32, #tpu.memory_space<vmem>>
    %dma_wait3A_53 = arith.constant 0 : i32
    %dma_wait3A_54 = arith.constant 0 : i32
    %dma_wait3A_55 = tpu.memref_slice %arg12[%dma_wait3A_53, %dma_wait3A_54] : memref<10000x128xf32, #tpu.memory_space<vmem_shared>> -> memref<10000x128xf32, #tpu.memory_space<vmem_shared>>
    tpu.wait_indirect_dma semaphore(%arg16 : memref<!tpu.dma_semaphore, #tpu.memory_space<semaphore_mem>>) src(%arg9 : memref<80x128xf32, #tpu.memory_space<vmem>>) dst(%dma_wait3A_55 : memref<10000x128xf32, #tpu.memory_space<vmem_shared>>)
    %dma_wait3A_56 = arith.constant 124 : i32
    %dma_wait3A_57 = arith.constant 0 : i32
    %dma_wait3A_58 = tpu.memref_slice %arg7[%dma_wait3A_56, %dma_wait3A_57] : memref<125x80xi32, #tpu.memory_space<vmem>> -> memref<1x80xi32, #tpu.memory_space<vmem>>
    %dma_wait3A_59 = tpu.memref_squeeze %dma_wait3A_58 : memref<1x80xi32, #tpu.memory_space<vmem>> -> memref<80xi32, #tpu.memory_space<vmem>>
    %dma_wait3A_60 = arith.constant 0 : i32
    %dma_wait3A_61 = arith.constant 0 : i32
    %dma_wait3A_62 = tpu.memref_slice %arg2[%dma_wait3A_60, %dma_wait3A_61] : memref<10000x128xf32, #tpu.memory_space<hbm>> -> memref<10000x128xf32, #tpu.memory_space<hbm>>
    tpu.wait_indirect_dma semaphore(%arg14 : memref<!tpu.dma_semaphore, #tpu.memory_space<semaphore_mem>>) src(%dma_wait3A_62 : memref<10000x128xf32, #tpu.memory_space<hbm>>) dst(%arg10 : memref<80x128xf32, #tpu.memory_space<vmem>>)
    %dma_start3A_63 = arith.constant 124 : i32
    %dma_start3A_64 = arith.constant 0 : i32
    %dma_start3A_65 = tpu.memref_slice %arg8[%dma_start3A_63, %dma_start3A_64] : memref<125x80xi32, #tpu.memory_space<vmem>> -> memref<1x80xi32, #tpu.memory_space<vmem>>
    %dma_start3A_66 = tpu.memref_squeeze %dma_start3A_65 : memref<1x80xi32, #tpu.memory_space<vmem>> -> memref<80xi32, #tpu.memory_space<vmem>>
    %dma_start3A_67 = arith.constant 0 : i32
    %dma_start3A_68 = arith.constant 0 : i32
    %dma_start3A_69 = tpu.memref_slice %arg12[%dma_start3A_67, %dma_start3A_68] : memref<10000x128xf32, #tpu.memory_space<vmem_shared>> -> memref<10000x128xf32, #tpu.memory_space<vmem_shared>>
    tpu.enqueue_indirect_dma source(%arg10 : memref<80x128xf32, #tpu.memory_space<vmem>>) target(%dma_start3A_69 : memref<10000x128xf32, #tpu.memory_space<vmem_shared>>) offsets(%dma_start3A_66 : memref<80xi32, #tpu.memory_space<vmem>>) semaphore(%arg17 : memref<!tpu.dma_semaphore, #tpu.memory_space<semaphore_mem>>) {add = true}
    %dma_wait3A_70 = arith.constant 124 : i32
    %dma_wait3A_71 = arith.constant 0 : i32
    %dma_wait3A_72 = tpu.memref_slice %arg8[%dma_wait3A_70, %dma_wait3A_71] : memref<125x80xi32, #tpu.memory_space<vmem>> -> memref<1x80xi32, #tpu.memory_space<vmem>>
    %dma_wait3A_73 = tpu.memref_squeeze %dma_wait3A_72 : memref<1x80xi32, #tpu.memory_space<vmem>> -> memref<80xi32, #tpu.memory_space<vmem>>
    %dma_wait3A_74 = arith.constant 0 : i32
    %dma_wait3A_75 = arith.constant 0 : i32
    %dma_wait3A_76 = tpu.memref_slice %arg12[%dma_wait3A_74, %dma_wait3A_75] : memref<10000x128xf32, #tpu.memory_space<vmem_shared>> -> memref<10000x128xf32, #tpu.memory_space<vmem_shared>>
    tpu.wait_indirect_dma semaphore(%arg17 : memref<!tpu.dma_semaphore, #tpu.memory_space<semaphore_mem>>) src(%arg10 : memref<80x128xf32, #tpu.memory_space<vmem>>) dst(%dma_wait3A_76 : memref<10000x128xf32, #tpu.memory_space<vmem_shared>>)
    %dma_wait3A_77 = arith.constant 122 : i32
    %dma_wait3A_78 = arith.constant 0 : i32
    %dma_wait3A_79 = tpu.memref_slice %arg8[%dma_wait3A_77, %dma_wait3A_78] : memref<125x80xi32, #tpu.memory_space<vmem>> -> memref<1x80xi32, #tpu.memory_space<vmem>>
    %dma_wait3A_80 = tpu.memref_squeeze %dma_wait3A_79 : memref<1x80xi32, #tpu.memory_space<vmem>> -> memref<80xi32, #tpu.memory_space<vmem>>
    %dma_wait3A_81 = arith.constant 0 : i32
    %dma_wait3A_82 = arith.constant 0 : i32
    %dma_wait3A_83 = tpu.memref_slice %arg12[%dma_wait3A_81, %dma_wait3A_82] : memref<10000x128xf32, #tpu.memory_space<vmem_shared>> -> memref<10000x128xf32, #tpu.memory_space<vmem_shared>>
    tpu.wait_indirect_dma semaphore(%arg18 : memref<!tpu.dma_semaphore, #tpu.memory_space<semaphore_mem>>) src(%arg11 : memref<80x128xf32, #tpu.memory_space<vmem>>) dst(%dma_wait3A_83 : memref<10000x128xf32, #tpu.memory_space<vmem_shared>>)
    %barrier3A_84 = arith.constant 0 : index
    tpu.barrier barrier_id(%barrier3A_84)
    %mul3A_85 = arith.constant 624 : i32
    %mul3A_86 = arith.muli %arg1, %mul3A_85 : i32
    %lt3A_87 = arith.constant 15 : i32
    %lt3A_88 = arith.cmpi slt, %arg1, %lt3A_87 : i32
    %convert_element_type3A_89 = arith.extui %lt3A_88 : i1 to i32
    %cond3A_90 = arith.constant 0 : i32
    %cond3A_91 = arith.cmpi ne, %convert_element_type3A_89, %cond3A_90 : i32
    scf.if %cond3A_91 {
      "tpu.region"() ({
        %run_scoped3A = tpu.sem_alloc : memref<!tpu.dma_semaphore, #tpu.memory_space<semaphore_mem>>
        %dma_start3A_97 = arith.constant 0 : i32
        %dma_start3A_98 = arith.constant 0 : i32
        %dma_start3A_99 = tpu.memref_slice %arg6[%arg0, %dma_start3A_97, %dma_start3A_98] : memref<2x10000x128xf32, #tpu.memory_space<hbm>> -> memref<1x10000x128xf32, #tpu.memory_space<hbm>>
        %dma_start3A_100 = tpu.memref_squeeze %dma_start3A_99 : memref<1x10000x128xf32, #tpu.memory_space<hbm>> -> memref<10000x128xf32, #tpu.memory_space<hbm>>
        %dma_start3A_101 = arith.constant 0 : i32
        %dma_start3A_102 = tpu.memref_slice %dma_start3A_100[%mul3A_86, %dma_start3A_101] : memref<10000x128xf32, #tpu.memory_space<hbm>> -> memref<624x128xf32, #tpu.memory_space<hbm>>
        %dma_start3A_103 = arith.constant 0 : i32
        %dma_start3A_104 = tpu.memref_slice %arg12[%mul3A_86, %dma_start3A_103] : memref<10000x128xf32, #tpu.memory_space<vmem_shared>> -> memref<624x128xf32, #tpu.memory_space<vmem_shared>>
        tpu.enqueue_dma source(%dma_start3A_104 : memref<624x128xf32, #tpu.memory_space<vmem_shared>>) target(%dma_start3A_102 : memref<624x128xf32, #tpu.memory_space<hbm>>) target_semaphore(%run_scoped3A : memref<!tpu.dma_semaphore, #tpu.memory_space<semaphore_mem>>)
        %dma_wait3A_105 = arith.constant 0 : i32
        %dma_wait3A_106 = arith.constant 0 : i32
        %dma_wait3A_107 = tpu.memref_slice %arg6[%arg0, %dma_wait3A_105, %dma_wait3A_106] : memref<2x10000x128xf32, #tpu.memory_space<hbm>> -> memref<1x10000x128xf32, #tpu.memory_space<hbm>>
        %dma_wait3A_108 = tpu.memref_squeeze %dma_wait3A_107 : memref<1x10000x128xf32, #tpu.memory_space<hbm>> -> memref<10000x128xf32, #tpu.memory_space<hbm>>
        %dma_wait3A_109 = arith.constant 0 : i32
        %dma_wait3A_110 = tpu.memref_slice %dma_wait3A_108[%mul3A_86, %dma_wait3A_109] : memref<10000x128xf32, #tpu.memory_space<hbm>> -> memref<624x128xf32, #tpu.memory_space<hbm>>
        %dma_wait3A_111 = arith.constant 0 : i32
        %dma_wait3A_112 = tpu.memref_slice %arg12[%mul3A_86, %dma_wait3A_111] : memref<10000x128xf32, #tpu.memory_space<vmem_shared>> -> memref<624x128xf32, #tpu.memory_space<vmem_shared>>
        tpu.wait_dma2 semaphore(%run_scoped3A : memref<!tpu.dma_semaphore, #tpu.memory_space<semaphore_mem>>) src(%dma_wait3A_112 : memref<624x128xf32, #tpu.memory_space<vmem_shared>>) dst(%dma_wait3A_110 : memref<624x128xf32, #tpu.memory_space<hbm>>)
        tpu.yield
      }) : () -> ()
    } else {
    }
    %eq3A_92 = arith.constant 15 : i32
    %eq3A_93 = arith.cmpi eq, %arg1, %eq3A_92 : i32
    %convert_element_type3A_94 = arith.extui %eq3A_93 : i1 to i32
    %cond3A_95 = arith.constant 0 : i32
    %cond3A_96 = arith.cmpi ne, %convert_element_type3A_94, %cond3A_95 : i32
    scf.if %cond3A_96 {
      "tpu.region"() ({
        %run_scoped3A = tpu.sem_alloc : memref<!tpu.dma_semaphore, #tpu.memory_space<semaphore_mem>>
        %dma_start3A_97 = arith.constant 0 : i32
        %dma_start3A_98 = arith.constant 0 : i32
        %dma_start3A_99 = tpu.memref_slice %arg6[%arg0, %dma_start3A_97, %dma_start3A_98] : memref<2x10000x128xf32, #tpu.memory_space<hbm>> -> memref<1x10000x128xf32, #tpu.memory_space<hbm>>
        %dma_start3A_100 = tpu.memref_squeeze %dma_start3A_99 : memref<1x10000x128xf32, #tpu.memory_space<hbm>> -> memref<10000x128xf32, #tpu.memory_space<hbm>>
        %dma_start3A_101 = arith.constant 9360 : i32
        %dma_start3A_102 = arith.constant 0 : i32
        %dma_start3A_103 = tpu.memref_slice %dma_start3A_100[%dma_start3A_101, %dma_start3A_102] : memref<10000x128xf32, #tpu.memory_space<hbm>> -> memref<640x128xf32, #tpu.memory_space<hbm>>
        %dma_start3A_104 = arith.constant 9360 : i32
        %dma_start3A_105 = arith.constant 0 : i32
        %dma_start3A_106 = tpu.memref_slice %arg12[%dma_start3A_104, %dma_start3A_105] : memref<10000x128xf32, #tpu.memory_space<vmem_shared>> -> memref<640x128xf32, #tpu.memory_space<vmem_shared>>
        tpu.enqueue_dma source(%dma_start3A_106 : memref<640x128xf32, #tpu.memory_space<vmem_shared>>) target(%dma_start3A_103 : memref<640x128xf32, #tpu.memory_space<hbm>>) target_semaphore(%run_scoped3A : memref<!tpu.dma_semaphore, #tpu.memory_space<semaphore_mem>>)
        %dma_wait3A_107 = arith.constant 0 : i32
        %dma_wait3A_108 = arith.constant 0 : i32
        %dma_wait3A_109 = tpu.memref_slice %arg6[%arg0, %dma_wait3A_107, %dma_wait3A_108] : memref<2x10000x128xf32, #tpu.memory_space<hbm>> -> memref<1x10000x128xf32, #tpu.memory_space<hbm>>
        %dma_wait3A_110 = tpu.memref_squeeze %dma_wait3A_109 : memref<1x10000x128xf32, #tpu.memory_space<hbm>> -> memref<10000x128xf32, #tpu.memory_space<hbm>>
        %dma_wait3A_111 = arith.constant 9360 : i32
        %dma_wait3A_112 = arith.constant 0 : i32
        %dma_wait3A_113 = tpu.memref_slice %dma_wait3A_110[%dma_wait3A_111, %dma_wait3A_112] : memref<10000x128xf32, #tpu.memory_space<hbm>> -> memref<640x128xf32, #tpu.memory_space<hbm>>
        %dma_wait3A_114 = arith.constant 9360 : i32
        %dma_wait3A_115 = arith.constant 0 : i32
        %dma_wait3A_116 = tpu.memref_slice %arg12[%dma_wait3A_114, %dma_wait3A_115] : memref<10000x128xf32, #tpu.memory_space<vmem_shared>> -> memref<640x128xf32, #tpu.memory_space<vmem_shared>>
        tpu.wait_dma2 semaphore(%run_scoped3A : memref<!tpu.dma_semaphore, #tpu.memory_space<semaphore_mem>>) src(%dma_wait3A_116 : memref<640x128xf32, #tpu.memory_space<vmem_shared>>) dst(%dma_wait3A_113 : memref<640x128xf32, #tpu.memory_space<hbm>>)
        tpu.yield
      }) : () -> ()
    } else {
    }
    return
  }
}

module attributes {stable_mosaic.version = 14 : i64} {
  func.func @_dinv_xp_body(%arg0: memref<2x10000x16xf32, #tpu.memory_space<vmem>>, %arg1: memref<10000x128xf32, #tpu.memory_space<vmem>>, %arg2: memref<10000x1xf32, #tpu.memory_space<vmem>>, %arg3: memref<10000x128xf32, #tpu.memory_space<vmem>>) attributes {dimension_semantics = [], scalar_prefetch = 0 : i64, scratch_operands = 0 : i64, tpu.core_type = #tpu.core_type<tc>} {
    %get3A = arith.constant 0 : index
    %get3A_0 = arith.constant 0 : index
    %get3A_1 = arith.constant 0 : index
    %get3A_2 = vector.load %arg0[%get3A, %get3A_0, %get3A_1] : memref<2x10000x16xf32, #tpu.memory_space<vmem>>, vector<2x10000x16xf32>
    %slice3A = vector.extract_strided_slice %get3A_2 {offsets = [0, 0, 0], sizes = [1, 10000, 1], strides = [1, 1, 1]} : vector<2x10000x16xf32> to vector<1x10000x1xf32>
    %squeeze3A = vector.shape_cast %slice3A : vector<1x10000x1xf32> to vector<10000x1xf32>
    %slice3A_3 = vector.extract_strided_slice %get3A_2 {offsets = [1, 0, 0], sizes = [1, 10000, 1], strides = [1, 1, 1]} : vector<2x10000x16xf32> to vector<1x10000x1xf32>
    %squeeze3A_4 = vector.shape_cast %slice3A_3 : vector<1x10000x1xf32> to vector<10000x1xf32>
    %add3A = arith.addf %squeeze3A, %squeeze3A_4 : vector<10000x1xf32>
    %add3A_5 = arith.constant 1.000000e+00 : f32
    %add3A_6 = vector.broadcast %add3A_5 : f32 to vector<10000x1xf32>
    %add3A_7 = arith.addf %add3A, %add3A_6 : vector<10000x1xf32>
    %rsqrt3A = math.rsqrt %add3A_7 : vector<10000x1xf32>
    %swap3A = arith.constant 0 : index
    %swap3A_8 = arith.constant 0 : index
    %swap3A_9 = vector.load %arg2[%swap3A, %swap3A_8] : memref<10000x1xf32, #tpu.memory_space<vmem>>, vector<10000x1xf32>
    tpu.vector_store %arg2[%swap3A, %swap3A_8], %rsqrt3A {strides = array<i32>} : memref<10000x1xf32, #tpu.memory_space<vmem>>, vector<10000x1xf32>,
    %get3A_10 = arith.constant 0 : index
    %get3A_11 = arith.constant 0 : index
    %get3A_12 = vector.load %arg1[%get3A_10, %get3A_11] : memref<10000x128xf32, #tpu.memory_space<vmem>>, vector<10000x128xf32>
    %mul3A = vector.broadcast %rsqrt3A : vector<10000x1xf32> to vector<10000x128xf32>
    %mul3A_13 = arith.mulf %get3A_12, %mul3A : vector<10000x128xf32>
    %swap3A_14 = arith.constant 0 : index
    %swap3A_15 = arith.constant 0 : index
    %swap3A_16 = vector.load %arg3[%swap3A_14, %swap3A_15] : memref<10000x128xf32, #tpu.memory_space<vmem>>, vector<10000x128xf32>
    tpu.vector_store %arg3[%swap3A_14, %swap3A_15], %mul3A_13 {strides = array<i32>} : memref<10000x128xf32, #tpu.memory_space<vmem>>, vector<10000x128xf32>,
    return
  }
}

module attributes {stable_mosaic.version = 14 : i64} {
  func.func @_l1_body(%arg0: memref<2x10000x128xf32, #tpu.memory_space<vmem>>, %arg1: memref<10000x128xf32, #tpu.memory_space<vmem>>, %arg2: memref<10000x1xf32, #tpu.memory_space<vmem>>, %arg3: memref<128x256xf32, #tpu.memory_space<vmem>>, %arg4: memref<1x256xf32, #tpu.memory_space<vmem>>, %arg5: memref<256x128xf32, #tpu.memory_space<vmem>>, %arg6: memref<10000x128xf32, #tpu.memory_space<vmem>>) attributes {dimension_semantics = [], scalar_prefetch = 0 : i64, scratch_operands = 0 : i64, tpu.core_type = #tpu.core_type<tc>} {
    %get3A = arith.constant 0 : index
    %get3A_0 = arith.constant 0 : index
    %get3A_1 = arith.constant 0 : index
    %get3A_2 = vector.load %arg0[%get3A, %get3A_0, %get3A_1] : memref<2x10000x128xf32, #tpu.memory_space<vmem>>, vector<2x10000x128xf32>
    %get3A_3 = arith.constant 0 : index
    %get3A_4 = arith.constant 0 : index
    %get3A_5 = vector.load %arg2[%get3A_3, %get3A_4] : memref<10000x1xf32, #tpu.memory_space<vmem>>, vector<10000x1xf32>
    %slice3A = vector.extract_strided_slice %get3A_2 {offsets = [0, 0, 0], sizes = [1, 10000, 128], strides = [1, 1, 1]} : vector<2x10000x128xf32> to vector<1x10000x128xf32>
    %squeeze3A = vector.shape_cast %slice3A : vector<1x10000x128xf32> to vector<10000x128xf32>
    %slice3A_6 = vector.extract_strided_slice %get3A_2 {offsets = [1, 0, 0], sizes = [1, 10000, 128], strides = [1, 1, 1]} : vector<2x10000x128xf32> to vector<1x10000x128xf32>
    %squeeze3A_7 = vector.shape_cast %slice3A_6 : vector<1x10000x128xf32> to vector<10000x128xf32>
    %add3A = arith.addf %squeeze3A, %squeeze3A_7 : vector<10000x128xf32>
    %get3A_8 = arith.constant 0 : index
    %get3A_9 = arith.constant 0 : index
    %get3A_10 = vector.load %arg1[%get3A_8, %get3A_9] : memref<10000x128xf32, #tpu.memory_space<vmem>>, vector<10000x128xf32>
    %add3A_11 = arith.addf %add3A, %get3A_10 : vector<10000x128xf32>
    %mul3A = vector.broadcast %get3A_5 : vector<10000x1xf32> to vector<10000x128xf32>
    %mul3A_12 = arith.mulf %add3A_11, %mul3A : vector<10000x128xf32>
    %get3A_13 = arith.constant 0 : index
    %get3A_14 = arith.constant 0 : index
    %get3A_15 = vector.load %arg3[%get3A_13, %get3A_14] : memref<128x256xf32, #tpu.memory_space<vmem>>, vector<128x256xf32>
    %dot_general3A = arith.constant dense<0.000000e+00> : vector<10000x256xf32>
    %dot_general3A_16 = tpu.matmul %mul3A_12, %get3A_15, %dot_general3A {dimension_numbers = #tpu.dot_dimension_numbers<[1], [0], [0], [1], [0, 0, 1, 1], [], []>, transpose_lhs_hint = false} : vector<10000x128xf32>, vector<128x256xf32>, vector<10000x256xf32> -> vector<10000x256xf32>
    %get3A_17 = arith.constant 0 : index
    %get3A_18 = arith.constant 0 : index
    %get3A_19 = vector.load %arg4[%get3A_17, %get3A_18] : memref<1x256xf32, #tpu.memory_space<vmem>>, vector<1x256xf32>
    %add3A_20 = vector.broadcast %get3A_19 : vector<1x256xf32> to vector<10000x256xf32>
    %add3A_21 = arith.addf %dot_general3A_16, %add3A_20 : vector<10000x256xf32>
    %max3A = arith.constant 0.000000e+00 : f32
    %max3A_22 = vector.broadcast %max3A : f32 to vector<10000x256xf32>
    %max3A_23 = arith.maximumf %add3A_21, %max3A_22 : vector<10000x256xf32>
    %get3A_24 = arith.constant 0 : index
    %get3A_25 = arith.constant 0 : index
    %get3A_26 = vector.load %arg5[%get3A_24, %get3A_25] : memref<256x128xf32, #tpu.memory_space<vmem>>, vector<256x128xf32>
    %dot_general3A_27 = arith.constant dense<0.000000e+00> : vector<10000x128xf32>
    %dot_general3A_28 = tpu.matmul %max3A_23, %get3A_26, %dot_general3A_27 {dimension_numbers = #tpu.dot_dimension_numbers<[1], [0], [0], [1], [0, 0, 1, 1], [], []>, transpose_lhs_hint = false} : vector<10000x256xf32>, vector<256x128xf32>, vector<10000x128xf32> -> vector<10000x128xf32>
    %mul3A_29 = vector.broadcast %get3A_5 : vector<10000x1xf32> to vector<10000x128xf32>
    %mul3A_30 = arith.mulf %dot_general3A_28, %mul3A_29 : vector<10000x128xf32>
    %swap3A = arith.constant 0 : index
    %swap3A_31 = arith.constant 0 : index
    %swap3A_32 = vector.load %arg6[%swap3A, %swap3A_31] : memref<10000x128xf32, #tpu.memory_space<vmem>>, vector<10000x128xf32>
    tpu.vector_store %arg6[%swap3A, %swap3A_31], %mul3A_30 {strides = array<i32>} : memref<10000x128xf32, #tpu.memory_space<vmem>>, vector<10000x128xf32>,
    return
  }
}

module attributes {stable_mosaic.version = 14 : i64} {
  func.func @_l2_body(%arg0: memref<2x10000x128xf32, #tpu.memory_space<vmem>>, %arg1: memref<10000x128xf32, #tpu.memory_space<vmem>>, %arg2: memref<10000x1xf32, #tpu.memory_space<vmem>>, %arg3: memref<1x128xf32, #tpu.memory_space<vmem>>, %arg4: memref<128x64xf32, #tpu.memory_space<vmem>>, %arg5: memref<10000x64xf32, #tpu.memory_space<vmem>>) attributes {dimension_semantics = [], scalar_prefetch = 0 : i64, scratch_operands = 0 : i64, tpu.core_type = #tpu.core_type<tc>} {
    %get3A = arith.constant 0 : index
    %get3A_0 = arith.constant 0 : index
    %get3A_1 = arith.constant 0 : index
    %get3A_2 = vector.load %arg0[%get3A, %get3A_0, %get3A_1] : memref<2x10000x128xf32, #tpu.memory_space<vmem>>, vector<2x10000x128xf32>
    %get3A_3 = arith.constant 0 : index
    %get3A_4 = arith.constant 0 : index
    %get3A_5 = vector.load %arg2[%get3A_3, %get3A_4] : memref<10000x1xf32, #tpu.memory_space<vmem>>, vector<10000x1xf32>
    %slice3A = vector.extract_strided_slice %get3A_2 {offsets = [0, 0, 0], sizes = [1, 10000, 128], strides = [1, 1, 1]} : vector<2x10000x128xf32> to vector<1x10000x128xf32>
    %squeeze3A = vector.shape_cast %slice3A : vector<1x10000x128xf32> to vector<10000x128xf32>
    %slice3A_6 = vector.extract_strided_slice %get3A_2 {offsets = [1, 0, 0], sizes = [1, 10000, 128], strides = [1, 1, 1]} : vector<2x10000x128xf32> to vector<1x10000x128xf32>
    %squeeze3A_7 = vector.shape_cast %slice3A_6 : vector<1x10000x128xf32> to vector<10000x128xf32>
    %add3A = arith.addf %squeeze3A, %squeeze3A_7 : vector<10000x128xf32>
    %get3A_8 = arith.constant 0 : index
    %get3A_9 = arith.constant 0 : index
    %get3A_10 = vector.load %arg1[%get3A_8, %get3A_9] : memref<10000x128xf32, #tpu.memory_space<vmem>>, vector<10000x128xf32>
    %add3A_11 = arith.addf %add3A, %get3A_10 : vector<10000x128xf32>
    %mul3A = vector.broadcast %get3A_5 : vector<10000x1xf32> to vector<10000x128xf32>
    %mul3A_12 = arith.mulf %add3A_11, %mul3A : vector<10000x128xf32>
    %get3A_13 = arith.constant 0 : index
    %get3A_14 = arith.constant 0 : index
    %get3A_15 = vector.load %arg3[%get3A_13, %get3A_14] : memref<1x128xf32, #tpu.memory_space<vmem>>, vector<1x128xf32>
    %add3A_16 = vector.broadcast %get3A_15 : vector<1x128xf32> to vector<10000x128xf32>
    %add3A_17 = arith.addf %mul3A_12, %add3A_16 : vector<10000x128xf32>
    %max3A = arith.constant 0.000000e+00 : f32
    %max3A_18 = vector.broadcast %max3A : f32 to vector<10000x128xf32>
    %max3A_19 = arith.maximumf %add3A_17, %max3A_18 : vector<10000x128xf32>
    %get3A_20 = arith.constant 0 : index
    %get3A_21 = arith.constant 0 : index
    %get3A_22 = vector.load %arg4[%get3A_20, %get3A_21] : memref<128x64xf32, #tpu.memory_space<vmem>>, vector<128x64xf32>
    %dot_general3A = arith.constant dense<0.000000e+00> : vector<10000x64xf32>
    %dot_general3A_23 = tpu.matmul %max3A_19, %get3A_22, %dot_general3A {dimension_numbers = #tpu.dot_dimension_numbers<[1], [0], [0], [1], [0, 0, 1, 1], [], []>, transpose_lhs_hint = false} : vector<10000x128xf32>, vector<128x64xf32>, vector<10000x64xf32> -> vector<10000x64xf32>
    %mul3A_24 = vector.broadcast %get3A_5 : vector<10000x1xf32> to vector<10000x64xf32>
    %mul3A_25 = arith.mulf %dot_general3A_23, %mul3A_24 : vector<10000x64xf32>
    %swap3A = arith.constant 0 : index
    %swap3A_26 = arith.constant 0 : index
    %swap3A_27 = vector.load %arg5[%swap3A, %swap3A_26] : memref<10000x64xf32, #tpu.memory_space<vmem>>, vector<10000x64xf32>
    tpu.vector_store %arg5[%swap3A, %swap3A_26], %mul3A_25 {strides = array<i32>} : memref<10000x64xf32, #tpu.memory_space<vmem>>, vector<10000x64xf32>,
    return
  }
}

module attributes {stable_mosaic.version = 14 : i64} {
  func.func @_l3_body(%arg0: memref<2x10000x64xf32, #tpu.memory_space<vmem>>, %arg1: memref<10000x64xf32, #tpu.memory_space<vmem>>, %arg2: memref<10000x1xf32, #tpu.memory_space<vmem>>, %arg3: memref<1x64xf32, #tpu.memory_space<vmem>>, %arg4: memref<10000x64xf32, #tpu.memory_space<vmem>>) attributes {dimension_semantics = [], scalar_prefetch = 0 : i64, scratch_operands = 0 : i64, tpu.core_type = #tpu.core_type<tc>} {
    %get3A = arith.constant 0 : index
    %get3A_0 = arith.constant 0 : index
    %get3A_1 = arith.constant 0 : index
    %get3A_2 = vector.load %arg0[%get3A, %get3A_0, %get3A_1] : memref<2x10000x64xf32, #tpu.memory_space<vmem>>, vector<2x10000x64xf32>
    %slice3A = vector.extract_strided_slice %get3A_2 {offsets = [0, 0, 0], sizes = [1, 10000, 64], strides = [1, 1, 1]} : vector<2x10000x64xf32> to vector<1x10000x64xf32>
    %squeeze3A = vector.shape_cast %slice3A : vector<1x10000x64xf32> to vector<10000x64xf32>
    %slice3A_3 = vector.extract_strided_slice %get3A_2 {offsets = [1, 0, 0], sizes = [1, 10000, 64], strides = [1, 1, 1]} : vector<2x10000x64xf32> to vector<1x10000x64xf32>
    %squeeze3A_4 = vector.shape_cast %slice3A_3 : vector<1x10000x64xf32> to vector<10000x64xf32>
    %add3A = arith.addf %squeeze3A, %squeeze3A_4 : vector<10000x64xf32>
    %get3A_5 = arith.constant 0 : index
    %get3A_6 = arith.constant 0 : index
    %get3A_7 = vector.load %arg1[%get3A_5, %get3A_6] : memref<10000x64xf32, #tpu.memory_space<vmem>>, vector<10000x64xf32>
    %add3A_8 = arith.addf %add3A, %get3A_7 : vector<10000x64xf32>
    %get3A_9 = arith.constant 0 : index
    %get3A_10 = arith.constant 0 : index
    %get3A_11 = vector.load %arg2[%get3A_9, %get3A_10] : memref<10000x1xf32, #tpu.memory_space<vmem>>, vector<10000x1xf32>
    %mul3A = vector.broadcast %get3A_11 : vector<10000x1xf32> to vector<10000x64xf32>
    %mul3A_12 = arith.mulf %add3A_8, %mul3A : vector<10000x64xf32>
    %get3A_13 = arith.constant 0 : index
    %get3A_14 = arith.constant 0 : index
    %get3A_15 = vector.load %arg3[%get3A_13, %get3A_14] : memref<1x64xf32, #tpu.memory_space<vmem>>, vector<1x64xf32>
    %add3A_16 = vector.broadcast %get3A_15 : vector<1x64xf32> to vector<10000x64xf32>
    %add3A_17 = arith.addf %mul3A_12, %add3A_16 : vector<10000x64xf32>
    %max3A = arith.constant 0.000000e+00 : f32
    %max3A_18 = vector.broadcast %max3A : f32 to vector<10000x64xf32>
    %max3A_19 = arith.maximumf %add3A_17, %max3A_18 : vector<10000x64xf32>
    %swap3A = arith.constant 0 : index
    %swap3A_20 = arith.constant 0 : index
    %swap3A_21 = vector.load %arg4[%swap3A, %swap3A_20] : memref<10000x64xf32, #tpu.memory_space<vmem>>, vector<10000x64xf32>
    tpu.vector_store %arg4[%swap3A, %swap3A_20], %max3A_19 {strides = array<i32>} : memref<10000x64xf32, #tpu.memory_space<vmem>>, vector<10000x64xf32>,
    return
  }
}

module attributes {stable_mosaic.version = 14 : i64} {
  func.func @_final_body(%arg0: memref<10000x64xf32, #tpu.memory_space<vmem>>, %arg1: memref<10000x1xi32, #tpu.memory_space<vmem>>, %arg2: memref<64x256xf32, #tpu.memory_space<vmem>>, %arg3: memref<1x256xf32, #tpu.memory_space<vmem>>, %arg4: memref<256x128xf32, #tpu.memory_space<vmem>>, %arg5: memref<1x128xf32, #tpu.memory_space<vmem>>, %arg6: memref<128x10xf32, #tpu.memory_space<vmem>>, %arg7: memref<1x10xf32, #tpu.memory_space<vmem>>, %arg8: memref<64x10xf32, #tpu.memory_space<vmem>>) attributes {dimension_semantics = [], scalar_prefetch = 0 : i64, scratch_operands = 0 : i64, tpu.core_type = #tpu.core_type<tc>} {
    %get3A = arith.constant 0 : index
    %get3A_0 = arith.constant 0 : index
    %get3A_1 = vector.load %arg0[%get3A, %get3A_0] : memref<10000x64xf32, #tpu.memory_space<vmem>>, vector<10000x64xf32>
    %get3A_2 = arith.constant 0 : index
    %get3A_3 = arith.constant 0 : index
    %get3A_4 = vector.load %arg1[%get3A_2, %get3A_3] : memref<10000x1xi32, #tpu.memory_space<vmem>>, vector<10000x1xi32>
    %broadcast_in_dim3A = arith.constant -1 : i32
    %broadcast_in_dim3A_5 = vector.broadcast %broadcast_in_dim3A : i32 to vector<1x1xi32>
    %slice3A = vector.extract_strided_slice %get3A_4 {offsets = [0, 0], sizes = [9999, 1], strides = [1, 1]} : vector<10000x1xi32> to vector<9999x1xi32>
    %concatenate3A = tpu.concatenate %broadcast_in_dim3A_5, %slice3A in 0 : vector<1x1xi32>, vector<9999x1xi32> -> vector<10000x1xi32>
    %broadcast_in_dim3A_6 = arith.constant 0.000000e+00 : f32
    %broadcast_in_dim3A_7 = vector.broadcast %broadcast_in_dim3A_6 : f32 to vector<1x64xf32>
    %slice3A_8 = vector.extract_strided_slice %get3A_1 {offsets = [0, 0], sizes = [9999, 64], strides = [1, 1]} : vector<10000x64xf32> to vector<9999x64xf32>
    %concatenate3A_9 = tpu.concatenate %broadcast_in_dim3A_7, %slice3A_8 in 0 : vector<1x64xf32>, vector<9999x64xf32> -> vector<10000x64xf32>
    %eq3A = arith.cmpi eq, %concatenate3A, %get3A_4 : vector<10000x1xi32>
    %max3A = arith.maximumf %get3A_1, %concatenate3A_9 : vector<10000x64xf32>
    %broadcast_in_dim3A_10 = vector.shape_cast %eq3A : vector<10000x1xi1> to vector<10000x1xi1>
    %broadcast_in_dim3A_11 = vector.broadcast %broadcast_in_dim3A_10 : vector<10000x1xi1> to vector<10000x64xi1>
    %select_n3A = arith.select %broadcast_in_dim3A_11, %max3A, %get3A_1 : vector<10000x64xi1>, vector<10000x64xf32>
    %broadcast_in_dim3A_12 = arith.constant -1 : i32
    %broadcast_in_dim3A_13 = vector.broadcast %broadcast_in_dim3A_12 : i32 to vector<2x1xi32>
    %slice3A_14 = vector.extract_strided_slice %get3A_4 {offsets = [0, 0], sizes = [9998, 1], strides = [1, 1]} : vector<10000x1xi32> to vector<9998x1xi32>
    %concatenate3A_15 = tpu.concatenate %broadcast_in_dim3A_13, %slice3A_14 in 0 : vector<2x1xi32>, vector<9998x1xi32> -> vector<10000x1xi32>
    %broadcast_in_dim3A_16 = arith.constant 0.000000e+00 : f32
    %broadcast_in_dim3A_17 = vector.broadcast %broadcast_in_dim3A_16 : f32 to vector<2x64xf32>
    %slice3A_18 = vector.extract_strided_slice %select_n3A {offsets = [0, 0], sizes = [9998, 64], strides = [1, 1]} : vector<10000x64xf32> to vector<9998x64xf32>
    %concatenate3A_19 = tpu.concatenate %broadcast_in_dim3A_17, %slice3A_18 in 0 : vector<2x64xf32>, vector<9998x64xf32> -> vector<10000x64xf32>
    %eq3A_20 = arith.cmpi eq, %concatenate3A_15, %get3A_4 : vector<10000x1xi32>
    %max3A_21 = arith.maximumf %select_n3A, %concatenate3A_19 : vector<10000x64xf32>
    %broadcast_in_dim3A_22 = vector.shape_cast %eq3A_20 : vector<10000x1xi1> to vector<10000x1xi1>
    %broadcast_in_dim3A_23 = vector.broadcast %broadcast_in_dim3A_22 : vector<10000x1xi1> to vector<10000x64xi1>
    %select_n3A_24 = arith.select %broadcast_in_dim3A_23, %max3A_21, %select_n3A : vector<10000x64xi1>, vector<10000x64xf32>
    %broadcast_in_dim3A_25 = arith.constant -1 : i32
    %broadcast_in_dim3A_26 = vector.broadcast %broadcast_in_dim3A_25 : i32 to vector<4x1xi32>
    %slice3A_27 = vector.extract_strided_slice %get3A_4 {offsets = [0, 0], sizes = [9996, 1], strides = [1, 1]} : vector<10000x1xi32> to vector<9996x1xi32>
    %concatenate3A_28 = tpu.concatenate %broadcast_in_dim3A_26, %slice3A_27 in 0 : vector<4x1xi32>, vector<9996x1xi32> -> vector<10000x1xi32>
    %broadcast_in_dim3A_29 = arith.constant 0.000000e+00 : f32
    %broadcast_in_dim3A_30 = vector.broadcast %broadcast_in_dim3A_29 : f32 to vector<4x64xf32>
    %slice3A_31 = vector.extract_strided_slice %select_n3A_24 {offsets = [0, 0], sizes = [9996, 64], strides = [1, 1]} : vector<10000x64xf32> to vector<9996x64xf32>
    %concatenate3A_32 = tpu.concatenate %broadcast_in_dim3A_30, %slice3A_31 in 0 : vector<4x64xf32>, vector<9996x64xf32> -> vector<10000x64xf32>
    %eq3A_33 = arith.cmpi eq, %concatenate3A_28, %get3A_4 : vector<10000x1xi32>
    %max3A_34 = arith.maximumf %select_n3A_24, %concatenate3A_32 : vector<10000x64xf32>
    %broadcast_in_dim3A_35 = vector.shape_cast %eq3A_33 : vector<10000x1xi1> to vector<10000x1xi1>
    %broadcast_in_dim3A_36 = vector.broadcast %broadcast_in_dim3A_35 : vector<10000x1xi1> to vector<10000x64xi1>
    %select_n3A_37 = arith.select %broadcast_in_dim3A_36, %max3A_34, %select_n3A_24 : vector<10000x64xi1>, vector<10000x64xf32>
    %reshape3A = vector.shape_cast %select_n3A_37 : vector<10000x64xf32> to vector<1250x8x64xf32>
    %slice3A_38 = vector.extract_strided_slice %reshape3A {offsets = [0, 7, 0], sizes = [1250, 1, 64], strides = [1, 1, 1]} : vector<1250x8x64xf32> to vector<1250x1x64xf32>
    %squeeze3A = vector.shape_cast %slice3A_38 : vector<1250x1x64xf32> to vector<1250x64xf32>
    %reshape3A_39 = vector.shape_cast %get3A_4 : vector<10000x1xi32> to vector<1250x8x1xi32>
    %slice3A_40 = vector.extract_strided_slice %reshape3A_39 {offsets = [0, 7, 0], sizes = [1250, 1, 1], strides = [1, 1, 1]} : vector<1250x8x1xi32> to vector<1250x1x1xi32>
    %squeeze3A_41 = vector.shape_cast %slice3A_40 : vector<1250x1x1xi32> to vector<1250x1xi32>
    %broadcast_in_dim3A_42 = arith.constant -1 : i32
    %broadcast_in_dim3A_43 = vector.broadcast %broadcast_in_dim3A_42 : i32 to vector<1x1xi32>
    %slice3A_44 = vector.extract_strided_slice %squeeze3A_41 {offsets = [0, 0], sizes = [1249, 1], strides = [1, 1]} : vector<1250x1xi32> to vector<1249x1xi32>
    %concatenate3A_45 = tpu.concatenate %broadcast_in_dim3A_43, %slice3A_44 in 0 : vector<1x1xi32>, vector<1249x1xi32> -> vector<1250x1xi32>
    %broadcast_in_dim3A_46 = arith.constant 0.000000e+00 : f32
    %broadcast_in_dim3A_47 = vector.broadcast %broadcast_in_dim3A_46 : f32 to vector<1x64xf32>
    %slice3A_48 = vector.extract_strided_slice %squeeze3A {offsets = [0, 0], sizes = [1249, 64], strides = [1, 1]} : vector<1250x64xf32> to vector<1249x64xf32>
    %concatenate3A_49 = tpu.concatenate %broadcast_in_dim3A_47, %slice3A_48 in 0 : vector<1x64xf32>, vector<1249x64xf32> -> vector<1250x64xf32>
    %eq3A_50 = arith.cmpi eq, %concatenate3A_45, %squeeze3A_41 : vector<1250x1xi32>
    %max3A_51 = arith.maximumf %squeeze3A, %concatenate3A_49 : vector<1250x64xf32>
    %broadcast_in_dim3A_52 = vector.shape_cast %eq3A_50 : vector<1250x1xi1> to vector<1250x1xi1>
    %broadcast_in_dim3A_53 = vector.broadcast %broadcast_in_dim3A_52 : vector<1250x1xi1> to vector<1250x64xi1>
    %select_n3A_54 = arith.select %broadcast_in_dim3A_53, %max3A_51, %squeeze3A : vector<1250x64xi1>, vector<1250x64xf32>
    %broadcast_in_dim3A_55 = arith.constant -1 : i32
    %broadcast_in_dim3A_56 = vector.broadcast %broadcast_in_dim3A_55 : i32 to vector<2x1xi32>
    %slice3A_57 = vector.extract_strided_slice %squeeze3A_41 {offsets = [0, 0], sizes = [1248, 1], strides = [1, 1]} : vector<1250x1xi32> to vector<1248x1xi32>
    %concatenate3A_58 = tpu.concatenate %broadcast_in_dim3A_56, %slice3A_57 in 0 : vector<2x1xi32>, vector<1248x1xi32> -> vector<1250x1xi32>
    %broadcast_in_dim3A_59 = arith.constant 0.000000e+00 : f32
    %broadcast_in_dim3A_60 = vector.broadcast %broadcast_in_dim3A_59 : f32 to vector<2x64xf32>
    %slice3A_61 = vector.extract_strided_slice %select_n3A_54 {offsets = [0, 0], sizes = [1248, 64], strides = [1, 1]} : vector<1250x64xf32> to vector<1248x64xf32>
    %concatenate3A_62 = tpu.concatenate %broadcast_in_dim3A_60, %slice3A_61 in 0 : vector<2x64xf32>, vector<1248x64xf32> -> vector<1250x64xf32>
    %eq3A_63 = arith.cmpi eq, %concatenate3A_58, %squeeze3A_41 : vector<1250x1xi32>
    %max3A_64 = arith.maximumf %select_n3A_54, %concatenate3A_62 : vector<1250x64xf32>
    %broadcast_in_dim3A_65 = vector.shape_cast %eq3A_63 : vector<1250x1xi1> to vector<1250x1xi1>
    %broadcast_in_dim3A_66 = vector.broadcast %broadcast_in_dim3A_65 : vector<1250x1xi1> to vector<1250x64xi1>
    %select_n3A_67 = arith.select %broadcast_in_dim3A_66, %max3A_64, %select_n3A_54 : vector<1250x64xi1>, vector<1250x64xf32>
    %broadcast_in_dim3A_68 = arith.constant -1 : i32
    %broadcast_in_dim3A_69 = vector.broadcast %broadcast_in_dim3A_68 : i32 to vector<4x1xi32>
    %slice3A_70 = vector.extract_strided_slice %squeeze3A_41 {offsets = [0, 0], sizes = [1246, 1], strides = [1, 1]} : vector<1250x1xi32> to vector<1246x1xi32>
    %concatenate3A_71 = tpu.concatenate %broadcast_in_dim3A_69, %slice3A_70 in 0 : vector<4x1xi32>, vector<1246x1xi32> -> vector<1250x1xi32>
    %broadcast_in_dim3A_72 = arith.constant 0.000000e+00 : f32
    %broadcast_in_dim3A_73 = vector.broadcast %broadcast_in_dim3A_72 : f32 to vector<4x64xf32>
    %slice3A_74 = vector.extract_strided_slice %select_n3A_67 {offsets = [0, 0], sizes = [1246, 64], strides = [1, 1]} : vector<1250x64xf32> to vector<1246x64xf32>
    %concatenate3A_75 = tpu.concatenate %broadcast_in_dim3A_73, %slice3A_74 in 0 : vector<4x64xf32>, vector<1246x64xf32> -> vector<1250x64xf32>
    %eq3A_76 = arith.cmpi eq, %concatenate3A_71, %squeeze3A_41 : vector<1250x1xi32>
    %max3A_77 = arith.maximumf %select_n3A_67, %concatenate3A_75 : vector<1250x64xf32>
    %broadcast_in_dim3A_78 = vector.shape_cast %eq3A_76 : vector<1250x1xi1> to vector<1250x1xi1>
    %broadcast_in_dim3A_79 = vector.broadcast %broadcast_in_dim3A_78 : vector<1250x1xi1> to vector<1250x64xi1>
    %select_n3A_80 = arith.select %broadcast_in_dim3A_79, %max3A_77, %select_n3A_67 : vector<1250x64xi1>, vector<1250x64xf32>
    %broadcast_in_dim3A_81 = arith.constant -1 : i32
    %broadcast_in_dim3A_82 = vector.broadcast %broadcast_in_dim3A_81 : i32 to vector<8x1xi32>
    %slice3A_83 = vector.extract_strided_slice %squeeze3A_41 {offsets = [0, 0], sizes = [1242, 1], strides = [1, 1]} : vector<1250x1xi32> to vector<1242x1xi32>
    %concatenate3A_84 = tpu.concatenate %broadcast_in_dim3A_82, %slice3A_83 in 0 : vector<8x1xi32>, vector<1242x1xi32> -> vector<1250x1xi32>
    %broadcast_in_dim3A_85 = arith.constant 0.000000e+00 : f32
    %broadcast_in_dim3A_86 = vector.broadcast %broadcast_in_dim3A_85 : f32 to vector<8x64xf32>
    %slice3A_87 = vector.extract_strided_slice %select_n3A_80 {offsets = [0, 0], sizes = [1242, 64], strides = [1, 1]} : vector<1250x64xf32> to vector<1242x64xf32>
    %concatenate3A_88 = tpu.concatenate %broadcast_in_dim3A_86, %slice3A_87 in 0 : vector<8x64xf32>, vector<1242x64xf32> -> vector<1250x64xf32>
    %eq3A_89 = arith.cmpi eq, %concatenate3A_84, %squeeze3A_41 : vector<1250x1xi32>
    %max3A_90 = arith.maximumf %select_n3A_80, %concatenate3A_88 : vector<1250x64xf32>
    %broadcast_in_dim3A_91 = vector.shape_cast %eq3A_89 : vector<1250x1xi1> to vector<1250x1xi1>
    %broadcast_in_dim3A_92 = vector.broadcast %broadcast_in_dim3A_91 : vector<1250x1xi1> to vector<1250x64xi1>
    %select_n3A_93 = arith.select %broadcast_in_dim3A_92, %max3A_90, %select_n3A_80 : vector<1250x64xi1>, vector<1250x64xf32>
    %broadcast_in_dim3A_94 = arith.constant -1 : i32
    %broadcast_in_dim3A_95 = vector.broadcast %broadcast_in_dim3A_94 : i32 to vector<16x1xi32>
    %slice3A_96 = vector.extract_strided_slice %squeeze3A_41 {offsets = [0, 0], sizes = [1234, 1], strides = [1, 1]} : vector<1250x1xi32> to vector<1234x1xi32>
    %concatenate3A_97 = tpu.concatenate %broadcast_in_dim3A_95, %slice3A_96 in 0 : vector<16x1xi32>, vector<1234x1xi32> -> vector<1250x1xi32>
    %broadcast_in_dim3A_98 = arith.constant 0.000000e+00 : f32
    %broadcast_in_dim3A_99 = vector.broadcast %broadcast_in_dim3A_98 : f32 to vector<16x64xf32>
    %slice3A_100 = vector.extract_strided_slice %select_n3A_93 {offsets = [0, 0], sizes = [1234, 64], strides = [1, 1]} : vector<1250x64xf32> to vector<1234x64xf32>
    %concatenate3A_101 = tpu.concatenate %broadcast_in_dim3A_99, %slice3A_100 in 0 : vector<16x64xf32>, vector<1234x64xf32> -> vector<1250x64xf32>
    %eq3A_102 = arith.cmpi eq, %concatenate3A_97, %squeeze3A_41 : vector<1250x1xi32>
    %max3A_103 = arith.maximumf %select_n3A_93, %concatenate3A_101 : vector<1250x64xf32>
    %broadcast_in_dim3A_104 = vector.shape_cast %eq3A_102 : vector<1250x1xi1> to vector<1250x1xi1>
    %broadcast_in_dim3A_105 = vector.broadcast %broadcast_in_dim3A_104 : vector<1250x1xi1> to vector<1250x64xi1>
    %select_n3A_106 = arith.select %broadcast_in_dim3A_105, %max3A_103, %select_n3A_93 : vector<1250x64xi1>, vector<1250x64xf32>
    %broadcast_in_dim3A_107 = arith.constant -1 : i32
    %broadcast_in_dim3A_108 = vector.broadcast %broadcast_in_dim3A_107 : i32 to vector<32x1xi32>
    %slice3A_109 = vector.extract_strided_slice %squeeze3A_41 {offsets = [0, 0], sizes = [1218, 1], strides = [1, 1]} : vector<1250x1xi32> to vector<1218x1xi32>
    %concatenate3A_110 = tpu.concatenate %broadcast_in_dim3A_108, %slice3A_109 in 0 : vector<32x1xi32>, vector<1218x1xi32> -> vector<1250x1xi32>
    %broadcast_in_dim3A_111 = arith.constant 0.000000e+00 : f32
    %broadcast_in_dim3A_112 = vector.broadcast %broadcast_in_dim3A_111 : f32 to vector<32x64xf32>
    %slice3A_113 = vector.extract_strided_slice %select_n3A_106 {offsets = [0, 0], sizes = [1218, 64], strides = [1, 1]} : vector<1250x64xf32> to vector<1218x64xf32>
    %concatenate3A_114 = tpu.concatenate %broadcast_in_dim3A_112, %slice3A_113 in 0 : vector<32x64xf32>, vector<1218x64xf32> -> vector<1250x64xf32>
    %eq3A_115 = arith.cmpi eq, %concatenate3A_110, %squeeze3A_41 : vector<1250x1xi32>
    %max3A_116 = arith.maximumf %select_n3A_106, %concatenate3A_114 : vector<1250x64xf32>
    %broadcast_in_dim3A_117 = vector.shape_cast %eq3A_115 : vector<1250x1xi1> to vector<1250x1xi1>
    %broadcast_in_dim3A_118 = vector.broadcast %broadcast_in_dim3A_117 : vector<1250x1xi1> to vector<1250x64xi1>
    %select_n3A_119 = arith.select %broadcast_in_dim3A_118, %max3A_116, %select_n3A_106 : vector<1250x64xi1>, vector<1250x64xf32>
    %broadcast_in_dim3A_120 = arith.constant -1 : i32
    %broadcast_in_dim3A_121 = vector.broadcast %broadcast_in_dim3A_120 : i32 to vector<64x1xi32>
    %slice3A_122 = vector.extract_strided_slice %squeeze3A_41 {offsets = [0, 0], sizes = [1186, 1], strides = [1, 1]} : vector<1250x1xi32> to vector<1186x1xi32>
    %concatenate3A_123 = tpu.concatenate %broadcast_in_dim3A_121, %slice3A_122 in 0 : vector<64x1xi32>, vector<1186x1xi32> -> vector<1250x1xi32>
    %broadcast_in_dim3A_124 = arith.constant 0.000000e+00 : f32
    %broadcast_in_dim3A_125 = vector.broadcast %broadcast_in_dim3A_124 : f32 to vector<64x64xf32>
    %slice3A_126 = vector.extract_strided_slice %select_n3A_119 {offsets = [0, 0], sizes = [1186, 64], strides = [1, 1]} : vector<1250x64xf32> to vector<1186x64xf32>
    %concatenate3A_127 = tpu.concatenate %broadcast_in_dim3A_125, %slice3A_126 in 0 : vector<64x64xf32>, vector<1186x64xf32> -> vector<1250x64xf32>
    %eq3A_128 = arith.cmpi eq, %concatenate3A_123, %squeeze3A_41 : vector<1250x1xi32>
    %max3A_129 = arith.maximumf %select_n3A_119, %concatenate3A_127 : vector<1250x64xf32>
    %broadcast_in_dim3A_130 = vector.shape_cast %eq3A_128 : vector<1250x1xi1> to vector<1250x1xi1>
    %broadcast_in_dim3A_131 = vector.broadcast %broadcast_in_dim3A_130 : vector<1250x1xi1> to vector<1250x64xi1>
    %select_n3A_132 = arith.select %broadcast_in_dim3A_131, %max3A_129, %select_n3A_119 : vector<1250x64xi1>, vector<1250x64xf32>
    %broadcast_in_dim3A_133 = arith.constant -1 : i32
    %broadcast_in_dim3A_134 = vector.broadcast %broadcast_in_dim3A_133 : i32 to vector<128x1xi32>
    %slice3A_135 = vector.extract_strided_slice %squeeze3A_41 {offsets = [0, 0], sizes = [1122, 1], strides = [1, 1]} : vector<1250x1xi32> to vector<1122x1xi32>
    %concatenate3A_136 = tpu.concatenate %broadcast_in_dim3A_134, %slice3A_135 in 0 : vector<128x1xi32>, vector<1122x1xi32> -> vector<1250x1xi32>
    %broadcast_in_dim3A_137 = arith.constant 0.000000e+00 : f32
    %broadcast_in_dim3A_138 = vector.broadcast %broadcast_in_dim3A_137 : f32 to vector<128x64xf32>
    %slice3A_139 = vector.extract_strided_slice %select_n3A_132 {offsets = [0, 0], sizes = [1122, 64], strides = [1, 1]} : vector<1250x64xf32> to vector<1122x64xf32>
    %concatenate3A_140 = tpu.concatenate %broadcast_in_dim3A_138, %slice3A_139 in 0 : vector<128x64xf32>, vector<1122x64xf32> -> vector<1250x64xf32>
    %eq3A_141 = arith.cmpi eq, %concatenate3A_136, %squeeze3A_41 : vector<1250x1xi32>
    %max3A_142 = arith.maximumf %select_n3A_132, %concatenate3A_140 : vector<1250x64xf32>
    %broadcast_in_dim3A_143 = vector.shape_cast %eq3A_141 : vector<1250x1xi1> to vector<1250x1xi1>
    %broadcast_in_dim3A_144 = vector.broadcast %broadcast_in_dim3A_143 : vector<1250x1xi1> to vector<1250x64xi1>
    %select_n3A_145 = arith.select %broadcast_in_dim3A_144, %max3A_142, %select_n3A_132 : vector<1250x64xi1>, vector<1250x64xf32>
    %broadcast_in_dim3A_146 = arith.constant -1 : i32
    %broadcast_in_dim3A_147 = vector.broadcast %broadcast_in_dim3A_146 : i32 to vector<256x1xi32>
    %slice3A_148 = vector.extract_strided_slice %squeeze3A_41 {offsets = [0, 0], sizes = [994, 1], strides = [1, 1]} : vector<1250x1xi32> to vector<994x1xi32>
    %concatenate3A_149 = tpu.concatenate %broadcast_in_dim3A_147, %slice3A_148 in 0 : vector<256x1xi32>, vector<994x1xi32> -> vector<1250x1xi32>
    %broadcast_in_dim3A_150 = arith.constant 0.000000e+00 : f32
    %broadcast_in_dim3A_151 = vector.broadcast %broadcast_in_dim3A_150 : f32 to vector<256x64xf32>
    %slice3A_152 = vector.extract_strided_slice %select_n3A_145 {offsets = [0, 0], sizes = [994, 64], strides = [1, 1]} : vector<1250x64xf32> to vector<994x64xf32>
    %concatenate3A_153 = tpu.concatenate %broadcast_in_dim3A_151, %slice3A_152 in 0 : vector<256x64xf32>, vector<994x64xf32> -> vector<1250x64xf32>
    %eq3A_154 = arith.cmpi eq, %concatenate3A_149, %squeeze3A_41 : vector<1250x1xi32>
    %max3A_155 = arith.maximumf %select_n3A_145, %concatenate3A_153 : vector<1250x64xf32>
    %broadcast_in_dim3A_156 = vector.shape_cast %eq3A_154 : vector<1250x1xi1> to vector<1250x1xi1>
    %broadcast_in_dim3A_157 = vector.broadcast %broadcast_in_dim3A_156 : vector<1250x1xi1> to vector<1250x64xi1>
    %select_n3A_158 = arith.select %broadcast_in_dim3A_157, %max3A_155, %select_n3A_145 : vector<1250x64xi1>, vector<1250x64xf32>
    %broadcast_in_dim3A_159 = arith.constant -1 : i32
    %broadcast_in_dim3A_160 = vector.broadcast %broadcast_in_dim3A_159 : i32 to vector<512x1xi32>
    %slice3A_161 = vector.extract_strided_slice %squeeze3A_41 {offsets = [0, 0], sizes = [738, 1], strides = [1, 1]} : vector<1250x1xi32> to vector<738x1xi32>
    %concatenate3A_162 = tpu.concatenate %broadcast_in_dim3A_160, %slice3A_161 in 0 : vector<512x1xi32>, vector<738x1xi32> -> vector<1250x1xi32>
    %broadcast_in_dim3A_163 = arith.constant 0.000000e+00 : f32
    %broadcast_in_dim3A_164 = vector.broadcast %broadcast_in_dim3A_163 : f32 to vector<512x64xf32>
    %slice3A_165 = vector.extract_strided_slice %select_n3A_158 {offsets = [0, 0], sizes = [738, 64], strides = [1, 1]} : vector<1250x64xf32> to vector<738x64xf32>
    %concatenate3A_166 = tpu.concatenate %broadcast_in_dim3A_164, %slice3A_165 in 0 : vector<512x64xf32>, vector<738x64xf32> -> vector<1250x64xf32>
    %eq3A_167 = arith.cmpi eq, %concatenate3A_162, %squeeze3A_41 : vector<1250x1xi32>
    %max3A_168 = arith.maximumf %select_n3A_158, %concatenate3A_166 : vector<1250x64xf32>
    %broadcast_in_dim3A_169 = vector.shape_cast %eq3A_167 : vector<1250x1xi1> to vector<1250x1xi1>
    %broadcast_in_dim3A_170 = vector.broadcast %broadcast_in_dim3A_169 : vector<1250x1xi1> to vector<1250x64xi1>
    %select_n3A_171 = arith.select %broadcast_in_dim3A_170, %max3A_168, %select_n3A_158 : vector<1250x64xi1>, vector<1250x64xf32>
    %broadcast_in_dim3A_172 = arith.constant -1 : i32
    %broadcast_in_dim3A_173 = vector.broadcast %broadcast_in_dim3A_172 : i32 to vector<1024x1xi32>
    %slice3A_174 = vector.extract_strided_slice %squeeze3A_41 {offsets = [0, 0], sizes = [226, 1], strides = [1, 1]} : vector<1250x1xi32> to vector<226x1xi32>
    %concatenate3A_175 = tpu.concatenate %broadcast_in_dim3A_173, %slice3A_174 in 0 : vector<1024x1xi32>, vector<226x1xi32> -> vector<1250x1xi32>
    %broadcast_in_dim3A_176 = arith.constant 0.000000e+00 : f32
    %broadcast_in_dim3A_177 = vector.broadcast %broadcast_in_dim3A_176 : f32 to vector<1024x64xf32>
    %slice3A_178 = vector.extract_strided_slice %select_n3A_171 {offsets = [0, 0], sizes = [226, 64], strides = [1, 1]} : vector<1250x64xf32> to vector<226x64xf32>
    %concatenate3A_179 = tpu.concatenate %broadcast_in_dim3A_177, %slice3A_178 in 0 : vector<1024x64xf32>, vector<226x64xf32> -> vector<1250x64xf32>
    %eq3A_180 = arith.cmpi eq, %concatenate3A_175, %squeeze3A_41 : vector<1250x1xi32>
    %max3A_181 = arith.maximumf %select_n3A_171, %concatenate3A_179 : vector<1250x64xf32>
    %broadcast_in_dim3A_182 = vector.shape_cast %eq3A_180 : vector<1250x1xi1> to vector<1250x1xi1>
    %broadcast_in_dim3A_183 = vector.broadcast %broadcast_in_dim3A_182 : vector<1250x1xi1> to vector<1250x64xi1>
    %select_n3A_184 = arith.select %broadcast_in_dim3A_183, %max3A_181, %select_n3A_171 : vector<1250x64xi1>, vector<1250x64xf32>
    %broadcast_in_dim3A_185 = arith.constant 0.000000e+00 : f32
    %broadcast_in_dim3A_186 = vector.broadcast %broadcast_in_dim3A_185 : f32 to vector<1x64xf32>
    %slice3A_187 = vector.extract_strided_slice %select_n3A_184 {offsets = [0, 0], sizes = [1249, 64], strides = [1, 1]} : vector<1250x64xf32> to vector<1249x64xf32>
    %concatenate3A_188 = tpu.concatenate %broadcast_in_dim3A_186, %slice3A_187 in 0 : vector<1x64xf32>, vector<1249x64xf32> -> vector<1250x64xf32>
    %broadcast_in_dim3A_189 = arith.constant -1 : i32
    %broadcast_in_dim3A_190 = vector.broadcast %broadcast_in_dim3A_189 : i32 to vector<1x1xi32>
    %slice3A_191 = vector.extract_strided_slice %squeeze3A_41 {offsets = [0, 0], sizes = [1249, 1], strides = [1, 1]} : vector<1250x1xi32> to vector<1249x1xi32>
    %concatenate3A_192 = tpu.concatenate %broadcast_in_dim3A_190, %slice3A_191 in 0 : vector<1x1xi32>, vector<1249x1xi32> -> vector<1250x1xi32>
    %broadcast_in_dim3A_193 = vector.shape_cast %concatenate3A_188 : vector<1250x64xf32> to vector<1250x1x64xf32>
    %broadcast_in_dim3A_194 = vector.shape_cast %broadcast_in_dim3A_193 : vector<1250x1x64xf32> to vector<1250x1x64xf32>
    %broadcast_in_dim3A_195 = vector.broadcast %broadcast_in_dim3A_194 : vector<1250x1x64xf32> to vector<1250x8x64xf32>
    %reshape3A_196 = vector.shape_cast %broadcast_in_dim3A_195 : vector<1250x8x64xf32> to vector<10000x64xf32>
    %broadcast_in_dim3A_197 = vector.shape_cast %concatenate3A_192 : vector<1250x1xi32> to vector<1250x1x1xi32>
    %broadcast_in_dim3A_198 = vector.shape_cast %broadcast_in_dim3A_197 : vector<1250x1x1xi32> to vector<1250x1x1xi32>
    %broadcast_in_dim3A_199 = vector.broadcast %broadcast_in_dim3A_198 : vector<1250x1x1xi32> to vector<1250x8x1xi32>
    %reshape3A_200 = vector.shape_cast %broadcast_in_dim3A_199 : vector<1250x8x1xi32> to vector<10000x1xi32>
    %eq3A_201 = arith.cmpi eq, %get3A_4, %reshape3A_200 : vector<10000x1xi32>
    %max3A_202 = arith.maximumf %select_n3A_37, %reshape3A_196 : vector<10000x64xf32>
    %broadcast_in_dim3A_203 = vector.shape_cast %eq3A_201 : vector<10000x1xi1> to vector<10000x1xi1>
    %broadcast_in_dim3A_204 = vector.broadcast %broadcast_in_dim3A_203 : vector<10000x1xi1> to vector<10000x64xi1>
    %select_n3A_205 = arith.select %broadcast_in_dim3A_204, %max3A_202, %select_n3A_37 : vector<10000x64xi1>, vector<10000x64xf32>
    %slice3A_206 = vector.extract_strided_slice %get3A_4 {offsets = [1, 0], sizes = [9999, 1], strides = [1, 1]} : vector<10000x1xi32> to vector<9999x1xi32>
    %broadcast_in_dim3A_207 = arith.constant -1 : i32
    %broadcast_in_dim3A_208 = vector.broadcast %broadcast_in_dim3A_207 : i32 to vector<1x1xi32>
    %concatenate3A_209 = tpu.concatenate %slice3A_206, %broadcast_in_dim3A_208 in 0 : vector<9999x1xi32>, vector<1x1xi32> -> vector<10000x1xi32>
    %ne3A = arith.cmpi ne, %concatenate3A_209, %get3A_4 : vector<10000x1xi32>
    %iota3A = tpu.iota {dimensions = array<i32: 1>} : vector<1x64xi32>
    %eq3A_210 = vector.broadcast %get3A_4 : vector<10000x1xi32> to vector<10000x64xi32>
    %eq3A_211 = vector.broadcast %iota3A : vector<1x64xi32> to vector<10000x64xi32>
    %eq3A_212 = arith.cmpi eq, %eq3A_210, %eq3A_211 : vector<10000x64xi32>
    %and3A = vector.broadcast %ne3A : vector<10000x1xi1> to vector<10000x64xi1>
    %and3A_213 = arith.andi %eq3A_212, %and3A : vector<10000x64xi1>
    %jit3A = arith.constant 1.000000e+00 : f32
    %jit3A_214 = arith.constant 0.000000e+00 : f32
    %broadcast_in_dim3A_215 = vector.broadcast %jit3A : f32 to vector<10000x64xf32>
    %broadcast_in_dim3A_216 = vector.broadcast %jit3A_214 : f32 to vector<10000x64xf32>
    %select_n3A_217 = arith.select %and3A_213, %broadcast_in_dim3A_215, %broadcast_in_dim3A_216 : vector<10000x64xi1>, vector<10000x64xf32>
    %jit3A_218 = arith.constant 0.000000e+00 : f32
    %broadcast_in_dim3A_219 = vector.shape_cast %ne3A : vector<10000x1xi1> to vector<10000x1xi1>
    %broadcast_in_dim3A_220 = vector.broadcast %broadcast_in_dim3A_219 : vector<10000x1xi1> to vector<10000x64xi1>
    %broadcast_in_dim3A_221 = vector.broadcast %jit3A_218 : f32 to vector<10000x64xf32>
    %select_n3A_222 = arith.select %broadcast_in_dim3A_220, %select_n3A_205, %broadcast_in_dim3A_221 : vector<10000x64xi1>, vector<10000x64xf32>
    %dot_general3A = arith.constant dense<0.000000e+00> : vector<64x64xf32>
    %dot_general3A_223 = tpu.matmul %select_n3A_217, %select_n3A_222, %dot_general3A {dimension_numbers = #tpu.dot_dimension_numbers<[0], [0], [1], [1], [0, 1, 1, 1], [], []>, transpose_lhs_hint = false} : vector<10000x64xf32>, vector<10000x64xf32>, vector<64x64xf32> -> vector<64x64xf32>
    %broadcast_in_dim3A_224 = arith.constant 1.000000e+00 : f32
    %broadcast_in_dim3A_225 = vector.broadcast %broadcast_in_dim3A_224 : f32 to vector<10000x1xf32>
    %dot_general3A_226 = arith.constant dense<0.000000e+00> : vector<64x1xf32>
    %dot_general3A_227 = tpu.matmul %select_n3A_217, %broadcast_in_dim3A_225, %dot_general3A_226 {dimension_numbers = #tpu.dot_dimension_numbers<[0], [0], [1], [1], [0, 1, 1, 1], [], []>, transpose_lhs_hint = false} : vector<10000x64xf32>, vector<10000x1xf32>, vector<64x1xf32> -> vector<64x1xf32>
    %gt3A = arith.constant 0.000000e+00 : f32
    %gt3A_228 = vector.broadcast %gt3A : f32 to vector<64x1xf32>
    %gt3A_229 = arith.cmpf ogt, %dot_general3A_227, %gt3A_228 : vector<64x1xf32>
    %jit3A_230 = arith.constant 0xFF800000 : f32
    %broadcast_in_dim3A_231 = vector.shape_cast %gt3A_229 : vector<64x1xi1> to vector<64x1xi1>
    %broadcast_in_dim3A_232 = vector.broadcast %broadcast_in_dim3A_231 : vector<64x1xi1> to vector<64x64xi1>
    %broadcast_in_dim3A_233 = vector.broadcast %jit3A_230 : f32 to vector<64x64xf32>
    %select_n3A_234 = arith.select %broadcast_in_dim3A_232, %dot_general3A_223, %broadcast_in_dim3A_233 : vector<64x64xi1>, vector<64x64xf32>
    %get3A_235 = arith.constant 0 : index
    %get3A_236 = arith.constant 0 : index
    %get3A_237 = vector.load %arg2[%get3A_235, %get3A_236] : memref<64x256xf32, #tpu.memory_space<vmem>>, vector<64x256xf32>
    %dot_general3A_238 = arith.constant dense<0.000000e+00> : vector<64x256xf32>
    %dot_general3A_239 = tpu.matmul %select_n3A_234, %get3A_237, %dot_general3A_238 {dimension_numbers = #tpu.dot_dimension_numbers<[1], [0], [0], [1], [0, 0, 1, 1], [], []>, transpose_lhs_hint = false} : vector<64x64xf32>, vector<64x256xf32>, vector<64x256xf32> -> vector<64x256xf32>
    %get3A_240 = arith.constant 0 : index
    %get3A_241 = arith.constant 0 : index
    %get3A_242 = vector.load %arg3[%get3A_240, %get3A_241] : memref<1x256xf32, #tpu.memory_space<vmem>>, vector<1x256xf32>
    %add3A = vector.broadcast %get3A_242 : vector<1x256xf32> to vector<64x256xf32>
    %add3A_243 = arith.addf %dot_general3A_239, %add3A : vector<64x256xf32>
    %max3A_244 = arith.constant 0.000000e+00 : f32
    %max3A_245 = vector.broadcast %max3A_244 : f32 to vector<64x256xf32>
    %max3A_246 = arith.maximumf %add3A_243, %max3A_245 : vector<64x256xf32>
    %get3A_247 = arith.constant 0 : index
    %get3A_248 = arith.constant 0 : index
    %get3A_249 = vector.load %arg4[%get3A_247, %get3A_248] : memref<256x128xf32, #tpu.memory_space<vmem>>, vector<256x128xf32>
    %dot_general3A_250 = arith.constant dense<0.000000e+00> : vector<64x128xf32>
    %dot_general3A_251 = tpu.matmul %max3A_246, %get3A_249, %dot_general3A_250 {dimension_numbers = #tpu.dot_dimension_numbers<[1], [0], [0], [1], [0, 0, 1, 1], [], []>, transpose_lhs_hint = false} : vector<64x256xf32>, vector<256x128xf32>, vector<64x128xf32> -> vector<64x128xf32>
    %get3A_252 = arith.constant 0 : index
    %get3A_253 = arith.constant 0 : index
    %get3A_254 = vector.load %arg5[%get3A_252, %get3A_253] : memref<1x128xf32, #tpu.memory_space<vmem>>, vector<1x128xf32>
    %add3A_255 = vector.broadcast %get3A_254 : vector<1x128xf32> to vector<64x128xf32>
    %add3A_256 = arith.addf %dot_general3A_251, %add3A_255 : vector<64x128xf32>
    %max3A_257 = arith.constant 0.000000e+00 : f32
    %max3A_258 = vector.broadcast %max3A_257 : f32 to vector<64x128xf32>
    %max3A_259 = arith.maximumf %add3A_256, %max3A_258 : vector<64x128xf32>
    %get3A_260 = arith.constant 0 : index
    %get3A_261 = arith.constant 0 : index
    %get3A_262 = vector.load %arg6[%get3A_260, %get3A_261] : memref<128x10xf32, #tpu.memory_space<vmem>>, vector<128x10xf32>
    %dot_general3A_263 = arith.constant dense<0.000000e+00> : vector<64x10xf32>
    %dot_general3A_264 = tpu.matmul %max3A_259, %get3A_262, %dot_general3A_263 {dimension_numbers = #tpu.dot_dimension_numbers<[1], [0], [0], [1], [0, 0, 1, 1], [], []>, transpose_lhs_hint = false} : vector<64x128xf32>, vector<128x10xf32>, vector<64x10xf32> -> vector<64x10xf32>
    %get3A_265 = arith.constant 0 : index
    %get3A_266 = arith.constant 0 : index
    %get3A_267 = vector.load %arg7[%get3A_265, %get3A_266] : memref<1x10xf32, #tpu.memory_space<vmem>>, vector<1x10xf32>
    %add3A_268 = vector.broadcast %get3A_267 : vector<1x10xf32> to vector<64x10xf32>
    %add3A_269 = arith.addf %dot_general3A_264, %add3A_268 : vector<64x10xf32>
    %reduce_max3A = arith.constant dense<0xFF800000> : vector<64xf32>
    %reduce_max3A_270 = vector.multi_reduction <maximumf>, %add3A_269, %reduce_max3A [1] : vector<64x10xf32> to vector<64xf32>
    %broadcast_in_dim3A_271 = vector.shape_cast %reduce_max3A_270 : vector<64xf32> to vector<64x1xf32>
    %sub3A = vector.broadcast %broadcast_in_dim3A_271 : vector<64x1xf32> to vector<64x10xf32>
    %sub3A_272 = arith.subf %add3A_269, %sub3A : vector<64x10xf32>
    %exp3A = math.exp %sub3A_272 : vector<64x10xf32>
    %reduce_sum3A = arith.constant dense<0.000000e+00> : vector<64xf32>
    %reduce_sum3A_273 = vector.multi_reduction <add>, %exp3A, %reduce_sum3A [1] : vector<64x10xf32> to vector<64xf32>
    %broadcast_in_dim3A_274 = vector.shape_cast %reduce_sum3A_273 : vector<64xf32> to vector<64x1xf32>
    %log3A = math.log %broadcast_in_dim3A_274 : vector<64x1xf32>
    %sub3A_275 = vector.broadcast %log3A : vector<64x1xf32> to vector<64x10xf32>
    %sub3A_276 = arith.subf %sub3A_272, %sub3A_275 : vector<64x10xf32>
    %swap3A = arith.constant 0 : index
    %swap3A_277 = arith.constant 0 : index
    %swap3A_278 = vector.load %arg8[%swap3A, %swap3A_277] : memref<64x10xf32, #tpu.memory_space<vmem>>, vector<64x10xf32>
    tpu.vector_store %arg8[%swap3A, %swap3A_277], %sub3A_276 {strides = array<i32>} : memref<64x10xf32, #tpu.memory_space<vmem>>, vector<64x10xf32>,
    return
  }
}

</mosaic_0001>

<sc_bundles>
// kernel: kernel.11.cloned.1.call-start
scs
__scs_entry_jumppad:
0x0: {  	(pc) =	sbr.rel $0x88, $3  }
0x1: {  	(tag) =	ssettag $0x0;
	lr =	simm.s32 $0x1  }
0x2: {  	[smem:$0x3F92] =	sst lr;
	_ =	strace $0xD0000000  }
0x3: {  	_ = 	snop  }
0x4: {  	_ = 	snop  }
0x5: {  	_ = 	snop  }
0x6: {  	_ = 	snop  }
0x7: {  	_ = 	snop  }
__scs_overlays_trampoline_lowered:
0x8: {  	[smem:$0x3FA1] =	sst s0  }
0x9: {  	[smem:$0x3FA2] =	sst s1  }
0xa: {  	[smem:$0x3FA3] =	sst s2  }
0xb: {  	[smem:$0x3FA4] =	sst s3  }
0xc: {  	[smem:$0x3FA5] =	sst s4  }
0xd: {  	[smem:$0x3FA6] =	sst s5  }
0xe: {  	[smem:$0x3FA7] =	sst s6  }
0xf: {  	[smem:$0x3FA8] =	sst s7  }
0x10: {  	[smem:$0x3FA9] =	sst s8  }
0x11: {  	[smem:$0x3FAA] =	sst s9;
	s0 =	simm.s32 @!p0 $0x0  }
0x12: {  	s1 =	sld [smem:$0x3F90];
	s0 =	simm.s32 @p0 $0x1  }
0x13: {  	[smem:$0x3FAB] =	sst s0;
	s0 =	simm.s32 @!p1 $0x0  }
0x14: {  	s2 =	sld [smem:$0x3F8F];
	s0 =	simm.s32 @p1 $0x1  }
0x15: {  	[smem:$0x3FAC] =	sst s0;
	s0 =	simm.s32 @!p2 $0x0  }
0x16: {  	s3 =	sld [smem:$0x3FDB];
	s0 =	simm.s32 @p2 $0x1  }
0x17: {  	s4 =	simm.s32 $0x1BF5;
	[smem:$0x3FAE] =	sst s0  }
0x18: {  	s0 =	sld [smem:$0x3F91];
	_ =	swait.ge [sflag:s4], $0x0  }
0x19: {  	s7 =	sld [smem:$0x3F92]  }
0x1a: {  	s8 =	sadd.s32 $0xFFFFE003, lr  }
0x1b: {  	s9 =	sadd.s32 $0xFFFFFEF7, lr;
	s5 =	simm.s32 $0xFFFFFFFF;
	p2 =	slt.u32 s8, $0xFFFFF086  }
0x1c: {  	p1 =	slt.u32 s9, $0xF7A;
	s5 =	simm.s32 @!p2 $0x0  }
0x1d: {  	s5 =	simm.s32 @p1 $0x1;
	p0 =	seq.s32 s7, s2  }
0x1e: {  	s7 =	smul.u32 @!p0 $0xF7A, s2;
	p2 =	seq.s32 @!p0 s5, $0x0  }
0x1f: {  	s9 =	smul.u32 $0xF7A, s1;
	s8 =	simm.s32 @!p0 $0x1BF5;
	p2 =	por !p2, p0  }
0x20: {  	[sflag:s8] =	ssyncset.s32 @!p0 $0xFFFFF086;
	s6 =	sadd.s32 @!p0 s3, s7;
	s7 =	simm.s32 @!p0 $0x108  }
0x21: {  	s3 =	sadd.s32 s3, s9;
	s6 =	sadd.s32 @!p0 $0x88, s6;
	s7 =	simm.s32 @p2 $0x1082  }
0x22: {  	[simem:s7], [sflag:s8] =	dma.local @!p0 [hbm:s6], $0xF7A  }
0x23: {  	s9 =	sor.u32 $0xD0000000, s2;
	s6 =	simm.s32 $0x108;
	_ =	swait.ge @!p0 [sflag:s8], $0x0  }
0x24: {  	s3 =	sadd.s32 $0x88, s3;
	s6 =	simm.s32 @!p1 $0x1082;
	[sflag:s4] =	ssyncset.s32 $0xFFFFF086  }
0x25: {  	[simem:s6], [sflag:s4] =	dma.local [hbm:s3], $0xF7A  }
0x26: {  	[smem:$0x3F92] =	sst s1;
	(tag) =	ssettag s2;
	_ =	strace s9  }
0x27: {  	s1 =	sld [smem:$0x3FA2]  }
0x28: {  	s2 =	sld [smem:$0x3FA3]  }
0x29: {  	s4 =	sld [smem:$0x3FA5]  }
0x2a: {  	p0 =	seq.s32 s5, $0x0;
	s5 =	sld [smem:$0x3FA6]  }
0x2b: {  	s6 =	sld [smem:$0x3FA7]  }
0x2c: {  	s7 =	sld [smem:$0x3FA8]  }
0x2d: {  	s3 =	simm.s32 $0x108;
	s8 =	sld [smem:$0x3FA9]  }
0x2e: {  	s3 =	simm.s32 @!p0 $0x1082;
	s9 =	sld [smem:$0x3FAA]  }
0x2f: {  	lr =	sadd.s32 s0, s3;
	s0 =	sld [smem:$0x3FA1]  }
0x30: {  	s3 =	sld [smem:$0x3FA4]  }
0x31: {  	[smem:$0x3FAD] =	sst s10  }
0x32: {  	s10 =	sld [smem:$0x3FAB];
	_ =	sdelay $0x3  }
0x33: {  	p0 =	seq.s32 s10, $0x1;
	s10 =	sld [smem:$0x3FAD];
	_ =	sdelay $0x3  }
0x34: {  	[smem:$0x3FAD] =	sst s10  }
0x35: {  	s10 =	sld [smem:$0x3FAC];
	_ =	sdelay $0x3  }
0x36: {  	p1 =	seq.s32 s10, $0x1;
	s10 =	sld [smem:$0x3FAD];
	_ =	sdelay $0x3  }
0x37: {  	[smem:$0x3FAD] =	sst s10  }
0x38: {  	s10 =	sld [smem:$0x3FAE]  }
0x39: {  	_ = 	snop;
	(pc) =	sbr.ind lr, $3  }
0x3a: {  	_ = 	snop  }
0x3b: {  	_ = 	snop  }
0x3c: {  	p2 =	seq.s32 s10, $0x1;
	s10 =	sld [smem:$0x3FAD]  }
0x3d: {  	_ =	shalt  }
0x3e: {  	_ =	shalt  }
0x3f: {  	_ =	shalt  }
0x40: {  	_ =	shalt  }
0x41: {  	_ =	shalt  }
0x42: {  	_ =	shalt  }
0x43: {  	_ =	shalt  }
0x44: {  	_ =	shalt  }
0x45: {  	_ =	shalt  }
0x46: {  	_ =	shalt  }
0x47: {  	_ =	shalt  }
0x48: {  	_ =	shalt  }
0x49: {  	_ =	shalt  }
0x4a: {  	_ =	shalt  }
0x4b: {  	_ =	shalt  }
0x4c: {  	_ =	shalt  }
0x4d: {  	_ =	shalt  }
0x4e: {  	_ =	shalt  }
0x4f: {  	_ =	shalt  }
0x50: {  	_ =	shalt  }
0x51: {  	_ =	shalt  }
0x52: {  	_ =	shalt  }
0x53: {  	_ =	shalt  }
0x54: {  	_ =	shalt  }
0x55: {  	_ =	shalt  }
0x56: {  	_ =	shalt  }
0x57: {  	_ =	shalt  }
0x58: {  	_ =	shalt  }
0x59: {  	_ =	shalt  }
0x5a: {  	_ =	shalt  }
0x5b: {  	_ =	shalt  }
0x5c: {  	_ =	shalt  }
0x5d: {  	_ =	shalt  }
0x5e: {  	_ =	shalt  }
0x5f: {  	_ =	shalt  }
0x60: {  	_ =	shalt  }
0x61: {  	_ =	shalt  }
0x62: {  	_ =	shalt  }
0x63: {  	_ =	shalt  }
0x64: {  	_ =	shalt  }
0x65: {  	_ =	shalt  }
0x66: {  	_ =	shalt  }
0x67: {  	_ =	shalt  }
0x68: {  	_ =	shalt  }
0x69: {  	_ =	shalt  }
0x6a: {  	_ =	shalt  }
0x6b: {  	_ =	shalt  }
0x6c: {  	_ =	shalt  }
0x6d: {  	_ =	shalt  }
0x6e: {  	_ =	shalt  }
0x6f: {  	_ =	shalt  }
0x70: {  	_ =	shalt  }
0x71: {  	_ =	shalt  }
0x72: {  	_ =	shalt  }
0x73: {  	_ =	shalt  }
0x74: {  	_ =	shalt  }
0x75: {  	_ =	shalt  }
0x76: {  	_ =	shalt  }
0x77: {  	_ =	shalt  }
0x78: {  	_ =	shalt  }
0x79: {  	_ =	shalt  }
0x7a: {  	_ =	shalt  }
0x7b: {  	_ =	shalt  }
0x7c: {  	_ =	shalt  }
0x7d: {  	_ =	shalt  }
0x7e: {  	_ =	shalt  }
0x7f: {  	_ =	shalt  }
0x80: {  	_ =	shalt  }
0x81: {  	_ =	shalt  }
0x82: {  	_ =	shalt  }
0x83: {  	_ =	shalt  }
0x84: {  	_ =	shalt  }
0x85: {  	_ =	shalt  }
0x86: {  	_ =	shalt  }
0x87: {  	_ =	shalt  }
.Lfunc_end0:
.L_simem_size_0:
called_computation_lowered:
.L_overlay_start_0:
0x88: {  	s2 =	sld [smem:$0x3FD9]  }
0x89: {  	s3 =	sld [smem:$0x3FFE];
	_ =	sdelay $0x1  }
0x8a: {  	s1 =	srdreg.scid  }
0x8b: {  	s0 =	sand.u32 $0x1, s1  }
0x8c: {  	s17 =	sshll.u32 s0, $0xA;
	s2 =	sadd.s32 s3, s2  }
0x8d: {  	s2 =	sadd.s32 s2, s17  }
0x8e: {  	[smem:$0x3FB9] =	sst s2  }
0x8f: {  	_ = 	snop  }
0x90: {  	s2 =	sld [smem:$0x3FD0];
	(tm) =	ssettm $0x1  }
0x91: {  	s18 =	sld [smem:$0x3FFB];
	_ =	sdelay $0x3  }
0x92: {  	_ =	strace s18  }
0x93: {  	s3 =	sld [smem:$0x3FFC];
	_ =	sdelay $0x3  }
0x94: {  	_ =	strace s3  }
0x95: {  	s3 =	sld [smem:$0x3FFD];
	_ =	sdelay $0x3  }
0x96: {  	_ =	strace s3  }
0x97: {  	_ =	strace $0x8FFFFFFF  }
0x98: {  	s19 =	sld [smem:$0x3FDB];
	_ =	sdelay $0x1  }
0x99: {  	s4 =	simm.s32 $_scs_section_size  }
0x9a: {  	s5 =	simm.s32 $_size__tile_overlayer_lowered;
	s6 =	simm.s32 $_tile_overlayer_lowered  }
0x9b: {  	s22 =	simm.s32 $0x1BFF;
	s21 =	sshll.u32 s6, $0x1;
	s3 =	sadd.s32 s4, s19  }
0x9c: {  	s7 =	simm.s32 $0x0;
	s20 =	sshll.u32 s5, $0x1;
	s5 =	sadd.s32 s21, s3  }
0x9d: {  	[timem:s7], [sflag:s22] =	dma.local [hbm:s5], s20  }
0x9e: {  	_ =	swait.ge [sflag:s22], s20  }
0x9f: {  	s4 =	ssub.s32 $0x0, s20;
	[sflag:s22] =	ssyncset.done $0x0  }
0xa0: {  	[sflag:s22] =	ssyncadd.s32 s4;
	_ =	sdelay $0x1  }
0xa1: {  	s23 =	simm.s32 $0x1B8B  }
0xa2: {  	_ =	swait.ge [sflag:s23], $0x1  }
0xa3: {  	[sflag:s23] =	ssyncset.done $0x0  }
0xa4: {  	s25 =	simm.s32 $0x1B8E;
	s24 =	sld [smem:$0x3FFE];
	[sflag:s23] =	ssyncadd.s32 $0xFFFFFFFF  }
0xa5: {  	s26 =	simm.s32 $execute0_lowered;
	[smem:$0x3FD2] =	sst s25  }
0xa6: {  	s5 =	sshll.u32 s26, $0x1;
	_ =	strace $0x80000046;
	[dreg:$0x1] =	wrdreg $0xFFFFFFFF  }
0xa7: {  	s28 =	simm.s32 $_size_execute0_lowered;
	s3 =	sadd.s32 s3, s5;
	[dreg:$0x0] =	wrdreg $0x0  }
0xa8: {  	s5 =	sshll.u32 s28, $0x1;
	[dreg:$0x2] =	wrdreg s3  }
0xa9: {  	[dreg:$0x3] =	wrdreg s5  }
0xaa: {  	[dreg:$0x4] =	wrdreg $0xC0  }
0xab: {  	_ =	task [dreg:s7], $0x5FFFF  }
0xac: {  	[dreg:$0x1] =	wrdreg $0xFFFFFFFF  }
0xad: {  	[dreg:$0x0] =	wrdreg $0x60  }
0xae: {  	[dreg:$0x2] =	wrdreg s24  }
0xaf: {  	[dreg:$0x3] =	wrdreg s2  }
0xb0: {  	[dreg:$0x4] =	wrdreg $0x2C100  }
0xb1: {  	[dreg:$0x5] =	wrdreg $0x9  }
0xb2: {  	_ =	task.clear_ibuf [dreg:s7], $0x6FFFF;
	_ =	strace $0x90000046  }
0xb3: {  	s29 =	simm.s32 $0x9;
	_ =	strace $0x80000048  }
0xb4: {  	_ =	swait.ge [sflag:s29], $0x1  }
0xb5: {  	[sflag:s29] =	ssyncadd.s32 $0xFFFFFFFF  }
0xb6: {  	_ =	strace $0x90000048  }
0xb7: {  	_ =	sfence  }
0xb8: {  	s30 =	sld [smem:$0x0];
	_ =	sdelay $0x2  }
0xb9: {  	s31 =	sshll.u32 s1, $0xD;
	s1 =	sshrl.u32 s1, $0x2  }
0xba: {  	s3 =	sand.u32 $0x4000, s31;
	s1 =	sadd.s32 s1, s30  }
0xbb: {  	s0 =	sor.u32 s3, s0;
	s1 =	sshll.u32 s1, $0x11  }
0xbc: {  	s0 =	sor.u32 s1, s0  }
0xbd: {  	s0 =	sadd.s32 $0x8F2B, s0  }
0xbe: {  	[sflag:s0] =	ssyncadd.remote.s32 $0x1  }
0xbf: {  	_ =	sfence.sel $0xFFFF  }
0xc0: {  	[dreg:$0x0] =	wrdreg $0xFFFFFFFF;
	(pc) =	sbr.abs _section_cstart, $3  }
0xc1: {  	[dreg:$0x1] =	wrdreg $0xFFFFFFFF  }
0xc2: {  	_ =	task.clear_ibuf [dreg:s7], $0x2FFFF;
	_ =	strace $0x9FFFFFFF  }
0xc3: {  	(tm) =	ssettm $0x7FFFFFFF  }
tec
execute0_lowered:
.L_overlay_start_1:
0x0: {  	(tag) =	ssettag $0x1  }
0x1: {  	s7 =	rddreg [dreg:$0x0]  }
0x2: {  	s2 =	rddreg [dreg:$0x1]  }
0x3: {  	s0 =	srdreg.scid;
	s3 =	rddreg [dreg:$0x2]  }
0x4: {  	s1 =	stileid.u32;
	s4 =	simm.s32 $0x0;
	s15 =	simm.s32 $0x1  }
0x5: {  	s5 =	sand.u32 $0x1, s0;
	s0 =	rddreg [dreg:$0x3];
	s8 =	smul.u32 $0x4E2, s1  }
0x6: {  	[smem:$0x7FF] =	sst s4;
	s9 =	smul.u32 $0x2700, s1;
	s14 =	sadd.s32 $0x24900, s3  }
0x7: {  	p0 =	seq.s32 s1, $0xF;
	s6 =	smul.u32 $0x4E20, s5;
	s5 =	ssub.s32 $0x2, s5  }
0x8: {  	_ =	strace $0x80000047;
	s17 =	sshrl.u32 s9, $0x3;
	s11 =	sshrl.u32 s5, $0x1  }
0x9: {  	s13 =	sadd.s32 s9, s3;
	s9 =	simm.s32 $0x2710;
	s8 =	sadd.s32 s8, s6  }
0xa: {  	s10 =	sadd.s32 s17, s7;
	s12 =	sadd.s32 s6, s7;
	s11 =	ssub.s32 s5, s11  }
0xb: {  	s13 =	sshrl.u32 @!p0 s13, $0x3;
	s8 =	sadd.s32 s8, s7;
	s6 =	sadd.s32 $0x17000, s10  }
0xc: {  	s7 =	sadd.s32 $0x1B920, s7;
	s18 =	sadd.s32 $0x1C000, s12;
	s12 =	sshll.u32 @!p0 s1, $0x6  }
0xd: {  	s10 =	simm.s32 $0x2;
	s5 =	sadd.s32 $0xD200, s8;
	s8 =	smax.u32 s11, $0x1  }
0xe: {  	s11 =	sshrl.u32 @p0 s14, $0x3;
	s12 =	sor.u32 @!p0 $0x1C02, s12;
	s14 =	simm.s32 $0x50  }
0xf: {  	s16 =	sadd.s32 @p0 $0x4920, s18;
	s17 =	sadd.s32 @!p0 s17, s18;
	s18 =	simm.s32 $0x0  }
.LBB2_1:
0x10: {  	[tilespmem:s9], [sflag:$0x2] =	stream.linear.gather [hbm4b:s2+s4], $0x500, $0x38;
	[tilespmem:$0x5320] =	vst v63  }
0x11: {  	_ =	swait.ge [sflag:s10], $0x500  }
0x12: {  	[sflag:s10] =	ssyncset.done $0x0  }
0x13: {  	[sflag:s10] =	ssyncadd.s32 $0xFFFFFB00  }
0x14: {  	[tilespmem:s4], [sflag:$0x2] =	stream.linear.gather [hbm4b:s5+s4], $0x2710, $0x38;
	[tilespmem:$0x5320] =	vst v63  }
0x15: {  	_ =	swait.ge [sflag:s10], $0x2710  }
0x16: {  	[sflag:s10] =	ssyncset.done $0x0  }
0x17: {  	s19 =	simm.s32 @p0 $0x1FC2;
	[sflag:s10] =	ssyncadd.s32 $0xFFFFD8F0  }
0x18: {  	[spmem:s11], [sflag:s19] =	dma.local @p0 [hbm:s7], $0x500  }
0x19: {  	s19 =	simm.s32 @p0 $0x2  }
0x1a: {  	_ =	swait.ge @p0 [sflag:s19], $0x500  }
0x1b: {  	[sflag:s19] =	ssyncset.done @p0 $0x0  }
0x1c: {  	[sflag:s19] =	ssyncadd.s32 @p0 $0xFFFFFB00;
	s19 =	simm.s32 @!p0 $0x2  }
0x1d: {  	[spmem:s13], [sflag:s12] =	dma.local @!p0 [hbm:s6], $0x4E0  }
0x1e: {  	_ =	swait.ge @!p0 [sflag:s19], $0x4E0  }
0x1f: {  	[sflag:s19] =	ssyncset.done @!p0 $0x0  }
0x20: {  	p1 =	por $0x1, $0x1;
	[sflag:s19] =	ssyncadd.s32 @!p0 $0xFFFFFB20  }
0x21: {  	s21 =	simm.s32 @!p1 $0x1;
	[bflag:$0x0] =	sbarrier.arrive $0xFFFF  }
0x22: {  	[spmem:s3] =	stream.indirect.scatter.add.f32 [tilespmem:s9], [sflag:$0x1], $0x10, s4, s14, $0xb8;
	[tilespmem:$0x5320] =	vst v63  }
0x23: {  	_ =	swait.ge @!p1 [sflag:s21], $0x500  }
0x24: {  	s20 =	simm.s32 $0x0;
	s19 =	simm.s32 $0x1;
	[sflag:s21] =	ssyncset.done @!p1 $0x0  }
.LBB2_2:
0x25: {  	[sflag:s21] =	ssyncadd.s32 @!p1 $0xFFFFFB00  }
0x26: {  	s20 =	sadd.s32 $0x50, s20;
	s21 =	smov.u32 s19;
	s19 =	sadd.s32 $0x1, s19  }
0x27: {  	p2 =	sne.s32 s19, $0x7D  }
0x28: {  	[spmem:s3] =	stream.indirect.scatter.add.f32 [tilespmem:s9], [sflag:$0x1], $0x10, s20, s14, $0xb8;
	[tilespmem:$0x5320] =	vst v63  }
.Ltmp0:
0x29: {  	_ = 	snop;
	(pc) =	sbr.rel @p2 .LBB2_2-.Ltmp0, $4  }
0x2a: {  	p1 =	slt.u32 s21, $0x10  }
0x2b: {  	s21 =	simm.s32 @!p1 $0x1  }
0x2c: {  	_ =	swait.ge @!p1 [sflag:s21], $0x500  }
0x2d: {  	[sflag:s21] =	ssyncset.done @!p1 $0x0  }
0x2e: {  	[sflag:s21] =	ssyncadd.s32 @!p1 $0xFFFFFB00  }
0x2f: {  	_ =	swait.ge [sflag:s15], $0x500  }
0x30: {  	[sflag:s15] =	ssyncset.done $0x0  }
0x31: {  	[sflag:s15] =	ssyncadd.s32 $0xFFFFFB00  }
0x32: {  	_ =	swait.ge [sflag:s15], $0x500  }
0x33: {  	[sflag:s15] =	ssyncset.done $0x0  }
0x34: {  	[sflag:s15] =	ssyncadd.s32 $0xFFFFFB00  }
0x35: {  	_ =	swait.ge [sflag:s15], $0x500  }
0x36: {  	[sflag:s15] =	ssyncset.done $0x0  }
0x37: {  	[sflag:s15] =	ssyncadd.s32 $0xFFFFFB00  }
0x38: {  	_ =	swait.ge [sflag:s15], $0x500  }
0x39: {  	[sflag:s15] =	ssyncset.done $0x0  }
0x3a: {  	[sflag:s15] =	ssyncadd.s32 $0xFFFFFB00  }
0x3b: {  	_ =	swait.ge [sflag:s15], $0x500  }
0x3c: {  	[sflag:s15] =	ssyncset.done $0x0  }
0x3d: {  	[sflag:s15] =	ssyncadd.s32 $0xFFFFFB00  }
0x3e: {  	_ =	swait.ge [sflag:s15], $0x500  }
0x3f: {  	[sflag:s15] =	ssyncset.done $0x0  }
0x40: {  	[sflag:s15] =	ssyncadd.s32 $0xFFFFFB00  }
0x41: {  	_ =	swait.ge [sflag:s15], $0x500  }
0x42: {  	[sflag:s15] =	ssyncset.done $0x0  }
0x43: {  	[sflag:s15] =	ssyncadd.s32 $0xFFFFFB00  }
0x44: {  	_ =	swait.ge [sflag:s15], $0x500  }
0x45: {  	[sflag:s15] =	ssyncset.done $0x0  }
0x46: {  	[sflag:s15] =	ssyncadd.s32 $0xFFFFFB00  }
0x47: {  	_ =	swait.ge [sflag:s15], $0x500  }
0x48: {  	[sflag:s15] =	ssyncset.done $0x0  }
0x49: {  	[sflag:s15] =	ssyncadd.s32 $0xFFFFFB00  }
0x4a: {  	_ =	swait.ge [sflag:s15], $0x500  }
0x4b: {  	[sflag:s15] =	ssyncset.done $0x0  }
0x4c: {  	[sflag:s15] =	ssyncadd.s32 $0xFFFFFB00  }
0x4d: {  	_ =	swait.ge [sflag:s15], $0x500  }
0x4e: {  	[sflag:s15] =	ssyncset.done $0x0  }
0x4f: {  	[sflag:s15] =	ssyncadd.s32 $0xFFFFFB00  }
0x50: {  	_ =	swait.ge [sflag:s15], $0x500  }
0x51: {  	[sflag:s15] =	ssyncset.done $0x0  }
0x52: {  	[sflag:s15] =	ssyncadd.s32 $0xFFFFFB00  }
0x53: {  	_ =	swait.ge [sflag:s15], $0x500  }
0x54: {  	[sflag:s15] =	ssyncset.done $0x0  }
0x55: {  	[sflag:s15] =	ssyncadd.s32 $0xFFFFFB00  }
0x56: {  	_ =	swait.ge [sflag:s15], $0x500  }
0x57: {  	[sflag:s15] =	ssyncset.done $0x0  }
0x58: {  	[sflag:s15] =	ssyncadd.s32 $0xFFFFFB00  }
0x59: {  	_ =	swait.ge [sflag:s15], $0x500  }
0x5a: {  	[sflag:s15] =	ssyncset.done $0x0  }
0x5b: {  	[sflag:s15] =	ssyncadd.s32 $0xFFFFFB00  }
0x5c: {  	_ =	swait.ge [sflag:s15], $0x500  }
0x5d: {  	[sflag:s15] =	ssyncset.done $0x0  }
0x5e: {  	[sflag:s15] =	ssyncadd.s32 $0xFFFFFB00  }
0x5f: {  	s19 =	simm.s32 @p0 $0x1FC2;
	[bflag:$0x0] =	sbarrier.arrive $0xFFFF  }
0x60: {  	[hbm:s16], [sflag:s19] =	dma.local @p0 [spmem:s11], $0x500  }
0x61: {  	s19 =	simm.s32 @p0 $0x2  }
0x62: {  	s18 =	sadd.s32 $0x1, s18;
	_ =	swait.ge @p0 [sflag:s19], $0x500  }
0x63: {  	p1 =	sne.s32 s18, s8;
	[sflag:s19] =	ssyncset.done @p0 $0x0  }
.Ltmp1:
0x64: {  	[sflag:s19] =	ssyncadd.s32 @p0 $0xFFFFFB00;
	s19 =	simm.s32 @!p0 $0x2;
	(pc) =	sbr.rel @p1 .LBB2_1-.Ltmp1, $4  }
0x65: {  	[hbm:s17], [sflag:s12] =	dma.local @!p0 [spmem:s13], $0x4E0  }
0x66: {  	_ =	swait.ge @!p0 [sflag:s19], $0x4E0  }
0x67: {  	[sflag:s19] =	ssyncset.done @!p0 $0x0  }
0x68: {  	[sflag:s19] =	ssyncadd.s32 @!p0 $0xFFFFFB20  }
0x69: {  	_ =	sfence.sel $0x180000  }
0x6a: {  	[bflag:$0x0] =	sbarrier.arrive $0xFFFF  }
0x6b: {  	p0 =	sne.s32 s1, $0x0;
	_ =	strace $0x90000047  }
0x6c: {  	s0 =	sadd.s32 @!p0 $0x100000, s0;
	[bflag:$0x2] =	sbarrier.arrive $0xFFFF  }
0x6d: {  	[sflag:s0] =	ssyncadd.tile.s32 @!p0 $0x1;
	_ =	shalt  }
.Lfunc_end2:
_tile_overlayer_lowered:
.L_overlay_start_2:
0x6e: {  	(tag) =	ssettag $0x2  }
0x6f: {  	s0 =	rddreg [dreg:$0x0];
	s2 =	stileid.u32  }
0x70: {  	s1 =	rddreg [dreg:$0x1];
	p0 =	sne.s32 s2, $0x0  }
0x71: {  	s3 =	rddreg [dreg:$0x2];
	[bflag:$0x3] =	sbarrier.arrive $0xFFFF;
	s2 =	simm.s32 @!p0 $0x1C02  }
0x72: {  	[timem:s3], [sflag:s2] =	dma.local @!p0 [hbm:s0], s1  }
0x73: {  	s0 =	simm.s32 @!p0 $0x2  }
0x74: {  	_ =	swait.ge @!p0 [sflag:s0], s1  }
0x75: {  	s1 =	ssub.s32 @!p0 $0x0, s1;
	[sflag:s0] =	ssyncset.done @!p0 $0x0  }
0x76: {  	[sflag:s0] =	ssyncadd.s32 @!p0 s1  }
0x77: {  	[bflag:$0x3] =	sbarrier.arrive $0xFFFF  }
0x78: {  	_ =	shalt  }

// kernel: kernel.14.cloned.1.call-start
scs
__scs_entry_jumppad:
0x0: {  	(pc) =	sbr.rel $0x88, $3  }
0x1: {  	(tag) =	ssettag $0x0;
	lr =	simm.s32 $0x1  }
0x2: {  	[smem:$0x3F92] =	sst lr;
	_ =	strace $0xD0000000  }
0x3: {  	_ = 	snop  }
0x4: {  	_ = 	snop  }
0x5: {  	_ = 	snop  }
0x6: {  	_ = 	snop  }
0x7: {  	_ = 	snop  }
__scs_overlays_trampoline_lowered:
0x8: {  	[smem:$0x3FA1] =	sst s0  }
0x9: {  	[smem:$0x3FA2] =	sst s1  }
0xa: {  	[smem:$0x3FA3] =	sst s2  }
0xb: {  	[smem:$0x3FA4] =	sst s3  }
0xc: {  	[smem:$0x3FA5] =	sst s4  }
0xd: {  	[smem:$0x3FA6] =	sst s5  }
0xe: {  	[smem:$0x3FA7] =	sst s6  }
0xf: {  	[smem:$0x3FA8] =	sst s7  }
0x10: {  	[smem:$0x3FA9] =	sst s8  }
0x11: {  	[smem:$0x3FAA] =	sst s9;
	s0 =	simm.s32 @!p0 $0x0  }
0x12: {  	s1 =	sld [smem:$0x3F90];
	s0 =	simm.s32 @p0 $0x1  }
0x13: {  	[smem:$0x3FAB] =	sst s0;
	s0 =	simm.s32 @!p1 $0x0  }
0x14: {  	s2 =	sld [smem:$0x3F8F];
	s0 =	simm.s32 @p1 $0x1  }
0x15: {  	[smem:$0x3FAC] =	sst s0;
	s0 =	simm.s32 @!p2 $0x0  }
0x16: {  	s3 =	sld [smem:$0x3FDB];
	s0 =	simm.s32 @p2 $0x1  }
0x17: {  	s4 =	simm.s32 $0x1BF5;
	[smem:$0x3FAE] =	sst s0  }
0x18: {  	s0 =	sld [smem:$0x3F91];
	_ =	swait.ge [sflag:s4], $0x0  }
0x19: {  	s7 =	sld [smem:$0x3F92]  }
0x1a: {  	s8 =	sadd.s32 $0xFFFFE003, lr  }
0x1b: {  	s9 =	sadd.s32 $0xFFFFFEF7, lr;
	s5 =	simm.s32 $0xFFFFFFFF;
	p2 =	slt.u32 s8, $0xFFFFF086  }
0x1c: {  	p1 =	slt.u32 s9, $0xF7A;
	s5 =	simm.s32 @!p2 $0x0  }
0x1d: {  	s5 =	simm.s32 @p1 $0x1;
	p0 =	seq.s32 s7, s2  }
0x1e: {  	s7 =	smul.u32 @!p0 $0xF7A, s2;
	p2 =	seq.s32 @!p0 s5, $0x0  }
0x1f: {  	s9 =	smul.u32 $0xF7A, s1;
	s8 =	simm.s32 @!p0 $0x1BF5;
	p2 =	por !p2, p0  }
0x20: {  	[sflag:s8] =	ssyncset.s32 @!p0 $0xFFFFF086;
	s6 =	sadd.s32 @!p0 s3, s7;
	s7 =	simm.s32 @!p0 $0x108  }
0x21: {  	s3 =	sadd.s32 s3, s9;
	s6 =	sadd.s32 @!p0 $0x88, s6;
	s7 =	simm.s32 @p2 $0x1082  }
0x22: {  	[simem:s7], [sflag:s8] =	dma.local @!p0 [hbm:s6], $0xF7A  }
0x23: {  	s9 =	sor.u32 $0xD0000000, s2;
	s6 =	simm.s32 $0x108;
	_ =	swait.ge @!p0 [sflag:s8], $0x0  }
0x24: {  	s3 =	sadd.s32 $0x88, s3;
	s6 =	simm.s32 @!p1 $0x1082;
	[sflag:s4] =	ssyncset.s32 $0xFFFFF086  }
0x25: {  	[simem:s6], [sflag:s4] =	dma.local [hbm:s3], $0xF7A  }
0x26: {  	[smem:$0x3F92] =	sst s1;
	(tag) =	ssettag s2;
	_ =	strace s9  }
0x27: {  	s1 =	sld [smem:$0x3FA2]  }
0x28: {  	s2 =	sld [smem:$0x3FA3]  }
0x29: {  	s4 =	sld [smem:$0x3FA5]  }
0x2a: {  	p0 =	seq.s32 s5, $0x0;
	s5 =	sld [smem:$0x3FA6]  }
0x2b: {  	s6 =	sld [smem:$0x3FA7]  }
0x2c: {  	s7 =	sld [smem:$0x3FA8]  }
0x2d: {  	s3 =	simm.s32 $0x108;
	s8 =	sld [smem:$0x3FA9]  }
0x2e: {  	s3 =	simm.s32 @!p0 $0x1082;
	s9 =	sld [smem:$0x3FAA]  }
0x2f: {  	lr =	sadd.s32 s0, s3;
	s0 =	sld [smem:$0x3FA1]  }
0x30: {  	s3 =	sld [smem:$0x3FA4]  }
0x31: {  	[smem:$0x3FAD] =	sst s10  }
0x32: {  	s10 =	sld [smem:$0x3FAB];
	_ =	sdelay $0x3  }
0x33: {  	p0 =	seq.s32 s10, $0x1;
	s10 =	sld [smem:$0x3FAD];
	_ =	sdelay $0x3  }
0x34: {  	[smem:$0x3FAD] =	sst s10  }
0x35: {  	s10 =	sld [smem:$0x3FAC];
	_ =	sdelay $0x3  }
0x36: {  	p1 =	seq.s32 s10, $0x1;
	s10 =	sld [smem:$0x3FAD];
	_ =	sdelay $0x3  }
0x37: {  	[smem:$0x3FAD] =	sst s10  }
0x38: {  	s10 =	sld [smem:$0x3FAE]  }
0x39: {  	_ = 	snop;
	(pc) =	sbr.ind lr, $3  }
0x3a: {  	_ = 	snop  }
0x3b: {  	_ = 	snop  }
0x3c: {  	p2 =	seq.s32 s10, $0x1;
	s10 =	sld [smem:$0x3FAD]  }
0x3d: {  	_ =	shalt  }
0x3e: {  	_ =	shalt  }
0x3f: {  	_ =	shalt  }
0x40: {  	_ =	shalt  }
0x41: {  	_ =	shalt  }
0x42: {  	_ =	shalt  }
0x43: {  	_ =	shalt  }
0x44: {  	_ =	shalt  }
0x45: {  	_ =	shalt  }
0x46: {  	_ =	shalt  }
0x47: {  	_ =	shalt  }
0x48: {  	_ =	shalt  }
0x49: {  	_ =	shalt  }
0x4a: {  	_ =	shalt  }
0x4b: {  	_ =	shalt  }
0x4c: {  	_ =	shalt  }
0x4d: {  	_ =	shalt  }
0x4e: {  	_ =	shalt  }
0x4f: {  	_ =	shalt  }
0x50: {  	_ =	shalt  }
0x51: {  	_ =	shalt  }
0x52: {  	_ =	shalt  }
0x53: {  	_ =	shalt  }
0x54: {  	_ =	shalt  }
0x55: {  	_ =	shalt  }
0x56: {  	_ =	shalt  }
0x57: {  	_ =	shalt  }
0x58: {  	_ =	shalt  }
0x59: {  	_ =	shalt  }
0x5a: {  	_ =	shalt  }
0x5b: {  	_ =	shalt  }
0x5c: {  	_ =	shalt  }
0x5d: {  	_ =	shalt  }
0x5e: {  	_ =	shalt  }
0x5f: {  	_ =	shalt  }
0x60: {  	_ =	shalt  }
0x61: {  	_ =	shalt  }
0x62: {  	_ =	shalt  }
0x63: {  	_ =	shalt  }
0x64: {  	_ =	shalt  }
0x65: {  	_ =	shalt  }
0x66: {  	_ =	shalt  }
0x67: {  	_ =	shalt  }
0x68: {  	_ =	shalt  }
0x69: {  	_ =	shalt  }
0x6a: {  	_ =	shalt  }
0x6b: {  	_ =	shalt  }
0x6c: {  	_ =	shalt  }
0x6d: {  	_ =	shalt  }
0x6e: {  	_ =	shalt  }
0x6f: {  	_ =	shalt  }
0x70: {  	_ =	shalt  }
0x71: {  	_ =	shalt  }
0x72: {  	_ =	shalt  }
0x73: {  	_ =	shalt  }
0x74: {  	_ =	shalt  }
0x75: {  	_ =	shalt  }
0x76: {  	_ =	shalt  }
0x77: {  	_ =	shalt  }
0x78: {  	_ =	shalt  }
0x79: {  	_ =	shalt  }
0x7a: {  	_ =	shalt  }
0x7b: {  	_ =	shalt  }
0x7c: {  	_ =	shalt  }
0x7d: {  	_ =	shalt  }
0x7e: {  	_ =	shalt  }
0x7f: {  	_ =	shalt  }
0x80: {  	_ =	shalt  }
0x81: {  	_ =	shalt  }
0x82: {  	_ =	shalt  }
0x83: {  	_ =	shalt  }
0x84: {  	_ =	shalt  }
0x85: {  	_ =	shalt  }
0x86: {  	_ =	shalt  }
0x87: {  	_ =	shalt  }
.Lfunc_end0:
.L_simem_size_0:
called_computation.1_lowered:
.L_overlay_start_0:
0x88: {  	s2 =	sld [smem:$0x3FD9]  }
0x89: {  	s3 =	sld [smem:$0x3FFE];
	_ =	sdelay $0x1  }
0x8a: {  	s1 =	srdreg.scid  }
0x8b: {  	s0 =	sand.u32 $0x1, s1  }
0x8c: {  	s16 =	sshll.u32 s0, $0xA;
	s2 =	sadd.s32 s3, s2  }
0x8d: {  	s2 =	sadd.s32 s2, s16  }
0x8e: {  	[smem:$0x3FB9] =	sst s2  }
0x8f: {  	_ = 	snop  }
0x90: {  	(tm) =	ssettm $0x1  }
0x91: {  	s17 =	sld [smem:$0x3FFB];
	_ =	sdelay $0x3  }
0x92: {  	_ =	strace s17  }
0x93: {  	s2 =	sld [smem:$0x3FFC];
	_ =	sdelay $0x3  }
0x94: {  	_ =	strace s2  }
0x95: {  	s2 =	sld [smem:$0x3FFD];
	_ =	sdelay $0x3  }
0x96: {  	_ =	strace s2  }
0x97: {  	_ =	strace $0x8FFFFFFF  }
0x98: {  	s18 =	sld [smem:$0x3FDB];
	_ =	sdelay $0x1  }
0x99: {  	s19 =	simm.s32 $_scs_section_size  }
0x9a: {  	s4 =	simm.s32 $_size__tile_overlayer_lowered;
	s5 =	simm.s32 $_tile_overlayer_lowered  }
0x9b: {  	s22 =	simm.s32 $0x1BFF;
	s21 =	sshll.u32 s5, $0x1;
	s2 =	sadd.s32 s19, s18  }
0x9c: {  	s6 =	simm.s32 $0x0;
	s20 =	sshll.u32 s4, $0x1;
	s4 =	sadd.s32 s21, s2  }
0x9d: {  	[timem:s6], [sflag:s22] =	dma.local [hbm:s4], s20  }
0x9e: {  	_ =	swait.ge [sflag:s22], s20  }
0x9f: {  	s3 =	ssub.s32 $0x0, s20;
	[sflag:s22] =	ssyncset.done $0x0  }
0xa0: {  	[sflag:s22] =	ssyncadd.s32 s3;
	_ =	sdelay $0x1  }
0xa1: {  	s23 =	simm.s32 $0x1B8B  }
0xa2: {  	_ =	swait.ge [sflag:s23], $0x1  }
0xa3: {  	[sflag:s23] =	ssyncset.done $0x0  }
0xa4: {  	s25 =	simm.s32 $0x1B8E;
	s24 =	sld [smem:$0x3FFE];
	[sflag:s23] =	ssyncadd.s32 $0xFFFFFFFF  }
0xa5: {  	s26 =	simm.s32 $execute0_lowered;
	[smem:$0x3FD2] =	sst s25  }
0xa6: {  	s4 =	sshll.u32 s26, $0x1;
	_ =	strace $0x80000049;
	[dreg:$0x1] =	wrdreg $0xFFFFFFFF  }
0xa7: {  	s28 =	simm.s32 $_size_execute0_lowered;
	s2 =	sadd.s32 s2, s4;
	[dreg:$0x0] =	wrdreg $0x0  }
0xa8: {  	s4 =	sshll.u32 s28, $0x1;
	[dreg:$0x2] =	wrdreg s2  }
0xa9: {  	[dreg:$0x3] =	wrdreg s4  }
0xaa: {  	[dreg:$0x4] =	wrdreg $0xC0  }
0xab: {  	_ =	task [dreg:s6], $0x5FFFF  }
0xac: {  	[dreg:$0x1] =	wrdreg $0xFFFFFFFF  }
0xad: {  	[dreg:$0x0] =	wrdreg $0x60  }
0xae: {  	[dreg:$0x2] =	wrdreg s24  }
0xaf: {  	[dreg:$0x3] =	wrdreg $0xC6200  }
0xb0: {  	[dreg:$0x4] =	wrdreg $0x9  }
0xb1: {  	_ =	task.clear_ibuf [dreg:s6], $0x5FFFF;
	_ =	strace $0x90000049  }
0xb2: {  	s29 =	simm.s32 $0x9;
	_ =	strace $0x8000004B  }
0xb3: {  	_ =	swait.ge [sflag:s29], $0x1  }
0xb4: {  	[sflag:s29] =	ssyncadd.s32 $0xFFFFFFFF  }
0xb5: {  	_ =	strace $0x9000004B  }
0xb6: {  	_ =	sfence  }
0xb7: {  	s30 =	sld [smem:$0x0];
	_ =	sdelay $0x2  }
0xb8: {  	s31 =	sshll.u32 s1, $0xD;
	s1 =	sshrl.u32 s1, $0x2  }
0xb9: {  	s3 =	sand.u32 $0x4000, s31;
	s1 =	sadd.s32 s1, s30  }
0xba: {  	s0 =	sor.u32 s3, s0;
	s1 =	sshll.u32 s1, $0x11  }
0xbb: {  	s0 =	sor.u32 s1, s0  }
0xbc: {  	s0 =	sadd.s32 $0x8F2B, s0  }
0xbd: {  	[sflag:s0] =	ssyncadd.remote.s32 $0x1  }
0xbe: {  	_ =	sfence.sel $0xFFFF  }
0xbf: {  	[dreg:$0x0] =	wrdreg $0xFFFFFFFF;
	(pc) =	sbr.abs _section_cstart, $3  }
0xc0: {  	[dreg:$0x1] =	wrdreg $0xFFFFFFFF  }
0xc1: {  	_ =	task.clear_ibuf [dreg:s6], $0x2FFFF;
	_ =	strace $0x9FFFFFFF  }
0xc2: {  	(tm) =	ssettm $0x7FFFFFFF  }
0xc3: {  	_ =	shalt  }
tec
execute0_lowered:
.L_overlay_start_1:
0x0: {  	(tag) =	ssettag $0x1  }
0x1: {  	s0 =	rddreg [dreg:$0x0];
	s1 =	srdreg.scid  }
0x2: {  	s2 =	rddreg [dreg:$0x1];
	s15 =	stileid.u32  }
0x3: {  	s3 =	simm.s32 $0x0;
	s12 =	simm.s32 $0x7;
	s17 =	simm.s32 $0x50  }
0x4: {  	s18 =	simm.s32 $0x4E20;
	s19 =	simm.s32 $0x7620;
	s21 =	simm.s32 $0x9E20  }
0x5: {  	s22 =	simm.s32 $0x1;
	s23 =	simm.s32 $0x2;
	s24 =	simm.s32 $0x3  }
0x6: {  	s25 =	simm.s32 $0x4;
	s26 =	simm.s32 $0x5;
	s28 =	simm.s32 $0x6  }
0x7: {  	s20 =	simm.s32 $0x4DD0;
	s29 =	simm.s32 $0x0;
	s6 =	smul.u32 $0x4E2, s15  }
0x8: {  	s1 =	sand.u32 $0x1, s1;
	[smem:$0x7FF] =	sst s3;
	s8 =	smul.u32 $0x13800, s15  }
0x9: {  	s4 =	sadd.s32 $0x17000, s0;
	s14 =	sadd.s32 $0x124800, s2;
	s5 =	smul.u32 $0x4E20, s1  }
0xa: {  	p0 =	seq.s32 s15, $0xF;
	s7 =	smul.u32 $0x27100, s1;
	s1 =	ssub.s32 $0x2, s1  }
0xb: {  	_ =	strace $0x8000004A;
	s14 =	sshrl.u32 @p0 s14, $0x3;
	s31 =	sshrl.u32 s1, $0x1  }
0xc: {  	s13 =	sadd.s32 s8, s2;
	s6 =	sadd.s32 s6, s5;
	s5 =	sshrl.u32 s8, $0x3  }
0xd: {  	s11 =	sadd.s32 s7, s0;
	s1 =	ssub.s32 s1, s31;
	s16 =	sshrl.u32 @!p0 s13, $0x3  }
0xe: {  	s13 =	simm.s32 $0x4D80;
	s9 =	sadd.s32 s6, s0;
	s10 =	sadd.s32 s5, s0  }
0xf: {  	s6 =	sadd.s32 $0x3400, s9;
	s7 =	sadd.s32 $0xD200, s9;
	s8 =	sadd.s32 $0x3E200, s10  }
0x10: {  	s9 =	sadd.s32 $0x62B00, s0;
	s10 =	sadd.s32 $0x65400, s11;
	s0 =	sshll.u32 @!p0 s15, $0x6  }
0x11: {  	s11 =	smax.u32 s1, $0x1;
	s1 =	simm.s32 $0x26C0;
	s15 =	sor.u32 @!p0 $0x1C07, s0  }
.LBB2_1:
0x12: {  	[tilespmem:s3], [sflag:$0x7] =	stream.linear.gather [hbm4b:s6+s3], $0x2710, $0x38;
	[tilespmem:$0x1FEA0] =	vst v63  }
0x13: {  	_ =	swait.ge [sflag:s12], $0x2710  }
0x14: {  	[sflag:s12] =	ssyncset.done $0x0  }
0x15: {  	s0 =	simm.s32 $0x2710;
	[sflag:s12] =	ssyncadd.s32 $0xFFFFD8F0  }
0x16: {  	[tilespmem:s0], [sflag:$0x7] =	stream.linear.gather [hbm4b:s7+s3], $0x2710, $0x38;
	[tilespmem:$0x1FEA0] =	vst v63  }
0x17: {  	_ =	swait.ge [sflag:s12], $0x2710  }
0x18: {  	[sflag:s12] =	ssyncset.done $0x0  }
0x19: {  	s30 =	simm.s32 @p0 $0x1FC7;
	[sflag:s12] =	ssyncadd.s32 $0xFFFFD8F0  }
0x1a: {  	[spmem:s14], [sflag:s30] =	dma.local @p0 [hbm:s9], $0x2800  }
0x1b: {  	s30 =	simm.s32 @p0 $0x7  }
0x1c: {  	_ =	swait.ge @p0 [sflag:s30], $0x2800  }
0x1d: {  	[sflag:s30] =	ssyncset.done @p0 $0x0  }
0x1e: {  	[sflag:s30] =	ssyncadd.s32 @p0 $0xFFFFD800;
	s30 =	simm.s32 @!p0 $0x7  }
0x1f: {  	[spmem:s16], [sflag:s15] =	dma.local @!p0 [hbm:s8], $0x2700  }
0x20: {  	_ =	swait.ge @!p0 [sflag:s30], $0x2700  }
0x21: {  	[sflag:s30] =	ssyncset.done @!p0 $0x0  }
0x22: {  	[sflag:s30] =	ssyncadd.s32 @!p0 $0xFFFFD900  }
0x23: {  	[bflag:$0x0] =	sbarrier.arrive $0xFFFF  }
0x24: {  	[tilespmem:s18], [sflag:$0x1] =	stream.indirect.gather [hbm4b:s4+s17], $0x80, s3, s17, $0xb8;
	[tilespmem:$0x1FEA0] =	vst v63  }
0x25: {  	_ = 	snop  }
0x26: {  	[tilespmem:s19], [sflag:$0x2] =	stream.indirect.gather [hbm4b:s4+s17], $0x80, s17, s17, $0xb8;
	[tilespmem:$0x1FEA0] =	vst v63  }
0x27: {  	s0 =	simm.s32 $0xA0  }
0x28: {  	[tilespmem:s21], [sflag:$0x3] =	stream.indirect.gather [hbm4b:s4+s17], $0x80, s0, s17, $0xb8;
	[tilespmem:$0x1FEA0] =	vst v63  }
0x29: {  	_ =	swait.ge [sflag:s22], $0x2800  }
0x2a: {  	[sflag:s22] =	ssyncset.done $0x0  }
0x2b: {  	s30 =	simm.s32 $0x2710;
	[sflag:s22] =	ssyncadd.s32 $0xFFFFD800  }
0x2c: {  	[spmem:s2] =	stream.indirect.scatter.add.f32 [tilespmem:s18], [sflag:$0x4], $0x80, s30, s17, $0xb8;
	[tilespmem:$0x1FEA0] =	vst v63  }
0x2d: {  	_ =	swait.ge [sflag:s23], $0x2800  }
0x2e: {  	[sflag:s23] =	ssyncset.done $0x0  }
0x2f: {  	s30 =	simm.s32 $0x2760;
	[sflag:s23] =	ssyncadd.s32 $0xFFFFD800  }
0x30: {  	[spmem:s2] =	stream.indirect.scatter.add.f32 [tilespmem:s19], [sflag:$0x5], $0x80, s30, s17, $0xb8;
	[tilespmem:$0x1FEA0] =	vst v63  }
0x31: {  	_ =	swait.ge [sflag:s24], $0x2800  }
0x32: {  	[sflag:s24] =	ssyncset.done $0x0  }
0x33: {  	s30 =	simm.s32 $0x27B0;
	[sflag:s24] =	ssyncadd.s32 $0xFFFFD800  }
0x34: {  	[spmem:s2] =	stream.indirect.scatter.add.f32 [tilespmem:s21], [sflag:$0x6], $0x80, s30, s17, $0xb8;
	[tilespmem:$0x1FEA0] =	vst v63  }
0x35: {  	_ =	swait.ge [sflag:s25], $0x2800  }
0x36: {  	[sflag:s25] =	ssyncset.done $0x0  }
0x37: {  	s30 =	simm.s32 $0xF0;
	[sflag:s25] =	ssyncadd.s32 $0xFFFFD800  }
0x38: {  	[tilespmem:s18], [sflag:$0x1] =	stream.indirect.gather [hbm4b:s4+s17], $0x80, s30, s17, $0xb8;
	[tilespmem:$0x1FEA0] =	vst v63  }
0x39: {  	_ =	swait.ge [sflag:s26], $0x2800  }
0x3a: {  	[sflag:s26] =	ssyncset.done $0x0  }
0x3b: {  	s30 =	simm.s32 $0x140;
	[sflag:s26] =	ssyncadd.s32 $0xFFFFD800  }
0x3c: {  	[tilespmem:s19], [sflag:$0x2] =	stream.indirect.gather [hbm4b:s4+s17], $0x80, s30, s17, $0xb8;
	[tilespmem:$0x1FEA0] =	vst v63  }
0x3d: {  	_ =	swait.ge [sflag:s28], $0x2800  }
0x3e: {  	[sflag:s28] =	ssyncset.done $0x0  }
0x3f: {  	s31 =	simm.s32 $0x190;
	s30 =	simm.s32 $0x3C0;
	[sflag:s28] =	ssyncadd.s32 $0xFFFFD800  }
.LBB2_2:
0x40: {  	[tilespmem:s21], [sflag:$0x3] =	stream.indirect.gather [hbm4b:s4+s17], $0x80, s31, s17, $0xb8;
	[tilespmem:$0x1FEA0] =	vst v63  }
0x41: {  	s31 =	smov.u32 s30  }
0x42: {  	p1 =	sne.s32 s30, $0x9240;
	s30 =	sadd.s32 $0x3C0, s30;
	_ =	swait.ge [sflag:s22], $0x2800  }
0x43: {  	s31 =	sshra.s32 s31, $0x2;
	[sflag:s22] =	ssyncset.done $0x0  }
0x44: {  	s0 =	sadd.s32 $0x2710, s31;
	[sflag:s22] =	ssyncadd.s32 $0xFFFFD800  }
0x45: {  	[spmem:s2] =	stream.indirect.scatter.add.f32 [tilespmem:s18], [sflag:$0x4], $0x80, s0, s17, $0xb8;
	[tilespmem:$0x1FEA0] =	vst v63  }
0x46: {  	_ =	swait.ge [sflag:s23], $0x2800  }
0x47: {  	[sflag:s23] =	ssyncset.done $0x0  }
0x48: {  	s0 =	sadd.s32 $0x2760, s31;
	[sflag:s23] =	ssyncadd.s32 $0xFFFFD800  }
0x49: {  	[spmem:s2] =	stream.indirect.scatter.add.f32 [tilespmem:s19], [sflag:$0x5], $0x80, s0, s17, $0xb8;
	[tilespmem:$0x1FEA0] =	vst v63  }
0x4a: {  	_ =	swait.ge [sflag:s24], $0x2800  }
0x4b: {  	[sflag:s24] =	ssyncset.done $0x0  }
0x4c: {  	s0 =	sadd.s32 $0x27B0, s31;
	[sflag:s24] =	ssyncadd.s32 $0xFFFFD800  }
0x4d: {  	[spmem:s2] =	stream.indirect.scatter.add.f32 [tilespmem:s21], [sflag:$0x6], $0x80, s0, s17, $0xb8;
	[tilespmem:$0x1FEA0] =	vst v63  }
0x4e: {  	_ =	swait.ge [sflag:s25], $0x2800  }
0x4f: {  	[sflag:s25] =	ssyncset.done $0x0  }
0x50: {  	s0 =	sadd.s32 $0xF0, s31;
	[sflag:s25] =	ssyncadd.s32 $0xFFFFD800  }
0x51: {  	[tilespmem:s18], [sflag:$0x1] =	stream.indirect.gather [hbm4b:s4+s17], $0x80, s0, s17, $0xb8;
	[tilespmem:$0x1FEA0] =	vst v63  }
0x52: {  	_ =	swait.ge [sflag:s26], $0x2800  }
0x53: {  	[sflag:s26] =	ssyncset.done $0x0  }
.Ltmp0:
0x54: {  	s0 =	sadd.s32 $0x140, s31;
	[sflag:s26] =	ssyncadd.s32 $0xFFFFD800;
	(pc) =	sbr.rel @p1 .LBB2_2-.Ltmp0, $4  }
0x55: {  	[tilespmem:s19], [sflag:$0x2] =	stream.indirect.gather [hbm4b:s4+s17], $0x80, s0, s17, $0xb8;
	[tilespmem:$0x1FEA0] =	vst v63  }
0x56: {  	_ =	swait.ge [sflag:s28], $0x2800  }
0x57: {  	[sflag:s28] =	ssyncset.done $0x0  }
0x58: {  	s31 =	sadd.s32 $0x190, s31;
	[sflag:s28] =	ssyncadd.s32 $0xFFFFD800  }
0x59: {  	[tilespmem:s21], [sflag:$0x3] =	stream.indirect.gather [hbm4b:s4+s17], $0x80, s31, s17, $0xb8;
	[tilespmem:$0x1FEA0] =	vst v63  }
0x5a: {  	_ =	swait.ge [sflag:s22], $0x2800  }
0x5b: {  	[sflag:s22] =	ssyncset.done $0x0  }
0x5c: {  	s0 =	simm.s32 $0x4C90;
	[sflag:s22] =	ssyncadd.s32 $0xFFFFD800  }
0x5d: {  	[spmem:s2] =	stream.indirect.scatter.add.f32 [tilespmem:s18], [sflag:$0x4], $0x80, s0, s17, $0xb8;
	[tilespmem:$0x1FEA0] =	vst v63  }
0x5e: {  	_ =	swait.ge [sflag:s23], $0x2800  }
0x5f: {  	[sflag:s23] =	ssyncset.done $0x0  }
0x60: {  	s31 =	simm.s32 $0x4CE0;
	[sflag:s23] =	ssyncadd.s32 $0xFFFFD800  }
0x61: {  	[spmem:s2] =	stream.indirect.scatter.add.f32 [tilespmem:s19], [sflag:$0x5], $0x80, s31, s17, $0xb8;
	[tilespmem:$0x1FEA0] =	vst v63  }
0x62: {  	_ =	swait.ge [sflag:s24], $0x2800  }
0x63: {  	[sflag:s24] =	ssyncset.done $0x0  }
0x64: {  	s30 =	simm.s32 $0x4D30;
	[sflag:s24] =	ssyncadd.s32 $0xFFFFD800  }
0x65: {  	[spmem:s2] =	stream.indirect.scatter.add.f32 [tilespmem:s21], [sflag:$0x6], $0x80, s30, s17, $0xb8;
	[tilespmem:$0x1FEA0] =	vst v63  }
0x66: {  	_ =	swait.ge [sflag:s25], $0x2800  }
0x67: {  	[sflag:s25] =	ssyncset.done $0x0  }
0x68: {  	s31 =	simm.s32 $0x2670;
	[sflag:s25] =	ssyncadd.s32 $0xFFFFD800  }
0x69: {  	[tilespmem:s18], [sflag:$0x1] =	stream.indirect.gather [hbm4b:s4+s17], $0x80, s31, s17, $0xb8;
	[tilespmem:$0x1FEA0] =	vst v63  }
0x6a: {  	_ =	swait.ge [sflag:s26], $0x2800  }
0x6b: {  	[sflag:s26] =	ssyncset.done $0x0  }
0x6c: {  	[sflag:s26] =	ssyncadd.s32 $0xFFFFD800  }
0x6d: {  	[tilespmem:s19], [sflag:$0x2] =	stream.indirect.gather [hbm4b:s4+s17], $0x80, s1, s17, $0xb8;
	[tilespmem:$0x1FEA0] =	vst v63  }
0x6e: {  	_ =	swait.ge [sflag:s22], $0x2800  }
0x6f: {  	[sflag:s22] =	ssyncset.done $0x0  }
0x70: {  	[sflag:s22] =	ssyncadd.s32 $0xFFFFD800  }
0x71: {  	[spmem:s2] =	stream.indirect.scatter.add.f32 [tilespmem:s18], [sflag:$0x4], $0x80, s13, s17, $0xb8;
	[tilespmem:$0x1FEA0] =	vst v63  }
0x72: {  	_ =	swait.ge [sflag:s25], $0x2800  }
0x73: {  	[sflag:s25] =	ssyncset.done $0x0  }
0x74: {  	[sflag:s25] =	ssyncadd.s32 $0xFFFFD800  }
0x75: {  	_ =	swait.ge [sflag:s23], $0x2800  }
0x76: {  	[sflag:s23] =	ssyncset.done $0x0  }
0x77: {  	[sflag:s23] =	ssyncadd.s32 $0xFFFFD800  }
0x78: {  	[spmem:s2] =	stream.indirect.scatter.add.f32 [tilespmem:s19], [sflag:$0x5], $0x80, s20, s17, $0xb8;
	[tilespmem:$0x1FEA0] =	vst v63  }
0x79: {  	_ =	swait.ge [sflag:s26], $0x2800  }
0x7a: {  	[sflag:s26] =	ssyncset.done $0x0  }
0x7b: {  	[sflag:s26] =	ssyncadd.s32 $0xFFFFD800  }
0x7c: {  	_ =	swait.ge [sflag:s28], $0x2800  }
0x7d: {  	[sflag:s28] =	ssyncset.done $0x0  }
0x7e: {  	[sflag:s28] =	ssyncadd.s32 $0xFFFFD800  }
0x7f: {  	s0 =	sadd.s32 @p0 $0x24900, s10;
	s30 =	simm.s32 @p0 $0x1FC7;
	[bflag:$0x0] =	sbarrier.arrive $0xFFFF  }
0x80: {  	[hbm:s0], [sflag:s30] =	dma.local @p0 [spmem:s14], $0x2800  }
0x81: {  	s0 =	simm.s32 @p0 $0x7  }
0x82: {  	_ =	swait.ge @p0 [sflag:s0], $0x2800  }
0x83: {  	s29 =	sadd.s32 $0x1, s29;
	[sflag:s0] =	ssyncset.done @p0 $0x0  }
0x84: {  	p1 =	sne.s32 s29, s11;
	[sflag:s0] =	ssyncadd.s32 @p0 $0xFFFFD800;
	s0 =	sadd.s32 @!p0 s5, s10  }
0x85: {  	[hbm:s0], [sflag:s15] =	dma.local @!p0 [spmem:s16], $0x2700  }
.Ltmp1:
0x86: {  	_ = 	snop;
	(pc) =	sbr.rel @p1 .LBB2_1-.Ltmp1, $4  }
0x87: {  	s0 =	simm.s32 @!p0 $0x7  }
0x88: {  	_ =	swait.ge @!p0 [sflag:s0], $0x2700  }
0x89: {  	[sflag:s0] =	ssyncset.done @!p0 $0x0  }
0x8a: {  	[sflag:s0] =	ssyncadd.s32 @!p0 $0xFFFFD900  }
0x8b: {  	_ =	sfence.sel $0x180000  }
0x8c: {  	[bflag:$0x0] =	sbarrier.arrive $0xFFFF  }
0x8d: {  	_ =	strace $0x9000004A  }
0x8e: {  	s0 =	stileid.u32;
	[bflag:$0x2] =	sbarrier.arrive $0xFFFF  }
0x8f: {  	p0 =	sne.s32 s0, $0x0;
	s0 =	rddreg [dreg:$0x2]  }
0x90: {  	s0 =	sadd.s32 @!p0 $0x100000, s0  }
0x91: {  	[sflag:s0] =	ssyncadd.tile.s32 @!p0 $0x1;
	_ =	shalt  }
.Lfunc_end2:
_tile_overlayer_lowered:
.L_overlay_start_2:
0x92: {  	(tag) =	ssettag $0x2  }
0x93: {  	s0 =	rddreg [dreg:$0x0];
	s2 =	stileid.u32  }
0x94: {  	s1 =	rddreg [dreg:$0x1];
	p0 =	sne.s32 s2, $0x0  }
0x95: {  	s3 =	rddreg [dreg:$0x2];
	[bflag:$0x3] =	sbarrier.arrive $0xFFFF;
	s2 =	simm.s32 @!p0 $0x1C07  }
0x96: {  	[timem:s3], [sflag:s2] =	dma.local @!p0 [hbm:s0], s1  }
0x97: {  	s0 =	simm.s32 @!p0 $0x7  }
0x98: {  	_ =	swait.ge @!p0 [sflag:s0], s1  }
0x99: {  	s1 =	ssub.s32 @!p0 $0x0, s1;
	[sflag:s0] =	ssyncset.done @!p0 $0x0  }
0x9a: {  	[sflag:s0] =	ssyncadd.s32 @!p0 s1  }
0x9b: {  	[bflag:$0x3] =	sbarrier.arrive $0xFFFF  }
0x9c: {  	_ =	shalt  }

// kernel: kernel.17.cloned.1.call-start
scs
__scs_entry_jumppad:
0x0: {  	(pc) =	sbr.rel $0x88, $3  }
0x1: {  	(tag) =	ssettag $0x0;
	lr =	simm.s32 $0x1  }
0x2: {  	[smem:$0x3F92] =	sst lr;
	_ =	strace $0xD0000000  }
0x3: {  	_ = 	snop  }
0x4: {  	_ = 	snop  }
0x5: {  	_ = 	snop  }
0x6: {  	_ = 	snop  }
0x7: {  	_ = 	snop  }
__scs_overlays_trampoline_lowered:
0x8: {  	[smem:$0x3FA1] =	sst s0  }
0x9: {  	[smem:$0x3FA2] =	sst s1  }
0xa: {  	[smem:$0x3FA3] =	sst s2  }
0xb: {  	[smem:$0x3FA4] =	sst s3  }
0xc: {  	[smem:$0x3FA5] =	sst s4  }
0xd: {  	[smem:$0x3FA6] =	sst s5  }
0xe: {  	[smem:$0x3FA7] =	sst s6  }
0xf: {  	[smem:$0x3FA8] =	sst s7  }
0x10: {  	[smem:$0x3FA9] =	sst s8  }
0x11: {  	[smem:$0x3FAA] =	sst s9;
	s0 =	simm.s32 @!p0 $0x0  }
0x12: {  	s1 =	sld [smem:$0x3F90];
	s0 =	simm.s32 @p0 $0x1  }
0x13: {  	[smem:$0x3FAB] =	sst s0;
	s0 =	simm.s32 @!p1 $0x0  }
0x14: {  	s2 =	sld [smem:$0x3F8F];
	s0 =	simm.s32 @p1 $0x1  }
0x15: {  	[smem:$0x3FAC] =	sst s0;
	s0 =	simm.s32 @!p2 $0x0  }
0x16: {  	s3 =	sld [smem:$0x3FDB];
	s0 =	simm.s32 @p2 $0x1  }
0x17: {  	s4 =	simm.s32 $0x1BF5;
	[smem:$0x3FAE] =	sst s0  }
0x18: {  	s0 =	sld [smem:$0x3F91];
	_ =	swait.ge [sflag:s4], $0x0  }
0x19: {  	s7 =	sld [smem:$0x3F92]  }
0x1a: {  	s8 =	sadd.s32 $0xFFFFE003, lr  }
0x1b: {  	s9 =	sadd.s32 $0xFFFFFEF7, lr;
	s5 =	simm.s32 $0xFFFFFFFF;
	p2 =	slt.u32 s8, $0xFFFFF086  }
0x1c: {  	p1 =	slt.u32 s9, $0xF7A;
	s5 =	simm.s32 @!p2 $0x0  }
0x1d: {  	s5 =	simm.s32 @p1 $0x1;
	p0 =	seq.s32 s7, s2  }
0x1e: {  	s7 =	smul.u32 @!p0 $0xF7A, s2;
	p2 =	seq.s32 @!p0 s5, $0x0  }
0x1f: {  	s9 =	smul.u32 $0xF7A, s1;
	s8 =	simm.s32 @!p0 $0x1BF5;
	p2 =	por !p2, p0  }
0x20: {  	[sflag:s8] =	ssyncset.s32 @!p0 $0xFFFFF086;
	s6 =	sadd.s32 @!p0 s3, s7;
	s7 =	simm.s32 @!p0 $0x108  }
0x21: {  	s3 =	sadd.s32 s3, s9;
	s6 =	sadd.s32 @!p0 $0x88, s6;
	s7 =	simm.s32 @p2 $0x1082  }
0x22: {  	[simem:s7], [sflag:s8] =	dma.local @!p0 [hbm:s6], $0xF7A  }
0x23: {  	s9 =	sor.u32 $0xD0000000, s2;
	s6 =	simm.s32 $0x108;
	_ =	swait.ge @!p0 [sflag:s8], $0x0  }
0x24: {  	s3 =	sadd.s32 $0x88, s3;
	s6 =	simm.s32 @!p1 $0x1082;
	[sflag:s4] =	ssyncset.s32 $0xFFFFF086  }
0x25: {  	[simem:s6], [sflag:s4] =	dma.local [hbm:s3], $0xF7A  }
0x26: {  	[smem:$0x3F92] =	sst s1;
	(tag) =	ssettag s2;
	_ =	strace s9  }
0x27: {  	s1 =	sld [smem:$0x3FA2]  }
0x28: {  	s2 =	sld [smem:$0x3FA3]  }
0x29: {  	s4 =	sld [smem:$0x3FA5]  }
0x2a: {  	p0 =	seq.s32 s5, $0x0;
	s5 =	sld [smem:$0x3FA6]  }
0x2b: {  	s6 =	sld [smem:$0x3FA7]  }
0x2c: {  	s7 =	sld [smem:$0x3FA8]  }
0x2d: {  	s3 =	simm.s32 $0x108;
	s8 =	sld [smem:$0x3FA9]  }
0x2e: {  	s3 =	simm.s32 @!p0 $0x1082;
	s9 =	sld [smem:$0x3FAA]  }
0x2f: {  	lr =	sadd.s32 s0, s3;
	s0 =	sld [smem:$0x3FA1]  }
0x30: {  	s3 =	sld [smem:$0x3FA4]  }
0x31: {  	[smem:$0x3FAD] =	sst s10  }
0x32: {  	s10 =	sld [smem:$0x3FAB];
	_ =	sdelay $0x3  }
0x33: {  	p0 =	seq.s32 s10, $0x1;
	s10 =	sld [smem:$0x3FAD];
	_ =	sdelay $0x3  }
0x34: {  	[smem:$0x3FAD] =	sst s10  }
0x35: {  	s10 =	sld [smem:$0x3FAC];
	_ =	sdelay $0x3  }
0x36: {  	p1 =	seq.s32 s10, $0x1;
	s10 =	sld [smem:$0x3FAD];
	_ =	sdelay $0x3  }
0x37: {  	[smem:$0x3FAD] =	sst s10  }
0x38: {  	s10 =	sld [smem:$0x3FAE]  }
0x39: {  	_ = 	snop;
	(pc) =	sbr.ind lr, $3  }
0x3a: {  	_ = 	snop  }
0x3b: {  	_ = 	snop  }
0x3c: {  	p2 =	seq.s32 s10, $0x1;
	s10 =	sld [smem:$0x3FAD]  }
0x3d: {  	_ =	shalt  }
0x3e: {  	_ =	shalt  }
0x3f: {  	_ =	shalt  }
0x40: {  	_ =	shalt  }
0x41: {  	_ =	shalt  }
0x42: {  	_ =	shalt  }
0x43: {  	_ =	shalt  }
0x44: {  	_ =	shalt  }
0x45: {  	_ =	shalt  }
0x46: {  	_ =	shalt  }
0x47: {  	_ =	shalt  }
0x48: {  	_ =	shalt  }
0x49: {  	_ =	shalt  }
0x4a: {  	_ =	shalt  }
0x4b: {  	_ =	shalt  }
0x4c: {  	_ =	shalt  }
0x4d: {  	_ =	shalt  }
0x4e: {  	_ =	shalt  }
0x4f: {  	_ =	shalt  }
0x50: {  	_ =	shalt  }
0x51: {  	_ =	shalt  }
0x52: {  	_ =	shalt  }
0x53: {  	_ =	shalt  }
0x54: {  	_ =	shalt  }
0x55: {  	_ =	shalt  }
0x56: {  	_ =	shalt  }
0x57: {  	_ =	shalt  }
0x58: {  	_ =	shalt  }
0x59: {  	_ =	shalt  }
0x5a: {  	_ =	shalt  }
0x5b: {  	_ =	shalt  }
0x5c: {  	_ =	shalt  }
0x5d: {  	_ =	shalt  }
0x5e: {  	_ =	shalt  }
0x5f: {  	_ =	shalt  }
0x60: {  	_ =	shalt  }
0x61: {  	_ =	shalt  }
0x62: {  	_ =	shalt  }
0x63: {  	_ =	shalt  }
0x64: {  	_ =	shalt  }
0x65: {  	_ =	shalt  }
0x66: {  	_ =	shalt  }
0x67: {  	_ =	shalt  }
0x68: {  	_ =	shalt  }
0x69: {  	_ =	shalt  }
0x6a: {  	_ =	shalt  }
0x6b: {  	_ =	shalt  }
0x6c: {  	_ =	shalt  }
0x6d: {  	_ =	shalt  }
0x6e: {  	_ =	shalt  }
0x6f: {  	_ =	shalt  }
0x70: {  	_ =	shalt  }
0x71: {  	_ =	shalt  }
0x72: {  	_ =	shalt  }
0x73: {  	_ =	shalt  }
0x74: {  	_ =	shalt  }
0x75: {  	_ =	shalt  }
0x76: {  	_ =	shalt  }
0x77: {  	_ =	shalt  }
0x78: {  	_ =	shalt  }
0x79: {  	_ =	shalt  }
0x7a: {  	_ =	shalt  }
0x7b: {  	_ =	shalt  }
0x7c: {  	_ =	shalt  }
0x7d: {  	_ =	shalt  }
0x7e: {  	_ =	shalt  }
0x7f: {  	_ =	shalt  }
0x80: {  	_ =	shalt  }
0x81: {  	_ =	shalt  }
0x82: {  	_ =	shalt  }
0x83: {  	_ =	shalt  }
0x84: {  	_ =	shalt  }
0x85: {  	_ =	shalt  }
0x86: {  	_ =	shalt  }
0x87: {  	_ =	shalt  }
.Lfunc_end0:
.L_simem_size_0:
called_computation.2_lowered:
.L_overlay_start_0:
0x88: {  	s2 =	sld [smem:$0x3FD9]  }
0x89: {  	s3 =	sld [smem:$0x3FFE];
	_ =	sdelay $0x1  }
0x8a: {  	s1 =	srdreg.scid  }
0x8b: {  	s0 =	sand.u32 $0x1, s1  }
0x8c: {  	s16 =	sshll.u32 s0, $0xA;
	s2 =	sadd.s32 s3, s2  }
0x8d: {  	s2 =	sadd.s32 s2, s16  }
0x8e: {  	[smem:$0x3FB9] =	sst s2  }
0x8f: {  	_ = 	snop  }
0x90: {  	(tm) =	ssettm $0x1  }
0x91: {  	s17 =	sld [smem:$0x3FFB];
	_ =	sdelay $0x3  }
0x92: {  	_ =	strace s17  }
0x93: {  	s2 =	sld [smem:$0x3FFC];
	_ =	sdelay $0x3  }
0x94: {  	_ =	strace s2  }
0x95: {  	s2 =	sld [smem:$0x3FFD];
	_ =	sdelay $0x3  }
0x96: {  	_ =	strace s2  }
0x97: {  	_ =	strace $0x8FFFFFFF  }
0x98: {  	s18 =	sld [smem:$0x3FDB];
	_ =	sdelay $0x1  }
0x99: {  	s19 =	simm.s32 $_scs_section_size  }
0x9a: {  	s4 =	simm.s32 $_size__tile_overlayer_lowered;
	s5 =	simm.s32 $_tile_overlayer_lowered  }
0x9b: {  	s22 =	simm.s32 $0x1BFF;
	s21 =	sshll.u32 s5, $0x1;
	s2 =	sadd.s32 s19, s18  }
0x9c: {  	s6 =	simm.s32 $0x0;
	s20 =	sshll.u32 s4, $0x1;
	s4 =	sadd.s32 s21, s2  }
0x9d: {  	[timem:s6], [sflag:s22] =	dma.local [hbm:s4], s20  }
0x9e: {  	_ =	swait.ge [sflag:s22], s20  }
0x9f: {  	s3 =	ssub.s32 $0x0, s20;
	[sflag:s22] =	ssyncset.done $0x0  }
0xa0: {  	[sflag:s22] =	ssyncadd.s32 s3;
	_ =	sdelay $0x1  }
0xa1: {  	s23 =	simm.s32 $0x1B8B  }
0xa2: {  	_ =	swait.ge [sflag:s23], $0x1  }
0xa3: {  	[sflag:s23] =	ssyncset.done $0x0  }
0xa4: {  	s25 =	simm.s32 $0x1B8E;
	s24 =	sld [smem:$0x3FFE];
	[sflag:s23] =	ssyncadd.s32 $0xFFFFFFFF  }
0xa5: {  	s26 =	simm.s32 $execute0_lowered;
	[smem:$0x3FD2] =	sst s25  }
0xa6: {  	s4 =	sshll.u32 s26, $0x1;
	_ =	strace $0x8000004C;
	[dreg:$0x1] =	wrdreg $0xFFFFFFFF  }
0xa7: {  	s28 =	simm.s32 $_size_execute0_lowered;
	s2 =	sadd.s32 s2, s4;
	[dreg:$0x0] =	wrdreg $0x0  }
0xa8: {  	s4 =	sshll.u32 s28, $0x1;
	[dreg:$0x2] =	wrdreg s2  }
0xa9: {  	[dreg:$0x3] =	wrdreg s4  }
0xaa: {  	[dreg:$0x4] =	wrdreg $0xC0  }
0xab: {  	_ =	task [dreg:s6], $0x5FFFF  }
0xac: {  	[dreg:$0x1] =	wrdreg $0xFFFFFFFF  }
0xad: {  	[dreg:$0x0] =	wrdreg $0x60  }
0xae: {  	[dreg:$0x2] =	wrdreg s24  }
0xaf: {  	[dreg:$0x3] =	wrdreg $0xC6200  }
0xb0: {  	[dreg:$0x4] =	wrdreg $0x9  }
0xb1: {  	_ =	task.clear_ibuf [dreg:s6], $0x5FFFF;
	_ =	strace $0x9000004C  }
0xb2: {  	s29 =	simm.s32 $0x9;
	_ =	strace $0x8000004E  }
0xb3: {  	_ =	swait.ge [sflag:s29], $0x1  }
0xb4: {  	[sflag:s29] =	ssyncadd.s32 $0xFFFFFFFF  }
0xb5: {  	_ =	strace $0x9000004E  }
0xb6: {  	_ =	sfence  }
0xb7: {  	s30 =	sld [smem:$0x0];
	_ =	sdelay $0x2  }
0xb8: {  	s31 =	sshll.u32 s1, $0xD;
	s1 =	sshrl.u32 s1, $0x2  }
0xb9: {  	s3 =	sand.u32 $0x4000, s31;
	s1 =	sadd.s32 s1, s30  }
0xba: {  	s0 =	sor.u32 s3, s0;
	s1 =	sshll.u32 s1, $0x11  }
0xbb: {  	s0 =	sor.u32 s1, s0  }
0xbc: {  	s0 =	sadd.s32 $0x8F2B, s0  }
0xbd: {  	[sflag:s0] =	ssyncadd.remote.s32 $0x1  }
0xbe: {  	_ =	sfence.sel $0xFFFF  }
0xbf: {  	[dreg:$0x0] =	wrdreg $0xFFFFFFFF;
	(pc) =	sbr.abs _section_cstart, $3  }
0xc0: {  	[dreg:$0x1] =	wrdreg $0xFFFFFFFF  }
0xc1: {  	_ =	task.clear_ibuf [dreg:s6], $0x2FFFF;
	_ =	strace $0x9FFFFFFF  }
0xc2: {  	(tm) =	ssettm $0x7FFFFFFF  }
0xc3: {  	_ =	shalt  }
tec
execute0_lowered:
.L_overlay_start_1:
0x0: {  	(tag) =	ssettag $0x1  }
0x1: {  	s0 =	rddreg [dreg:$0x0];
	s1 =	srdreg.scid  }
0x2: {  	s2 =	rddreg [dreg:$0x1];
	s15 =	stileid.u32  }
0x3: {  	s3 =	simm.s32 $0x0;
	s12 =	simm.s32 $0x7;
	s17 =	simm.s32 $0x50  }
0x4: {  	s18 =	simm.s32 $0x4E20;
	s19 =	simm.s32 $0x7620;
	s21 =	simm.s32 $0x9E20  }
0x5: {  	s22 =	simm.s32 $0x1;
	s23 =	simm.s32 $0x2;
	s24 =	simm.s32 $0x3  }
0x6: {  	s25 =	simm.s32 $0x4;
	s26 =	simm.s32 $0x5;
	s28 =	simm.s32 $0x6  }
0x7: {  	s20 =	simm.s32 $0x4DD0;
	s29 =	simm.s32 $0x0;
	s6 =	smul.u32 $0x4E2, s15  }
0x8: {  	s1 =	sand.u32 $0x1, s1;
	[smem:$0x7FF] =	sst s3;
	s8 =	smul.u32 $0x13800, s15  }
0x9: {  	s4 =	sadd.s32 $0x17000, s0;
	s14 =	sadd.s32 $0x124800, s2;
	s5 =	smul.u32 $0x4E20, s1  }
0xa: {  	p0 =	seq.s32 s15, $0xF;
	s7 =	smul.u32 $0x27100, s1;
	s1 =	ssub.s32 $0x2, s1  }
0xb: {  	_ =	strace $0x8000004D;
	s14 =	sshrl.u32 @p0 s14, $0x3;
	s31 =	sshrl.u32 s1, $0x1  }
0xc: {  	s13 =	sadd.s32 s8, s2;
	s6 =	sadd.s32 s6, s5;
	s5 =	sshrl.u32 s8, $0x3  }
0xd: {  	s11 =	sadd.s32 s7, s0;
	s1 =	ssub.s32 s1, s31;
	s16 =	sshrl.u32 @!p0 s13, $0x3  }
0xe: {  	s13 =	simm.s32 $0x4D80;
	s9 =	sadd.s32 s6, s0;
	s10 =	sadd.s32 s5, s0  }
0xf: {  	s6 =	sadd.s32 $0x3400, s9;
	s7 =	sadd.s32 $0xD200, s9;
	s8 =	sadd.s32 $0x3E200, s10  }
0x10: {  	s9 =	sadd.s32 $0x62B00, s0;
	s10 =	sadd.s32 $0x65400, s11;
	s0 =	sshll.u32 @!p0 s15, $0x6  }
0x11: {  	s11 =	smax.u32 s1, $0x1;
	s1 =	simm.s32 $0x26C0;
	s15 =	sor.u32 @!p0 $0x1C07, s0  }
.LBB2_1:
0x12: {  	[tilespmem:s3], [sflag:$0x7] =	stream.linear.gather [hbm4b:s6+s3], $0x2710, $0x38;
	[tilespmem:$0x1FEA0] =	vst v63  }
0x13: {  	_ =	swait.ge [sflag:s12], $0x2710  }
0x14: {  	[sflag:s12] =	ssyncset.done $0x0  }
0x15: {  	s0 =	simm.s32 $0x2710;
	[sflag:s12] =	ssyncadd.s32 $0xFFFFD8F0  }
0x16: {  	[tilespmem:s0], [sflag:$0x7] =	stream.linear.gather [hbm4b:s7+s3], $0x2710, $0x38;
	[tilespmem:$0x1FEA0] =	vst v63  }
0x17: {  	_ =	swait.ge [sflag:s12], $0x2710  }
0x18: {  	[sflag:s12] =	ssyncset.done $0x0  }
0x19: {  	s30 =	simm.s32 @p0 $0x1FC7;
	[sflag:s12] =	ssyncadd.s32 $0xFFFFD8F0  }
0x1a: {  	[spmem:s14], [sflag:s30] =	dma.local @p0 [hbm:s9], $0x2800  }
0x1b: {  	s30 =	simm.s32 @p0 $0x7  }
0x1c: {  	_ =	swait.ge @p0 [sflag:s30], $0x2800  }
0x1d: {  	[sflag:s30] =	ssyncset.done @p0 $0x0  }
0x1e: {  	[sflag:s30] =	ssyncadd.s32 @p0 $0xFFFFD800;
	s30 =	simm.s32 @!p0 $0x7  }
0x1f: {  	[spmem:s16], [sflag:s15] =	dma.local @!p0 [hbm:s8], $0x2700  }
0x20: {  	_ =	swait.ge @!p0 [sflag:s30], $0x2700  }
0x21: {  	[sflag:s30] =	ssyncset.done @!p0 $0x0  }
0x22: {  	[sflag:s30] =	ssyncadd.s32 @!p0 $0xFFFFD900  }
0x23: {  	[bflag:$0x0] =	sbarrier.arrive $0xFFFF  }
0x24: {  	[tilespmem:s18], [sflag:$0x1] =	stream.indirect.gather [hbm4b:s4+s17], $0x80, s3, s17, $0xb8;
	[tilespmem:$0x1FEA0] =	vst v63  }
0x25: {  	_ = 	snop  }
0x26: {  	[tilespmem:s19], [sflag:$0x2] =	stream.indirect.gather [hbm4b:s4+s17], $0x80, s17, s17, $0xb8;
	[tilespmem:$0x1FEA0] =	vst v63  }
0x27: {  	s0 =	simm.s32 $0xA0  }
0x28: {  	[tilespmem:s21], [sflag:$0x3] =	stream.indirect.gather [hbm4b:s4+s17], $0x80, s0, s17, $0xb8;
	[tilespmem:$0x1FEA0] =	vst v63  }
0x29: {  	_ =	swait.ge [sflag:s22], $0x2800  }
0x2a: {  	[sflag:s22] =	ssyncset.done $0x0  }
0x2b: {  	s30 =	simm.s32 $0x2710;
	[sflag:s22] =	ssyncadd.s32 $0xFFFFD800  }
0x2c: {  	[spmem:s2] =	stream.indirect.scatter.add.f32 [tilespmem:s18], [sflag:$0x4], $0x80, s30, s17, $0xb8;
	[tilespmem:$0x1FEA0] =	vst v63  }
0x2d: {  	_ =	swait.ge [sflag:s23], $0x2800  }
0x2e: {  	[sflag:s23] =	ssyncset.done $0x0  }
0x2f: {  	s30 =	simm.s32 $0x2760;
	[sflag:s23] =	ssyncadd.s32 $0xFFFFD800  }
0x30: {  	[spmem:s2] =	stream.indirect.scatter.add.f32 [tilespmem:s19], [sflag:$0x5], $0x80, s30, s17, $0xb8;
	[tilespmem:$0x1FEA0] =	vst v63  }
0x31: {  	_ =	swait.ge [sflag:s24], $0x2800  }
0x32: {  	[sflag:s24] =	ssyncset.done $0x0  }
0x33: {  	s30 =	simm.s32 $0x27B0;
	[sflag:s24] =	ssyncadd.s32 $0xFFFFD800  }
0x34: {  	[spmem:s2] =	stream.indirect.scatter.add.f32 [tilespmem:s21], [sflag:$0x6], $0x80, s30, s17, $0xb8;
	[tilespmem:$0x1FEA0] =	vst v63  }
0x35: {  	_ =	swait.ge [sflag:s25], $0x2800  }
0x36: {  	[sflag:s25] =	ssyncset.done $0x0  }
0x37: {  	s30 =	simm.s32 $0xF0;
	[sflag:s25] =	ssyncadd.s32 $0xFFFFD800  }
0x38: {  	[tilespmem:s18], [sflag:$0x1] =	stream.indirect.gather [hbm4b:s4+s17], $0x80, s30, s17, $0xb8;
	[tilespmem:$0x1FEA0] =	vst v63  }
0x39: {  	_ =	swait.ge [sflag:s26], $0x2800  }
0x3a: {  	[sflag:s26] =	ssyncset.done $0x0  }
0x3b: {  	s30 =	simm.s32 $0x140;
	[sflag:s26] =	ssyncadd.s32 $0xFFFFD800  }
0x3c: {  	[tilespmem:s19], [sflag:$0x2] =	stream.indirect.gather [hbm4b:s4+s17], $0x80, s30, s17, $0xb8;
	[tilespmem:$0x1FEA0] =	vst v63  }
0x3d: {  	_ =	swait.ge [sflag:s28], $0x2800  }
0x3e: {  	[sflag:s28] =	ssyncset.done $0x0  }
0x3f: {  	s31 =	simm.s32 $0x190;
	s30 =	simm.s32 $0x3C0;
	[sflag:s28] =	ssyncadd.s32 $0xFFFFD800  }
.LBB2_2:
0x40: {  	[tilespmem:s21], [sflag:$0x3] =	stream.indirect.gather [hbm4b:s4+s17], $0x80, s31, s17, $0xb8;
	[tilespmem:$0x1FEA0] =	vst v63  }
0x41: {  	s31 =	smov.u32 s30  }
0x42: {  	p1 =	sne.s32 s30, $0x9240;
	s30 =	sadd.s32 $0x3C0, s30;
	_ =	swait.ge [sflag:s22], $0x2800  }
0x43: {  	s31 =	sshra.s32 s31, $0x2;
	[sflag:s22] =	ssyncset.done $0x0  }
0x44: {  	s0 =	sadd.s32 $0x2710, s31;
	[sflag:s22] =	ssyncadd.s32 $0xFFFFD800  }
0x45: {  	[spmem:s2] =	stream.indirect.scatter.add.f32 [tilespmem:s18], [sflag:$0x4], $0x80, s0, s17, $0xb8;
	[tilespmem:$0x1FEA0] =	vst v63  }
0x46: {  	_ =	swait.ge [sflag:s23], $0x2800  }
0x47: {  	[sflag:s23] =	ssyncset.done $0x0  }
0x48: {  	s0 =	sadd.s32 $0x2760, s31;
	[sflag:s23] =	ssyncadd.s32 $0xFFFFD800  }
0x49: {  	[spmem:s2] =	stream.indirect.scatter.add.f32 [tilespmem:s19], [sflag:$0x5], $0x80, s0, s17, $0xb8;
	[tilespmem:$0x1FEA0] =	vst v63  }
0x4a: {  	_ =	swait.ge [sflag:s24], $0x2800  }
0x4b: {  	[sflag:s24] =	ssyncset.done $0x0  }
0x4c: {  	s0 =	sadd.s32 $0x27B0, s31;
	[sflag:s24] =	ssyncadd.s32 $0xFFFFD800  }
0x4d: {  	[spmem:s2] =	stream.indirect.scatter.add.f32 [tilespmem:s21], [sflag:$0x6], $0x80, s0, s17, $0xb8;
	[tilespmem:$0x1FEA0] =	vst v63  }
0x4e: {  	_ =	swait.ge [sflag:s25], $0x2800  }
0x4f: {  	[sflag:s25] =	ssyncset.done $0x0  }
0x50: {  	s0 =	sadd.s32 $0xF0, s31;
	[sflag:s25] =	ssyncadd.s32 $0xFFFFD800  }
0x51: {  	[tilespmem:s18], [sflag:$0x1] =	stream.indirect.gather [hbm4b:s4+s17], $0x80, s0, s17, $0xb8;
	[tilespmem:$0x1FEA0] =	vst v63  }
0x52: {  	_ =	swait.ge [sflag:s26], $0x2800  }
0x53: {  	[sflag:s26] =	ssyncset.done $0x0  }
.Ltmp0:
0x54: {  	s0 =	sadd.s32 $0x140, s31;
	[sflag:s26] =	ssyncadd.s32 $0xFFFFD800;
	(pc) =	sbr.rel @p1 .LBB2_2-.Ltmp0, $4  }
0x55: {  	[tilespmem:s19], [sflag:$0x2] =	stream.indirect.gather [hbm4b:s4+s17], $0x80, s0, s17, $0xb8;
	[tilespmem:$0x1FEA0] =	vst v63  }
0x56: {  	_ =	swait.ge [sflag:s28], $0x2800  }
0x57: {  	[sflag:s28] =	ssyncset.done $0x0  }
0x58: {  	s31 =	sadd.s32 $0x190, s31;
	[sflag:s28] =	ssyncadd.s32 $0xFFFFD800  }
0x59: {  	[tilespmem:s21], [sflag:$0x3] =	stream.indirect.gather [hbm4b:s4+s17], $0x80, s31, s17, $0xb8;
	[tilespmem:$0x1FEA0] =	vst v63  }
0x5a: {  	_ =	swait.ge [sflag:s22], $0x2800  }
0x5b: {  	[sflag:s22] =	ssyncset.done $0x0  }
0x5c: {  	s0 =	simm.s32 $0x4C90;
	[sflag:s22] =	ssyncadd.s32 $0xFFFFD800  }
0x5d: {  	[spmem:s2] =	stream.indirect.scatter.add.f32 [tilespmem:s18], [sflag:$0x4], $0x80, s0, s17, $0xb8;
	[tilespmem:$0x1FEA0] =	vst v63  }
0x5e: {  	_ =	swait.ge [sflag:s23], $0x2800  }
0x5f: {  	[sflag:s23] =	ssyncset.done $0x0  }
0x60: {  	s31 =	simm.s32 $0x4CE0;
	[sflag:s23] =	ssyncadd.s32 $0xFFFFD800  }
0x61: {  	[spmem:s2] =	stream.indirect.scatter.add.f32 [tilespmem:s19], [sflag:$0x5], $0x80, s31, s17, $0xb8;
	[tilespmem:$0x1FEA0] =	vst v63  }
0x62: {  	_ =	swait.ge [sflag:s24], $0x2800  }
0x63: {  	[sflag:s24] =	ssyncset.done $0x0  }
0x64: {  	s30 =	simm.s32 $0x4D30;
	[sflag:s24] =	ssyncadd.s32 $0xFFFFD800  }
0x65: {  	[spmem:s2] =	stream.indirect.scatter.add.f32 [tilespmem:s21], [sflag:$0x6], $0x80, s30, s17, $0xb8;
	[tilespmem:$0x1FEA0] =	vst v63  }
0x66: {  	_ =	swait.ge [sflag:s25], $0x2800  }
0x67: {  	[sflag:s25] =	ssyncset.done $0x0  }
0x68: {  	s31 =	simm.s32 $0x2670;
	[sflag:s25] =	ssyncadd.s32 $0xFFFFD800  }
0x69: {  	[tilespmem:s18], [sflag:$0x1] =	stream.indirect.gather [hbm4b:s4+s17], $0x80, s31, s17, $0xb8;
	[tilespmem:$0x1FEA0] =	vst v63  }
0x6a: {  	_ =	swait.ge [sflag:s26], $0x2800  }
0x6b: {  	[sflag:s26] =	ssyncset.done $0x0  }
0x6c: {  	[sflag:s26] =	ssyncadd.s32 $0xFFFFD800  }
0x6d: {  	[tilespmem:s19], [sflag:$0x2] =	stream.indirect.gather [hbm4b:s4+s17], $0x80, s1, s17, $0xb8;
	[tilespmem:$0x1FEA0] =	vst v63  }
0x6e: {  	_ =	swait.ge [sflag:s22], $0x2800  }
0x6f: {  	[sflag:s22] =	ssyncset.done $0x0  }
0x70: {  	[sflag:s22] =	ssyncadd.s32 $0xFFFFD800  }
0x71: {  	[spmem:s2] =	stream.indirect.scatter.add.f32 [tilespmem:s18], [sflag:$0x4], $0x80, s13, s17, $0xb8;
	[tilespmem:$0x1FEA0] =	vst v63  }
0x72: {  	_ =	swait.ge [sflag:s25], $0x2800  }
0x73: {  	[sflag:s25] =	ssyncset.done $0x0  }
0x74: {  	[sflag:s25] =	ssyncadd.s32 $0xFFFFD800  }
0x75: {  	_ =	swait.ge [sflag:s23], $0x2800  }
0x76: {  	[sflag:s23] =	ssyncset.done $0x0  }
0x77: {  	[sflag:s23] =	ssyncadd.s32 $0xFFFFD800  }
0x78: {  	[spmem:s2] =	stream.indirect.scatter.add.f32 [tilespmem:s19], [sflag:$0x5], $0x80, s20, s17, $0xb8;
	[tilespmem:$0x1FEA0] =	vst v63  }
0x79: {  	_ =	swait.ge [sflag:s26], $0x2800  }
0x7a: {  	[sflag:s26] =	ssyncset.done $0x0  }
0x7b: {  	[sflag:s26] =	ssyncadd.s32 $0xFFFFD800  }
0x7c: {  	_ =	swait.ge [sflag:s28], $0x2800  }
0x7d: {  	[sflag:s28] =	ssyncset.done $0x0  }
0x7e: {  	[sflag:s28] =	ssyncadd.s32 $0xFFFFD800  }
0x7f: {  	s0 =	sadd.s32 @p0 $0x24900, s10;
	s30 =	simm.s32 @p0 $0x1FC7;
	[bflag:$0x0] =	sbarrier.arrive $0xFFFF  }
0x80: {  	[hbm:s0], [sflag:s30] =	dma.local @p0 [spmem:s14], $0x2800  }
0x81: {  	s0 =	simm.s32 @p0 $0x7  }
0x82: {  	_ =	swait.ge @p0 [sflag:s0], $0x2800  }
0x83: {  	s29 =	sadd.s32 $0x1, s29;
	[sflag:s0] =	ssyncset.done @p0 $0x0  }
0x84: {  	p1 =	sne.s32 s29, s11;
	[sflag:s0] =	ssyncadd.s32 @p0 $0xFFFFD800;
	s0 =	sadd.s32 @!p0 s5, s10  }
0x85: {  	[hbm:s0], [sflag:s15] =	dma.local @!p0 [spmem:s16], $0x2700  }
.Ltmp1:
0x86: {  	_ = 	snop;
	(pc) =	sbr.rel @p1 .LBB2_1-.Ltmp1, $4  }
0x87: {  	s0 =	simm.s32 @!p0 $0x7  }
0x88: {  	_ =	swait.ge @!p0 [sflag:s0], $0x2700  }
0x89: {  	[sflag:s0] =	ssyncset.done @!p0 $0x0  }
0x8a: {  	[sflag:s0] =	ssyncadd.s32 @!p0 $0xFFFFD900  }
0x8b: {  	_ =	sfence.sel $0x180000  }
0x8c: {  	[bflag:$0x0] =	sbarrier.arrive $0xFFFF  }
0x8d: {  	_ =	strace $0x9000004D  }
0x8e: {  	s0 =	stileid.u32;
	[bflag:$0x2] =	sbarrier.arrive $0xFFFF  }
0x8f: {  	p0 =	sne.s32 s0, $0x0;
	s0 =	rddreg [dreg:$0x2]  }
0x90: {  	s0 =	sadd.s32 @!p0 $0x100000, s0  }
0x91: {  	[sflag:s0] =	ssyncadd.tile.s32 @!p0 $0x1;
	_ =	shalt  }
.Lfunc_end2:
_tile_overlayer_lowered:
.L_overlay_start_2:
0x92: {  	(tag) =	ssettag $0x2  }
0x93: {  	s0 =	rddreg [dreg:$0x0];
	s2 =	stileid.u32  }
0x94: {  	s1 =	rddreg [dreg:$0x1];
	p0 =	sne.s32 s2, $0x0  }
0x95: {  	s3 =	rddreg [dreg:$0x2];
	[bflag:$0x3] =	sbarrier.arrive $0xFFFF;
	s2 =	simm.s32 @!p0 $0x1C07  }
0x96: {  	[timem:s3], [sflag:s2] =	dma.local @!p0 [hbm:s0], s1  }
0x97: {  	s0 =	simm.s32 @!p0 $0x7  }
0x98: {  	_ =	swait.ge @!p0 [sflag:s0], s1  }
0x99: {  	s1 =	ssub.s32 @!p0 $0x0, s1;
	[sflag:s0] =	ssyncset.done @!p0 $0x0  }
0x9a: {  	[sflag:s0] =	ssyncadd.s32 @!p0 s1  }
0x9b: {  	[bflag:$0x3] =	sbarrier.arrive $0xFFFF  }
0x9c: {  	_ =	shalt  }

// kernel: kernel.20.cloned.1.call-start
scs
__scs_entry_jumppad:
0x0: {  	(pc) =	sbr.rel $0x88, $3  }
0x1: {  	(tag) =	ssettag $0x0;
	lr =	simm.s32 $0x1  }
0x2: {  	[smem:$0x3F92] =	sst lr;
	_ =	strace $0xD0000000  }
0x3: {  	_ = 	snop  }
0x4: {  	_ = 	snop  }
0x5: {  	_ = 	snop  }
0x6: {  	_ = 	snop  }
0x7: {  	_ = 	snop  }
__scs_overlays_trampoline_lowered:
0x8: {  	[smem:$0x3FA1] =	sst s0  }
0x9: {  	[smem:$0x3FA2] =	sst s1  }
0xa: {  	[smem:$0x3FA3] =	sst s2  }
0xb: {  	[smem:$0x3FA4] =	sst s3  }
0xc: {  	[smem:$0x3FA5] =	sst s4  }
0xd: {  	[smem:$0x3FA6] =	sst s5  }
0xe: {  	[smem:$0x3FA7] =	sst s6  }
0xf: {  	[smem:$0x3FA8] =	sst s7  }
0x10: {  	[smem:$0x3FA9] =	sst s8  }
0x11: {  	[smem:$0x3FAA] =	sst s9;
	s0 =	simm.s32 @!p0 $0x0  }
0x12: {  	s1 =	sld [smem:$0x3F90];
	s0 =	simm.s32 @p0 $0x1  }
0x13: {  	[smem:$0x3FAB] =	sst s0;
	s0 =	simm.s32 @!p1 $0x0  }
0x14: {  	s2 =	sld [smem:$0x3F8F];
	s0 =	simm.s32 @p1 $0x1  }
0x15: {  	[smem:$0x3FAC] =	sst s0;
	s0 =	simm.s32 @!p2 $0x0  }
0x16: {  	s3 =	sld [smem:$0x3FDB];
	s0 =	simm.s32 @p2 $0x1  }
0x17: {  	s4 =	simm.s32 $0x1BF5;
	[smem:$0x3FAE] =	sst s0  }
0x18: {  	s0 =	sld [smem:$0x3F91];
	_ =	swait.ge [sflag:s4], $0x0  }
0x19: {  	s7 =	sld [smem:$0x3F92]  }
0x1a: {  	s8 =	sadd.s32 $0xFFFFE003, lr  }
0x1b: {  	s9 =	sadd.s32 $0xFFFFFEF7, lr;
	s5 =	simm.s32 $0xFFFFFFFF;
	p2 =	slt.u32 s8, $0xFFFFF086  }
0x1c: {  	p1 =	slt.u32 s9, $0xF7A;
	s5 =	simm.s32 @!p2 $0x0  }
0x1d: {  	s5 =	simm.s32 @p1 $0x1;
	p0 =	seq.s32 s7, s2  }
0x1e: {  	s7 =	smul.u32 @!p0 $0xF7A, s2;
	p2 =	seq.s32 @!p0 s5, $0x0  }
0x1f: {  	s9 =	smul.u32 $0xF7A, s1;
	s8 =	simm.s32 @!p0 $0x1BF5;
	p2 =	por !p2, p0  }
0x20: {  	[sflag:s8] =	ssyncset.s32 @!p0 $0xFFFFF086;
	s6 =	sadd.s32 @!p0 s3, s7;
	s7 =	simm.s32 @!p0 $0x108  }
0x21: {  	s3 =	sadd.s32 s3, s9;
	s6 =	sadd.s32 @!p0 $0x88, s6;
	s7 =	simm.s32 @p2 $0x1082  }
0x22: {  	[simem:s7], [sflag:s8] =	dma.local @!p0 [hbm:s6], $0xF7A  }
0x23: {  	s9 =	sor.u32 $0xD0000000, s2;
	s6 =	simm.s32 $0x108;
	_ =	swait.ge @!p0 [sflag:s8], $0x0  }
0x24: {  	s3 =	sadd.s32 $0x88, s3;
	s6 =	simm.s32 @!p1 $0x1082;
	[sflag:s4] =	ssyncset.s32 $0xFFFFF086  }
0x25: {  	[simem:s6], [sflag:s4] =	dma.local [hbm:s3], $0xF7A  }
0x26: {  	[smem:$0x3F92] =	sst s1;
	(tag) =	ssettag s2;
	_ =	strace s9  }
0x27: {  	s1 =	sld [smem:$0x3FA2]  }
0x28: {  	s2 =	sld [smem:$0x3FA3]  }
0x29: {  	s4 =	sld [smem:$0x3FA5]  }
0x2a: {  	p0 =	seq.s32 s5, $0x0;
	s5 =	sld [smem:$0x3FA6]  }
0x2b: {  	s6 =	sld [smem:$0x3FA7]  }
0x2c: {  	s7 =	sld [smem:$0x3FA8]  }
0x2d: {  	s3 =	simm.s32 $0x108;
	s8 =	sld [smem:$0x3FA9]  }
0x2e: {  	s3 =	simm.s32 @!p0 $0x1082;
	s9 =	sld [smem:$0x3FAA]  }
0x2f: {  	lr =	sadd.s32 s0, s3;
	s0 =	sld [smem:$0x3FA1]  }
0x30: {  	s3 =	sld [smem:$0x3FA4]  }
0x31: {  	[smem:$0x3FAD] =	sst s10  }
0x32: {  	s10 =	sld [smem:$0x3FAB];
	_ =	sdelay $0x3  }
0x33: {  	p0 =	seq.s32 s10, $0x1;
	s10 =	sld [smem:$0x3FAD];
	_ =	sdelay $0x3  }
0x34: {  	[smem:$0x3FAD] =	sst s10  }
0x35: {  	s10 =	sld [smem:$0x3FAC];
	_ =	sdelay $0x3  }
0x36: {  	p1 =	seq.s32 s10, $0x1;
	s10 =	sld [smem:$0x3FAD];
	_ =	sdelay $0x3  }
0x37: {  	[smem:$0x3FAD] =	sst s10  }
0x38: {  	s10 =	sld [smem:$0x3FAE]  }
0x39: {  	_ = 	snop;
	(pc) =	sbr.ind lr, $3  }
0x3a: {  	_ = 	snop  }
0x3b: {  	_ = 	snop  }
0x3c: {  	p2 =	seq.s32 s10, $0x1;
	s10 =	sld [smem:$0x3FAD]  }
0x3d: {  	_ =	shalt  }
0x3e: {  	_ =	shalt  }
0x3f: {  	_ =	shalt  }
0x40: {  	_ =	shalt  }
0x41: {  	_ =	shalt  }
0x42: {  	_ =	shalt  }
0x43: {  	_ =	shalt  }
0x44: {  	_ =	shalt  }
0x45: {  	_ =	shalt  }
0x46: {  	_ =	shalt  }
0x47: {  	_ =	shalt  }
0x48: {  	_ =	shalt  }
0x49: {  	_ =	shalt  }
0x4a: {  	_ =	shalt  }
0x4b: {  	_ =	shalt  }
0x4c: {  	_ =	shalt  }
0x4d: {  	_ =	shalt  }
0x4e: {  	_ =	shalt  }
0x4f: {  	_ =	shalt  }
0x50: {  	_ =	shalt  }
0x51: {  	_ =	shalt  }
0x52: {  	_ =	shalt  }
0x53: {  	_ =	shalt  }
0x54: {  	_ =	shalt  }
0x55: {  	_ =	shalt  }
0x56: {  	_ =	shalt  }
0x57: {  	_ =	shalt  }
0x58: {  	_ =	shalt  }
0x59: {  	_ =	shalt  }
0x5a: {  	_ =	shalt  }
0x5b: {  	_ =	shalt  }
0x5c: {  	_ =	shalt  }
0x5d: {  	_ =	shalt  }
0x5e: {  	_ =	shalt  }
0x5f: {  	_ =	shalt  }
0x60: {  	_ =	shalt  }
0x61: {  	_ =	shalt  }
0x62: {  	_ =	shalt  }
0x63: {  	_ =	shalt  }
0x64: {  	_ =	shalt  }
0x65: {  	_ =	shalt  }
0x66: {  	_ =	shalt  }
0x67: {  	_ =	shalt  }
0x68: {  	_ =	shalt  }
0x69: {  	_ =	shalt  }
0x6a: {  	_ =	shalt  }
0x6b: {  	_ =	shalt  }
0x6c: {  	_ =	shalt  }
0x6d: {  	_ =	shalt  }
0x6e: {  	_ =	shalt  }
0x6f: {  	_ =	shalt  }
0x70: {  	_ =	shalt  }
0x71: {  	_ =	shalt  }
0x72: {  	_ =	shalt  }
0x73: {  	_ =	shalt  }
0x74: {  	_ =	shalt  }
0x75: {  	_ =	shalt  }
0x76: {  	_ =	shalt  }
0x77: {  	_ =	shalt  }
0x78: {  	_ =	shalt  }
0x79: {  	_ =	shalt  }
0x7a: {  	_ =	shalt  }
0x7b: {  	_ =	shalt  }
0x7c: {  	_ =	shalt  }
0x7d: {  	_ =	shalt  }
0x7e: {  	_ =	shalt  }
0x7f: {  	_ =	shalt  }
0x80: {  	_ =	shalt  }
0x81: {  	_ =	shalt  }
0x82: {  	_ =	shalt  }
0x83: {  	_ =	shalt  }
0x84: {  	_ =	shalt  }
0x85: {  	_ =	shalt  }
0x86: {  	_ =	shalt  }
0x87: {  	_ =	shalt  }
.Lfunc_end0:
.L_simem_size_0:
called_computation.3_lowered:
.L_overlay_start_0:
0x88: {  	s2 =	sld [smem:$0x3FD9]  }
0x89: {  	s3 =	sld [smem:$0x3FFE];
	_ =	sdelay $0x1  }
0x8a: {  	s1 =	srdreg.scid  }
0x8b: {  	s0 =	sand.u32 $0x1, s1  }
0x8c: {  	s16 =	sshll.u32 s0, $0xA;
	s2 =	sadd.s32 s3, s2  }
0x8d: {  	s2 =	sadd.s32 s2, s16  }
0x8e: {  	[smem:$0x3FB9] =	sst s2  }
0x8f: {  	_ = 	snop  }
0x90: {  	(tm) =	ssettm $0x1  }
0x91: {  	s17 =	sld [smem:$0x3FFB];
	_ =	sdelay $0x3  }
0x92: {  	_ =	strace s17  }
0x93: {  	s2 =	sld [smem:$0x3FFC];
	_ =	sdelay $0x3  }
0x94: {  	_ =	strace s2  }
0x95: {  	s2 =	sld [smem:$0x3FFD];
	_ =	sdelay $0x3  }
0x96: {  	_ =	strace s2  }
0x97: {  	_ =	strace $0x8FFFFFFF  }
0x98: {  	s18 =	sld [smem:$0x3FDB];
	_ =	sdelay $0x1  }
0x99: {  	s19 =	simm.s32 $_scs_section_size  }
0x9a: {  	s4 =	simm.s32 $_size__tile_overlayer_lowered;
	s5 =	simm.s32 $_tile_overlayer_lowered  }
0x9b: {  	s22 =	simm.s32 $0x1BFF;
	s21 =	sshll.u32 s5, $0x1;
	s2 =	sadd.s32 s19, s18  }
0x9c: {  	s6 =	simm.s32 $0x0;
	s20 =	sshll.u32 s4, $0x1;
	s4 =	sadd.s32 s21, s2  }
0x9d: {  	[timem:s6], [sflag:s22] =	dma.local [hbm:s4], s20  }
0x9e: {  	_ =	swait.ge [sflag:s22], s20  }
0x9f: {  	s3 =	ssub.s32 $0x0, s20;
	[sflag:s22] =	ssyncset.done $0x0  }
0xa0: {  	[sflag:s22] =	ssyncadd.s32 s3;
	_ =	sdelay $0x1  }
0xa1: {  	s23 =	simm.s32 $0x1B8B  }
0xa2: {  	_ =	swait.ge [sflag:s23], $0x1  }
0xa3: {  	[sflag:s23] =	ssyncset.done $0x0  }
0xa4: {  	s25 =	simm.s32 $0x1B8E;
	s24 =	sld [smem:$0x3FFE];
	[sflag:s23] =	ssyncadd.s32 $0xFFFFFFFF  }
0xa5: {  	s26 =	simm.s32 $execute0_lowered;
	[smem:$0x3FD2] =	sst s25  }
0xa6: {  	s4 =	sshll.u32 s26, $0x1;
	_ =	strace $0x8000004F;
	[dreg:$0x1] =	wrdreg $0xFFFFFFFF  }
0xa7: {  	s28 =	simm.s32 $_size_execute0_lowered;
	s2 =	sadd.s32 s2, s4;
	[dreg:$0x0] =	wrdreg $0x0  }
0xa8: {  	s4 =	sshll.u32 s28, $0x1;
	[dreg:$0x2] =	wrdreg s2  }
0xa9: {  	[dreg:$0x3] =	wrdreg s4  }
0xaa: {  	[dreg:$0x4] =	wrdreg $0xC0  }
0xab: {  	_ =	task [dreg:s6], $0x5FFFF  }
0xac: {  	[dreg:$0x1] =	wrdreg $0xFFFFFFFF  }
0xad: {  	[dreg:$0x0] =	wrdreg $0x60  }
0xae: {  	[dreg:$0x2] =	wrdreg s24  }
0xaf: {  	[dreg:$0x3] =	wrdreg $0x9E200  }
0xb0: {  	[dreg:$0x4] =	wrdreg $0x9  }
0xb1: {  	_ =	task.clear_ibuf [dreg:s6], $0x5FFFF;
	_ =	strace $0x9000004F  }
0xb2: {  	s29 =	simm.s32 $0x9;
	_ =	strace $0x80000051  }
0xb3: {  	_ =	swait.ge [sflag:s29], $0x1  }
0xb4: {  	[sflag:s29] =	ssyncadd.s32 $0xFFFFFFFF  }
0xb5: {  	_ =	strace $0x90000051  }
0xb6: {  	_ =	sfence  }
0xb7: {  	s30 =	sld [smem:$0x0];
	_ =	sdelay $0x2  }
0xb8: {  	s31 =	sshll.u32 s1, $0xD;
	s1 =	sshrl.u32 s1, $0x2  }
0xb9: {  	s3 =	sand.u32 $0x4000, s31;
	s1 =	sadd.s32 s1, s30  }
0xba: {  	s0 =	sor.u32 s3, s0;
	s1 =	sshll.u32 s1, $0x11  }
0xbb: {  	s0 =	sor.u32 s1, s0  }
0xbc: {  	s0 =	sadd.s32 $0x8F2B, s0  }
0xbd: {  	[sflag:s0] =	ssyncadd.remote.s32 $0x1  }
0xbe: {  	_ =	sfence.sel $0xFFFF  }
0xbf: {  	[dreg:$0x0] =	wrdreg $0xFFFFFFFF;
	(pc) =	sbr.abs _section_cstart, $3  }
0xc0: {  	[dreg:$0x1] =	wrdreg $0xFFFFFFFF  }
0xc1: {  	_ =	task.clear_ibuf [dreg:s6], $0x2FFFF;
	_ =	strace $0x9FFFFFFF  }
0xc2: {  	(tm) =	ssettm $0x7FFFFFFF  }
0xc3: {  	_ =	shalt  }
tec
execute0_lowered:
.L_overlay_start_1:
0x0: {  	(tag) =	ssettag $0x1  }
0x1: {  	s0 =	rddreg [dreg:$0x0];
	s1 =	srdreg.scid  }
0x2: {  	s2 =	rddreg [dreg:$0x1];
	s15 =	stileid.u32  }
0x3: {  	s3 =	simm.s32 $0x0;
	s12 =	simm.s32 $0x9;
	s17 =	simm.s32 $0x50  }
0x4: {  	s18 =	simm.s32 $0x4E20;
	s19 =	simm.s32 $0x6220;
	s21 =	simm.s32 $0x7620  }
0x5: {  	s23 =	simm.s32 $0x8A20;
	s24 =	simm.s32 $0x1;
	s25 =	simm.s32 $0x2  }
0x6: {  	s28 =	simm.s32 $0x4;
	s29 =	simm.s32 $0x5;
	s30 =	simm.s32 $0x6  }
0x7: {  	s31 =	simm.s32 $0x7;
	s20 =	simm.s32 $0x0;
	s6 =	smul.u32 $0x4E2, s15  }
0x8: {  	s1 =	sand.u32 $0x1, s1;
	[smem:$0x7FF] =	sst s3;
	s8 =	smul.u32 $0x9C00, s15  }
0x9: {  	s4 =	sadd.s32 $0x17000, s0;
	s14 =	sadd.s32 $0x92400, s2;
	s5 =	smul.u32 $0x4E20, s1  }
0xa: {  	p0 =	seq.s32 s15, $0xF;
	s7 =	smul.u32 $0x13880, s1;
	s1 =	ssub.s32 $0x2, s1  }
0xb: {  	_ =	strace $0x80000050;
	s14 =	sshrl.u32 @p0 s14, $0x3;
	s26 =	sshrl.u32 s1, $0x1  }
0xc: {  	s13 =	sadd.s32 s8, s2;
	s6 =	sadd.s32 s6, s5;
	s5 =	sshrl.u32 s8, $0x3  }
0xd: {  	s11 =	sadd.s32 s7, s0;
	s1 =	ssub.s32 s1, s26;
	s16 =	sshrl.u32 @!p0 s13, $0x3  }
0xe: {  	s26 =	simm.s32 $0x3;
	s9 =	sadd.s32 s6, s0;
	s10 =	sadd.s32 s5, s0  }
0xf: {  	s6 =	sadd.s32 $0x3400, s9;
	s7 =	sadd.s32 $0xD200, s9;
	s8 =	sadd.s32 $0x2AA00, s10  }
0x10: {  	s9 =	sadd.s32 $0x3CE80, s0;
	s10 =	sadd.s32 $0x3E400, s11;
	s0 =	sshll.u32 @!p0 s15, $0x6  }
0x11: {  	s11 =	smax.u32 s1, $0x1;
	s15 =	sor.u32 @!p0 $0x1C09, s0;
	s0 =	simm.s32 $0x8  }
.LBB2_1:
0x12: {  	[tilespmem:s3], [sflag:$0x9] =	stream.linear.gather [hbm4b:s6+s3], $0x2710, $0x38;
	[tilespmem:$0x13A60] =	vst v63  }
0x13: {  	_ =	swait.ge [sflag:s12], $0x2710  }
0x14: {  	[sflag:s12] =	ssyncset.done $0x0  }
0x15: {  	s1 =	simm.s32 $0x2710;
	[sflag:s12] =	ssyncadd.s32 $0xFFFFD8F0  }
0x16: {  	[tilespmem:s1], [sflag:$0x9] =	stream.linear.gather [hbm4b:s7+s3], $0x2710, $0x38;
	[tilespmem:$0x13A60] =	vst v63  }
0x17: {  	_ =	swait.ge [sflag:s12], $0x2710  }
0x18: {  	[sflag:s12] =	ssyncset.done $0x0  }
0x19: {  	s1 =	simm.s32 @p0 $0x1FC9;
	[sflag:s12] =	ssyncadd.s32 $0xFFFFD8F0  }
0x1a: {  	[spmem:s14], [sflag:s1] =	dma.local @p0 [hbm:s9], $0x1400  }
0x1b: {  	s1 =	simm.s32 @p0 $0x9  }
0x1c: {  	_ =	swait.ge @p0 [sflag:s1], $0x1400  }
0x1d: {  	[sflag:s1] =	ssyncset.done @p0 $0x0  }
0x1e: {  	[sflag:s1] =	ssyncadd.s32 @p0 $0xFFFFEC00;
	s1 =	simm.s32 @!p0 $0x9  }
0x1f: {  	[spmem:s16], [sflag:s15] =	dma.local @!p0 [hbm:s8], $0x1380  }
0x20: {  	_ =	swait.ge @!p0 [sflag:s1], $0x1380  }
0x21: {  	[sflag:s1] =	ssyncset.done @!p0 $0x0  }
0x22: {  	[sflag:s1] =	ssyncadd.s32 @!p0 $0xFFFFEC80  }
0x23: {  	[bflag:$0x0] =	sbarrier.arrive $0xFFFF  }
0x24: {  	[tilespmem:s18], [sflag:$0x1] =	stream.indirect.gather [hbm4b:s4+s17], $0x40, s3, s17, $0xb8;
	[tilespmem:$0x13A60] =	vst v63  }
0x25: {  	_ = 	snop  }
0x26: {  	[tilespmem:s19], [sflag:$0x2] =	stream.indirect.gather [hbm4b:s4+s17], $0x40, s17, s17, $0xb8;
	[tilespmem:$0x13A60] =	vst v63  }
0x27: {  	s22 =	simm.s32 $0xA0  }
0x28: {  	[tilespmem:s21], [sflag:$0x3] =	stream.indirect.gather [hbm4b:s4+s17], $0x40, s22, s17, $0xb8;
	[tilespmem:$0x13A60] =	vst v63  }
0x29: {  	s13 =	simm.s32 $0xF0  }
0x2a: {  	[tilespmem:s23], [sflag:$0x4] =	stream.indirect.gather [hbm4b:s4+s17], $0x40, s13, s17, $0xb8;
	[tilespmem:$0x13A60] =	vst v63  }
0x2b: {  	_ =	swait.ge [sflag:s24], $0x1400  }
0x2c: {  	[sflag:s24] =	ssyncset.done $0x0  }
0x2d: {  	s22 =	simm.s32 $0x2710;
	[sflag:s24] =	ssyncadd.s32 $0xFFFFEC00  }
0x2e: {  	[spmem:s2] =	stream.indirect.scatter.add.f32 [tilespmem:s18], [sflag:$0x5], $0x40, s22, s17, $0xb8;
	[tilespmem:$0x13A60] =	vst v63  }
0x2f: {  	_ =	swait.ge [sflag:s25], $0x1400  }
0x30: {  	[sflag:s25] =	ssyncset.done $0x0  }
0x31: {  	s13 =	simm.s32 $0x2760;
	[sflag:s25] =	ssyncadd.s32 $0xFFFFEC00  }
0x32: {  	[spmem:s2] =	stream.indirect.scatter.add.f32 [tilespmem:s19], [sflag:$0x6], $0x40, s13, s17, $0xb8;
	[tilespmem:$0x13A60] =	vst v63  }
0x33: {  	_ =	swait.ge [sflag:s26], $0x1400  }
0x34: {  	[sflag:s26] =	ssyncset.done $0x0  }
0x35: {  	s22 =	simm.s32 $0x27B0;
	[sflag:s26] =	ssyncadd.s32 $0xFFFFEC00  }
0x36: {  	[spmem:s2] =	stream.indirect.scatter.add.f32 [tilespmem:s21], [sflag:$0x7], $0x40, s22, s17, $0xb8;
	[tilespmem:$0x13A60] =	vst v63  }
0x37: {  	_ =	swait.ge [sflag:s28], $0x1400  }
0x38: {  	[sflag:s28] =	ssyncset.done $0x0  }
0x39: {  	s13 =	simm.s32 $0x2800;
	[sflag:s28] =	ssyncadd.s32 $0xFFFFEC00  }
0x3a: {  	[spmem:s2] =	stream.indirect.scatter.add.f32 [tilespmem:s23], [sflag:$0x8], $0x40, s13, s17, $0xb8;
	[tilespmem:$0x13A60] =	vst v63  }
0x3b: {  	_ =	swait.ge [sflag:s29], $0x1400  }
0x3c: {  	[sflag:s29] =	ssyncset.done $0x0  }
0x3d: {  	s22 =	simm.s32 $0x140;
	[sflag:s29] =	ssyncadd.s32 $0xFFFFEC00  }
0x3e: {  	[tilespmem:s18], [sflag:$0x1] =	stream.indirect.gather [hbm4b:s4+s17], $0x40, s22, s17, $0xb8;
	[tilespmem:$0x13A60] =	vst v63  }
0x3f: {  	_ =	swait.ge [sflag:s30], $0x1400  }
0x40: {  	[sflag:s30] =	ssyncset.done $0x0  }
0x41: {  	s13 =	simm.s32 $0x190;
	[sflag:s30] =	ssyncadd.s32 $0xFFFFEC00  }
0x42: {  	[tilespmem:s19], [sflag:$0x2] =	stream.indirect.gather [hbm4b:s4+s17], $0x40, s13, s17, $0xb8;
	[tilespmem:$0x13A60] =	vst v63  }
0x43: {  	_ =	swait.ge [sflag:s31], $0x1400  }
0x44: {  	[sflag:s31] =	ssyncset.done $0x0  }
0x45: {  	s22 =	simm.s32 $0x1E0;
	[sflag:s31] =	ssyncadd.s32 $0xFFFFEC00  }
0x46: {  	[tilespmem:s21], [sflag:$0x3] =	stream.indirect.gather [hbm4b:s4+s17], $0x40, s22, s17, $0xb8;
	[tilespmem:$0x13A60] =	vst v63  }
0x47: {  	_ =	swait.ge [sflag:s0], $0x1400  }
0x48: {  	[sflag:s0] =	ssyncset.done $0x0  }
0x49: {  	s1 =	simm.s32 $0x230;
	s22 =	simm.s32 $0x500;
	[sflag:s0] =	ssyncadd.s32 $0xFFFFEC00  }
.LBB2_2:
0x4a: {  	[tilespmem:s23], [sflag:$0x4] =	stream.indirect.gather [hbm4b:s4+s17], $0x40, s1, s17, $0xb8;
	[tilespmem:$0x13A60] =	vst v63  }
0x4b: {  	s1 =	smov.u32 s22  }
0x4c: {  	p1 =	sne.s32 s22, $0x9100;
	s22 =	sadd.s32 $0x500, s22;
	_ =	swait.ge [sflag:s24], $0x1400  }
0x4d: {  	s1 =	sshra.s32 s1, $0x2;
	[sflag:s24] =	ssyncset.done $0x0  }
0x4e: {  	s13 =	sadd.s32 $0x2710, s1;
	[sflag:s24] =	ssyncadd.s32 $0xFFFFEC00  }
0x4f: {  	[spmem:s2] =	stream.indirect.scatter.add.f32 [tilespmem:s18], [sflag:$0x5], $0x40, s13, s17, $0xb8;
	[tilespmem:$0x13A60] =	vst v63  }
0x50: {  	_ =	swait.ge [sflag:s25], $0x1400  }
0x51: {  	[sflag:s25] =	ssyncset.done $0x0  }
0x52: {  	s13 =	sadd.s32 $0x2760, s1;
	[sflag:s25] =	ssyncadd.s32 $0xFFFFEC00  }
0x53: {  	[spmem:s2] =	stream.indirect.scatter.add.f32 [tilespmem:s19], [sflag:$0x6], $0x40, s13, s17, $0xb8;
	[tilespmem:$0x13A60] =	vst v63  }
0x54: {  	_ =	swait.ge [sflag:s26], $0x1400  }
0x55: {  	[sflag:s26] =	ssyncset.done $0x0  }
0x56: {  	s13 =	sadd.s32 $0x27B0, s1;
	[sflag:s26] =	ssyncadd.s32 $0xFFFFEC00  }
0x57: {  	[spmem:s2] =	stream.indirect.scatter.add.f32 [tilespmem:s21], [sflag:$0x7], $0x40, s13, s17, $0xb8;
	[tilespmem:$0x13A60] =	vst v63  }
0x58: {  	_ =	swait.ge [sflag:s28], $0x1400  }
0x59: {  	[sflag:s28] =	ssyncset.done $0x0  }
0x5a: {  	s13 =	sadd.s32 $0x2800, s1;
	[sflag:s28] =	ssyncadd.s32 $0xFFFFEC00  }
0x5b: {  	[spmem:s2] =	stream.indirect.scatter.add.f32 [tilespmem:s23], [sflag:$0x8], $0x40, s13, s17, $0xb8;
	[tilespmem:$0x13A60] =	vst v63  }
0x5c: {  	_ =	swait.ge [sflag:s29], $0x1400  }
0x5d: {  	[sflag:s29] =	ssyncset.done $0x0  }
0x5e: {  	s13 =	sadd.s32 $0x140, s1;
	[sflag:s29] =	ssyncadd.s32 $0xFFFFEC00  }
0x5f: {  	[tilespmem:s18], [sflag:$0x1] =	stream.indirect.gather [hbm4b:s4+s17], $0x40, s13, s17, $0xb8;
	[tilespmem:$0x13A60] =	vst v63  }
0x60: {  	_ =	swait.ge [sflag:s30], $0x1400  }
0x61: {  	[sflag:s30] =	ssyncset.done $0x0  }
0x62: {  	s13 =	sadd.s32 $0x190, s1;
	[sflag:s30] =	ssyncadd.s32 $0xFFFFEC00  }
0x63: {  	[tilespmem:s19], [sflag:$0x2] =	stream.indirect.gather [hbm4b:s4+s17], $0x40, s13, s17, $0xb8;
	[tilespmem:$0x13A60] =	vst v63  }
0x64: {  	_ =	swait.ge [sflag:s31], $0x1400  }
0x65: {  	[sflag:s31] =	ssyncset.done $0x0  }
.Ltmp0:
0x66: {  	s13 =	sadd.s32 $0x1E0, s1;
	[sflag:s31] =	ssyncadd.s32 $0xFFFFEC00;
	(pc) =	sbr.rel @p1 .LBB2_2-.Ltmp0, $4  }
0x67: {  	[tilespmem:s21], [sflag:$0x3] =	stream.indirect.gather [hbm4b:s4+s17], $0x40, s13, s17, $0xb8;
	[tilespmem:$0x13A60] =	vst v63  }
0x68: {  	_ =	swait.ge [sflag:s0], $0x1400  }
0x69: {  	[sflag:s0] =	ssyncset.done $0x0  }
0x6a: {  	s1 =	sadd.s32 $0x230, s1;
	[sflag:s0] =	ssyncadd.s32 $0xFFFFEC00  }
0x6b: {  	[tilespmem:s23], [sflag:$0x4] =	stream.indirect.gather [hbm4b:s4+s17], $0x40, s1, s17, $0xb8;
	[tilespmem:$0x13A60] =	vst v63  }
0x6c: {  	_ =	swait.ge [sflag:s24], $0x1400  }
0x6d: {  	[sflag:s24] =	ssyncset.done $0x0  }
0x6e: {  	s13 =	simm.s32 $0x4C90;
	[sflag:s24] =	ssyncadd.s32 $0xFFFFEC00  }
0x6f: {  	[spmem:s2] =	stream.indirect.scatter.add.f32 [tilespmem:s18], [sflag:$0x5], $0x40, s13, s17, $0xb8;
	[tilespmem:$0x13A60] =	vst v63  }
0x70: {  	_ =	swait.ge [sflag:s25], $0x1400  }
0x71: {  	[sflag:s25] =	ssyncset.done $0x0  }
0x72: {  	s22 =	simm.s32 $0x4CE0;
	[sflag:s25] =	ssyncadd.s32 $0xFFFFEC00  }
0x73: {  	[spmem:s2] =	stream.indirect.scatter.add.f32 [tilespmem:s19], [sflag:$0x6], $0x40, s22, s17, $0xb8;
	[tilespmem:$0x13A60] =	vst v63  }
0x74: {  	_ =	swait.ge [sflag:s26], $0x1400  }
0x75: {  	[sflag:s26] =	ssyncset.done $0x0  }
0x76: {  	s13 =	simm.s32 $0x4D30;
	[sflag:s26] =	ssyncadd.s32 $0xFFFFEC00  }
0x77: {  	[spmem:s2] =	stream.indirect.scatter.add.f32 [tilespmem:s21], [sflag:$0x7], $0x40, s13, s17, $0xb8;
	[tilespmem:$0x13A60] =	vst v63  }
0x78: {  	_ =	swait.ge [sflag:s28], $0x1400  }
0x79: {  	[sflag:s28] =	ssyncset.done $0x0  }
0x7a: {  	s22 =	simm.s32 $0x4D80;
	[sflag:s28] =	ssyncadd.s32 $0xFFFFEC00  }
0x7b: {  	[spmem:s2] =	stream.indirect.scatter.add.f32 [tilespmem:s23], [sflag:$0x8], $0x40, s22, s17, $0xb8;
	[tilespmem:$0x13A60] =	vst v63  }
0x7c: {  	_ =	swait.ge [sflag:s29], $0x1400  }
0x7d: {  	[sflag:s29] =	ssyncset.done $0x0  }
0x7e: {  	s13 =	simm.s32 $0x26C0;
	[sflag:s29] =	ssyncadd.s32 $0xFFFFEC00  }
0x7f: {  	[tilespmem:s18], [sflag:$0x1] =	stream.indirect.gather [hbm4b:s4+s17], $0x40, s13, s17, $0xb8;
	[tilespmem:$0x13A60] =	vst v63  }
0x80: {  	_ =	swait.ge [sflag:s24], $0x1400  }
0x81: {  	[sflag:s24] =	ssyncset.done $0x0  }
0x82: {  	s22 =	simm.s32 $0x4DD0;
	[sflag:s24] =	ssyncadd.s32 $0xFFFFEC00  }
0x83: {  	[spmem:s2] =	stream.indirect.scatter.add.f32 [tilespmem:s18], [sflag:$0x5], $0x40, s22, s17, $0xb8;
	[tilespmem:$0x13A60] =	vst v63  }
0x84: {  	_ =	swait.ge [sflag:s29], $0x1400  }
0x85: {  	[sflag:s29] =	ssyncset.done $0x0  }
0x86: {  	[sflag:s29] =	ssyncadd.s32 $0xFFFFEC00  }
0x87: {  	_ =	swait.ge [sflag:s30], $0x1400  }
0x88: {  	[sflag:s30] =	ssyncset.done $0x0  }
0x89: {  	[sflag:s30] =	ssyncadd.s32 $0xFFFFEC00  }
0x8a: {  	_ =	swait.ge [sflag:s31], $0x1400  }
0x8b: {  	[sflag:s31] =	ssyncset.done $0x0  }
0x8c: {  	[sflag:s31] =	ssyncadd.s32 $0xFFFFEC00  }
0x8d: {  	_ =	swait.ge [sflag:s0], $0x1400  }
0x8e: {  	[sflag:s0] =	ssyncset.done $0x0  }
0x8f: {  	[sflag:s0] =	ssyncadd.s32 $0xFFFFEC00  }
0x90: {  	s1 =	sadd.s32 @p0 $0x12480, s10;
	s13 =	simm.s32 @p0 $0x1FC9;
	[bflag:$0x0] =	sbarrier.arrive $0xFFFF  }
0x91: {  	[hbm:s1], [sflag:s13] =	dma.local @p0 [spmem:s14], $0x1400  }
0x92: {  	s1 =	simm.s32 @p0 $0x9  }
0x93: {  	_ =	swait.ge @p0 [sflag:s1], $0x1400  }
0x94: {  	s20 =	sadd.s32 $0x1, s20;
	[sflag:s1] =	ssyncset.done @p0 $0x0  }
0x95: {  	p1 =	sne.s32 s20, s11;
	[sflag:s1] =	ssyncadd.s32 @p0 $0xFFFFEC00;
	s1 =	sadd.s32 @!p0 s5, s10  }
0x96: {  	[hbm:s1], [sflag:s15] =	dma.local @!p0 [spmem:s16], $0x1380  }
.Ltmp1:
0x97: {  	_ = 	snop;
	(pc) =	sbr.rel @p1 .LBB2_1-.Ltmp1, $4  }
0x98: {  	s1 =	simm.s32 @!p0 $0x9  }
0x99: {  	_ =	swait.ge @!p0 [sflag:s1], $0x1380  }
0x9a: {  	[sflag:s1] =	ssyncset.done @!p0 $0x0  }
0x9b: {  	[sflag:s1] =	ssyncadd.s32 @!p0 $0xFFFFEC80  }
0x9c: {  	_ =	sfence.sel $0x180000  }
0x9d: {  	[bflag:$0x0] =	sbarrier.arrive $0xFFFF  }
0x9e: {  	_ =	strace $0x90000050  }
0x9f: {  	s0 =	stileid.u32;
	[bflag:$0x2] =	sbarrier.arrive $0xFFFF  }
0xa0: {  	p0 =	sne.s32 s0, $0x0;
	s0 =	rddreg [dreg:$0x2]  }
0xa1: {  	s0 =	sadd.s32 @!p0 $0x100000, s0  }
0xa2: {  	[sflag:s0] =	ssyncadd.tile.s32 @!p0 $0x1;
	_ =	shalt  }
.Lfunc_end2:
_tile_overlayer_lowered:
.L_overlay_start_2:
0xa3: {  	(tag) =	ssettag $0x2  }
0xa4: {  	s0 =	rddreg [dreg:$0x0];
	s2 =	stileid.u32  }
0xa5: {  	s1 =	rddreg [dreg:$0x1];
	p0 =	sne.s32 s2, $0x0  }
0xa6: {  	s3 =	rddreg [dreg:$0x2];
	[bflag:$0x3] =	sbarrier.arrive $0xFFFF;
	s2 =	simm.s32 @!p0 $0x1C09  }
0xa7: {  	[timem:s3], [sflag:s2] =	dma.local @!p0 [hbm:s0], s1  }
0xa8: {  	s0 =	simm.s32 @!p0 $0x9  }
0xa9: {  	_ =	swait.ge @!p0 [sflag:s0], s1  }
0xaa: {  	s1 =	ssub.s32 @!p0 $0x0, s1;
	[sflag:s0] =	ssyncset.done @!p0 $0x0  }
0xab: {  	[sflag:s0] =	ssyncadd.s32 @!p0 s1  }
0xac: {  	[bflag:$0x3] =	sbarrier.arrive $0xFFFF  }
0xad: {  	_ =	shalt  }

</sc_bundles>
